<compile_context>
chip_gen: v7x
topology: tpu7x:2x2x1
jax: 0.10.2.dev20260603
libtpu: 0.0.44.dev20260713+nightly
codegen_flags: <defaults>
</compile_context>

<pallas_src>
import jax
import jax.numpy as jnp
from jax import lax
from jax.experimental import pallas as pl
from jax.experimental.pallas import tpu as pltpu
from jax.experimental.pallas import tpu_sc as plsc

NC = 2
NS = 16
L = 16
C = 128
G = 40
NBUF = 4
NB2 = 2
IB = 40


def _mesh():
  return plsc.VectorSubcoreMesh(
      core_axis_name="c", subcore_axis_name="s", num_cores=NC,
      num_subcores=NS)


def _deg_kernel(dst_n, dst_f, N):
  n_chunks = dst_n.shape[0]
  cps = n_chunks // NS
  M = cps // NBUF
  NP = N + 128

  def body(dn_hbm, df_hbm, outn_hbm, outf_hbm, ones_v, idx_v, zero_v,
           acc_sh):
    c = lax.axis_index("c")
    s = lax.axis_index("s")

    for j in range(C // L):
      ones_v[pl.ds(j * L, L)] = jnp.ones((L,), jnp.float32)

    @pl.when(s == 0)
    def _():
      def zfill(i, carry):
        zero_v[pl.ds(i * L, L)] = jnp.zeros((L,), jnp.float32)
        return carry
      lax.fori_loop(0, NP // L, zfill, 0)
      pltpu.sync_copy(zero_v, acc_sh)

    plsc.subcore_barrier()

    def run(dst_ref):
      pltpu.sync_copy(dst_ref.at[pl.ds(s * cps, cps), :], idx_v)

      def step(t, carry):
        pltpu.sync_copy(ones_v, acc_sh.at[idx_v.at[t]], add=True)
        return carry

      lax.fori_loop(0, cps, step, 0)

    @pl.when(c == 0)
    def _():
      run(dn_hbm)

    @pl.when(c == 1)
    def _():
      run(df_hbm)

    plsc.subcore_barrier()

    @pl.when((s == 0) & (c == 0))
    def _():
      pltpu.sync_copy(acc_sh, outn_hbm)

    @pl.when((s == 0) & (c == 1))
    def _():
      pltpu.sync_copy(acc_sh, outf_hbm)

  f = pl.kernel(
      body,
      out_type=[
          jax.ShapeDtypeStruct((NP,), jnp.float32),
          jax.ShapeDtypeStruct((NP,), jnp.float32),
      ],
      mesh=_mesh(),
      scratch_types=[
          pltpu.VMEM((C,), jnp.float32),
          pltpu.VMEM((cps, C), jnp.int32),
          pltpu.VMEM((NP,), jnp.float32),
          pltpu.VMEM_SHARED((NP,), jnp.float32),
      ],
  )
  return f(dst_n, dst_f)


def _agg_kernel(h, src_n, dst_n, src_f, dst_f):
  N, D = h.shape
  n_chunks = src_n.shape[0] // C
  n_groups = N // G

  def body(h_hbm, sn_hbm, dn_hbm, sf_hbm, df_hbm, out_hbm, idx_s, idx_d,
           idx_s2, idx_d2, rows_v, zero_v, sem, sem_i, acc_sh):
    c = lax.axis_index("c")
    s = lax.axis_index("s")

    def zfill(i, carry):
      for j in range(D // L):
        zero_v[i, pl.ds(j * L, L)] = jnp.zeros((L,), jnp.float32)
      return carry
    lax.fori_loop(0, G, zfill, 0)

    ngr = n_groups // NS + jnp.where(s < n_groups % NS, 1, 0)

    def zgroup(t, carry):
      gid = s + t * NS
      pltpu.sync_copy(zero_v, acc_sh.at[pl.ds(gid * G, G), :])
      return carry
    lax.fori_loop(0, ngr, zgroup, 0)

    plsc.subcore_barrier()

    nch = n_chunks // NS + jnp.where(s < n_chunks % NS, 1, 0)

    def run(src_ref, dst_ref):
      def fire_idx(t, iss, idd):
        cid = s + t * NS
        pltpu.async_copy(src_ref.at[pl.ds(cid * C, C)], iss, sem_i)
        pltpu.async_copy(dst_ref.at[pl.ds(cid * C, C)], idd, sem_i)

      def wait_idx(iss, idd):
        pltpu.make_async_copy(src_ref.at[pl.ds(0, C)], iss, sem_i).wait()
        pltpu.make_async_copy(dst_ref.at[pl.ds(0, C)], idd, sem_i).wait()

      def work(iss, idd):
        pltpu.async_copy(h_hbm.at[iss], rows_v, sem).wait()
        pltpu.sync_copy(rows_v, acc_sh.at[idd], add=True)

      fire_idx(0, idx_s, idx_d)

      def pair(m, carry):
        t = 2 * m
        wait_idx(idx_s, idx_d)
        fire_idx(t + 1, idx_s2, idx_d2)
        work(idx_s, idx_d)
        wait_idx(idx_s2, idx_d2)

        @pl.when(t + 2 < nch)
        def _():
          fire_idx(t + 2, idx_s, idx_d)
        work(idx_s2, idx_d2)
        return carry

      lax.fori_loop(0, n_chunks // NS // 2, pair, 0)

      @pl.when(nch % 2 == 1)
      def _():
        wait_idx(idx_s, idx_d)
        work(idx_s, idx_d)

    @pl.when(c == 0)
    def _():
      run(sn_hbm, dn_hbm)

    @pl.when(c == 1)
    def _():
      run(sf_hbm, df_hbm)

    plsc.subcore_barrier()

    def wgroup(t, carry):
      gid = s + t * NS
      pltpu.sync_copy(acc_sh.at[pl.ds(gid * G, G), :],
                      out_hbm.at[c, pl.ds(gid * G, G), :])
      return carry
    lax.fori_loop(0, ngr, wgroup, 0)

  f = pl.kernel(
      body,
      out_type=jax.ShapeDtypeStruct((NC, N, D), jnp.float32),
      mesh=_mesh(),
      scratch_types=[
          pltpu.VMEM((C,), jnp.int32),
          pltpu.VMEM((C,), jnp.int32),
          pltpu.VMEM((C,), jnp.int32),
          pltpu.VMEM((C,), jnp.int32),
          pltpu.VMEM((C, D), jnp.float32),
          pltpu.VMEM((G, D), jnp.float32),
          pltpu.SemaphoreType.DMA,
          pltpu.SemaphoreType.DMA,
          pltpu.VMEM_SHARED((N, D), jnp.float32),
      ],
  )
  return f(h, src_n, dst_n, src_f, dst_f)


def _conv_tc(acc, deg_n, deg_f, Wn, bn, Wf, bf):
  _, N, D = acc.shape
  R = 1000
  grid = (N // R,)

  def body(acc_ref, dn_ref, df_ref, wn_ref, bn_ref, wf_ref, bf_ref, o_ref):
    an = acc_ref[0]
    af = acc_ref[1]
    dn = jnp.clip(dn_ref[...], 1.0, None)
    df = jnp.clip(df_ref[...], 1.0, None)
    hn = jnp.maximum(
        jnp.dot(an / dn, wn_ref[...], preferred_element_type=jnp.float32)
        + bn_ref[...], 0.0)
    hf = jnp.maximum(
        jnp.dot(af / df, wf_ref[...], preferred_element_type=jnp.float32)
        + bf_ref[...], 0.0)
    o_ref[...] = (hn + hf) * 0.5

  return pl.pallas_call(
      body,
      grid=grid,
      in_specs=[
          pl.BlockSpec((2, R, D), lambda i: (0, i, 0)),
          pl.BlockSpec((R, 1), lambda i: (i, 0)),
          pl.BlockSpec((R, 1), lambda i: (i, 0)),
          pl.BlockSpec((D, D), lambda i: (0, 0)),
          pl.BlockSpec((1, D), lambda i: (0, 0)),
          pl.BlockSpec((D, D), lambda i: (0, 0)),
          pl.BlockSpec((1, D), lambda i: (0, 0)),
      ],
      out_specs=pl.BlockSpec((R, D), lambda i: (i, 0)),
      out_shape=jax.ShapeDtypeStruct((N, D), jnp.float32),
  )(acc, deg_n, deg_f, Wn, bn, Wf, bf)


def _conv_cls_tc(acc, deg_n, deg_f, Wn, bn, Wf, bf, Wc1, bc1, Wc2, bc2):
  _, N, D = acc.shape
  H = Wc1.shape[1]
  O = Wc2.shape[1]
  R = 1000
  grid = (N // R,)

  def body(acc_ref, dn_ref, df_ref, wn_ref, bn_ref, wf_ref, bf_ref,
           wc1_ref, bc1_ref, wc2_ref, bc2_ref, o_ref):
    an = acc_ref[0]
    af = acc_ref[1]
    dn = jnp.clip(dn_ref[...], 1.0, None)
    df = jnp.clip(df_ref[...], 1.0, None)
    hn = jnp.maximum(
        jnp.dot(an / dn, wn_ref[...], preferred_element_type=jnp.float32)
        + bn_ref[...], 0.0)
    hf = jnp.maximum(
        jnp.dot(af / df, wf_ref[...], preferred_element_type=jnp.float32)
        + bf_ref[...], 0.0)
    h = (hn + hf) * 0.5
    t = jnp.dot(h, wc1_ref[...], preferred_element_type=jnp.float32) \
        + bc1_ref[...]
    o_ref[...] = jnp.dot(t, wc2_ref[...],
                         preferred_element_type=jnp.float32) + bc2_ref[...]

  return pl.pallas_call(
      body,
      grid=grid,
      in_specs=[
          pl.BlockSpec((2, R, D), lambda i: (0, i, 0)),
          pl.BlockSpec((R, 1), lambda i: (i, 0)),
          pl.BlockSpec((R, 1), lambda i: (i, 0)),
          pl.BlockSpec((D, D), lambda i: (0, 0)),
          pl.BlockSpec((1, D), lambda i: (0, 0)),
          pl.BlockSpec((D, D), lambda i: (0, 0)),
          pl.BlockSpec((1, D), lambda i: (0, 0)),
          pl.BlockSpec((D, H), lambda i: (0, 0)),
          pl.BlockSpec((1, H), lambda i: (0, 0)),
          pl.BlockSpec((H, O), lambda i: (0, 0)),
          pl.BlockSpec((1, O), lambda i: (0, 0)),
      ],
      out_specs=pl.BlockSpec((R, O), lambda i: (i, 0)),
      out_shape=jax.ShapeDtypeStruct((N, O), jnp.float32),
  )(acc, deg_n, deg_f, Wn, bn, Wf, bf, Wc1, bc1, Wc2, bc2)


def _pad_edges(src, dst, N):
  E = src.shape[0]
  quantum = NS * C * NBUF
  Ep = ((E + quantum - 1) // quantum) * quantum
  pad = Ep - E
  if pad:
    src = jnp.concatenate([src, jnp.zeros((pad,), jnp.int32)])
    dst = jnp.concatenate(
        [dst, N + (jnp.arange(pad, dtype=jnp.int32) % 128)])
  return src.reshape(Ep // C, C), dst.reshape(Ep // C, C)


def kernel(x, edge_index_near, edge_index_far,
           W0_near, b0_near, W0_far, b0_far,
           W1_near, b1_near, W1_far, b1_far,
           Wc1, bc1, Wc2, bc2):
  N = x.shape[0]
  _, dn2 = _pad_edges(edge_index_near[0], edge_index_near[1], N)
  _, df2 = _pad_edges(edge_index_far[0], edge_index_far[1], N)

  deg_n, deg_f = _deg_kernel(dn2, df2, N)
  deg_n = deg_n[:N].reshape(N, 1)
  deg_f = deg_f[:N].reshape(N, 1)

  b0n = b0_near.reshape(1, -1)
  b0f = b0_far.reshape(1, -1)
  b1n = b1_near.reshape(1, -1)
  b1f = b1_far.reshape(1, -1)
  bc1r = bc1.reshape(1, -1)
  bc2r = bc2.reshape(1, -1)

  sn1, dn1 = edge_index_near[0], edge_index_near[1]
  sf1, df1 = edge_index_far[0], edge_index_far[1]
  acc0 = _agg_kernel(x, sn1, dn1, sf1, df1)
  h1 = _conv_tc(acc0, deg_n, deg_f, W0_near, b0n, W0_far, b0f)
  acc1 = _agg_kernel(h1, sn1, dn1, sf1, df1)
  out = _conv_cls_tc(acc1, deg_n, deg_f, W1_near, b1n, W1_far, b1f,
                     Wc1, bc1r, Wc2, bc2r)
  return out

# --- scband reference (transcript-rebuilt; emitter-appended) ---
"""Pipeline reference for scband-ball-convolution-66116726554757 (READ-ONLY COPY).

The authoritative reference and input builder live on the scoring server;
editing this copy changes nothing except your own understanding.
"""

import jax, jax.numpy as jnp
import numpy as np

N = 10000
D = 128
E = 160000
H = 256
O = 64


def setup_inputs(seed: int = 0) -> dict:
    key = jax.random.key(seed)
    ks = jax.random.split(key, 20)
    inp = {}
    inp["x"] = jax.random.normal(ks[0], (N, D), dtype=jnp.float32)
    inp["edge_index_near"] = jax.random.randint(ks[1], (2, E), 0, N, dtype=jnp.int32)
    inp["edge_index_far"] = jax.random.randint(ks[2], (2, E), 0, N, dtype=jnp.int32)
    s = 1.0 / np.sqrt(D)
    # GraphConv weights: 2 conv layers x 2 etypes, each [D, D] + bias [D]
    inp["W0_near"] = jax.random.uniform(ks[3], (D, D), jnp.float32, -s, s)
    inp["b0_near"] = jnp.zeros((D,), jnp.float32)
    inp["W0_far"] = jax.random.uniform(ks[4], (D, D), jnp.float32, -s, s)
    inp["b0_far"] = jnp.zeros((D,), jnp.float32)
    inp["W1_near"] = jax.random.uniform(ks[5], (D, D), jnp.float32, -s, s)
    inp["b1_near"] = jnp.zeros((D,), jnp.float32)
    inp["W1_far"] = jax.random.uniform(ks[6], (D, D), jnp.float32, -s, s)
    inp["b1_far"] = jnp.zeros((D,), jnp.float32)
    # classifier Linear layers (stored [in, out] for h @ W + b)
    inp["Wc1"] = jax.random.uniform(ks[7], (D, H), jnp.float32, -s, s)
    inp["bc1"] = jax.random.uniform(ks[8], (H,), jnp.float32, -s, s)
    sh = 1.0 / np.sqrt(H)
    inp["Wc2"] = jax.random.uniform(ks[9], (H, O), jnp.float32, -sh, sh)
    inp["bc2"] = jax.random.uniform(ks[10], (O,), jnp.float32, -sh, sh)
    return inp


def _graph_conv(h, src, dst, W, b):
    # DGL GraphConv with norm='right': sum messages into dst, divide by in-degree,
    # then linear transform + bias + relu activation.
    deg = jnp.zeros((N,), jnp.float32).at[dst].add(1.0)
    agg = jnp.zeros((N, h.shape[1]), h.dtype).at[dst].add(h[src])
    agg = agg / jnp.clip(deg, 1.0, None)[:, None]
    return jax.nn.relu(agg @ W + b)


def reference(x, edge_index_near, edge_index_far,
              W0_near, b0_near, W0_far, b0_far,
              W1_near, b1_near, W1_far, b1_far,
              Wc1, bc1, Wc2, bc2):
    sn, dn = edge_index_near[0], edge_index_near[1]
    sf, df = edge_index_far[0], edge_index_far[1]
    h = x
    # conv layer 0: HeteroGraphConv with aggregate='mean' over etypes
    h_near = _graph_conv(h, sn, dn, W0_near, b0_near)
    h_far = _graph_conv(h, sf, df, W0_far, b0_far)
    h = (h_near + h_far) / 2.0
    # conv layer 1
    h_near = _graph_conv(h, sn, dn, W1_near, b1_near)
    h_far = _graph_conv(h, sf, df, W1_far, b1_far)
    h = (h_near + h_far) / 2.0
    # classifier (dropout treated as identity for deterministic reference)
    h = h @ Wc1 + bc1
    h = h @ Wc2 + bc2
    return h


if False:  # reference __main__ guard neutralized (emitter)
    out = reference(**setup_inputs())
    print(out.shape, out.dtype)

if __name__ == "__main__":
    import jax
    _d = setup_inputs()
    print(jax.jit(kernel)(*tuple(_d.values())))

</pallas_src>

<mosaic_0001>
#map = affine_map<(d0, d1) -> (0, 0)>
#map1 = affine_map<(d0, d1) -> (0)>
#map2 = affine_map<(d0, d1) -> (0, 0, 0)>
module attributes {stable_mosaic.version = 14 : i64} {
  func.func @body(%arg0: i32, %arg1: i32, %arg2: memref<10000x128xf32, #tpu.memory_space<hbm>>, %arg3: memref<160000xi32, #tpu.memory_space<hbm>>, %arg4: memref<160000xi32, #tpu.memory_space<hbm>>, %arg5: memref<160000xi32, #tpu.memory_space<hbm>>, %arg6: memref<160000xi32, #tpu.memory_space<hbm>>, %arg7: memref<2x10000x128xf32, #tpu.memory_space<hbm>>, %arg8: memref<128xi32, #tpu.memory_space<vmem>>, %arg9: memref<128xi32, #tpu.memory_space<vmem>>, %arg10: memref<128xi32, #tpu.memory_space<vmem>>, %arg11: memref<128xi32, #tpu.memory_space<vmem>>, %arg12: memref<128x128xf32, #tpu.memory_space<vmem>>, %arg13: memref<40x128xf32, #tpu.memory_space<vmem>>, %arg14: memref<!tpu.dma_semaphore, #tpu.memory_space<semaphore_mem>>, %arg15: memref<!tpu.dma_semaphore, #tpu.memory_space<semaphore_mem>>, %arg16: memref<10000x128xf32, #tpu.memory_space<vmem_shared>>) attributes {dimension_semantics = [#tpu.dimension_semantics<core_parallel>, #tpu.dimension_semantics<subcore_parallel>], iteration_bounds = array<i64: 2, 16>, scalar_prefetch = 0 : i64, scratch_operands = 9 : i64, tpu.core_type = #tpu.core_type<sc_vector_subcore>, window_params = [{transform_indices = #map}, {transform_indices = #map1}, {transform_indices = #map1}, {transform_indices = #map1}, {transform_indices = #map1}, {transform_indices = #map2}]} {
    %scan3A = arith.constant 0 : i32
    %scan3A_0 = arith.constant 0 : i32
    %scan3A_1 = arith.constant 40 : i32
    %scan3A_2 = arith.addi %scan3A_0, %scan3A_1 : i32
    %scan3A_3 = arith.constant 1 : i32
    scf.for %scan3A_42 = %scan3A_0 to %scan3A_2 step %scan3A_3  : i32 {
      %broadcast_in_dim3A = arith.constant 0.000000e+00 : f32
      %broadcast_in_dim3A_43 = vector.broadcast %broadcast_in_dim3A : f32 to vector<16xf32>
      %swap3A = arith.index_cast %scan3A_42 : i32 to index
      %swap3A_44 = arith.constant 0 : index
      %swap3A_45 = tpu.vector_load %arg13[%swap3A, %swap3A_44] {strides = array<i32>} : memref<40x128xf32, #tpu.memory_space<vmem>>, vector<1x16xf32>,
      %swap3A_46 = vector.shape_cast %swap3A_45 : vector<1x16xf32> to vector<16xf32>
      %swap3A_47 = vector.shape_cast %broadcast_in_dim3A_43 : vector<16xf32> to vector<1x16xf32>
      tpu.vector_store %arg13[%swap3A, %swap3A_44], %swap3A_47 {strides = array<i32>} : memref<40x128xf32, #tpu.memory_space<vmem>>, vector<1x16xf32>,
      %broadcast_in_dim3A_48 = arith.constant 0.000000e+00 : f32
      %broadcast_in_dim3A_49 = vector.broadcast %broadcast_in_dim3A_48 : f32 to vector<16xf32>
      %swap3A_50 = arith.index_cast %scan3A_42 : i32 to index
      %swap3A_51 = arith.constant 16 : index
      %swap3A_52 = tpu.vector_load %arg13[%swap3A_50, %swap3A_51] {strides = array<i32>} : memref<40x128xf32, #tpu.memory_space<vmem>>, vector<1x16xf32>,
      %swap3A_53 = vector.shape_cast %swap3A_52 : vector<1x16xf32> to vector<16xf32>
      %swap3A_54 = vector.shape_cast %broadcast_in_dim3A_49 : vector<16xf32> to vector<1x16xf32>
      tpu.vector_store %arg13[%swap3A_50, %swap3A_51], %swap3A_54 {strides = array<i32>} : memref<40x128xf32, #tpu.memory_space<vmem>>, vector<1x16xf32>,
      %broadcast_in_dim3A_55 = arith.constant 0.000000e+00 : f32
      %broadcast_in_dim3A_56 = vector.broadcast %broadcast_in_dim3A_55 : f32 to vector<16xf32>
      %swap3A_57 = arith.index_cast %scan3A_42 : i32 to index
      %swap3A_58 = arith.constant 32 : index
      %swap3A_59 = tpu.vector_load %arg13[%swap3A_57, %swap3A_58] {strides = array<i32>} : memref<40x128xf32, #tpu.memory_space<vmem>>, vector<1x16xf32>,
      %swap3A_60 = vector.shape_cast %swap3A_59 : vector<1x16xf32> to vector<16xf32>
      %swap3A_61 = vector.shape_cast %broadcast_in_dim3A_56 : vector<16xf32> to vector<1x16xf32>
      tpu.vector_store %arg13[%swap3A_57, %swap3A_58], %swap3A_61 {strides = array<i32>} : memref<40x128xf32, #tpu.memory_space<vmem>>, vector<1x16xf32>,
      %broadcast_in_dim3A_62 = arith.constant 0.000000e+00 : f32
      %broadcast_in_dim3A_63 = vector.broadcast %broadcast_in_dim3A_62 : f32 to vector<16xf32>
      %swap3A_64 = arith.index_cast %scan3A_42 : i32 to index
      %swap3A_65 = arith.constant 48 : index
      %swap3A_66 = tpu.vector_load %arg13[%swap3A_64, %swap3A_65] {strides = array<i32>} : memref<40x128xf32, #tpu.memory_space<vmem>>, vector<1x16xf32>,
      %swap3A_67 = vector.shape_cast %swap3A_66 : vector<1x16xf32> to vector<16xf32>
      %swap3A_68 = vector.shape_cast %broadcast_in_dim3A_63 : vector<16xf32> to vector<1x16xf32>
      tpu.vector_store %arg13[%swap3A_64, %swap3A_65], %swap3A_68 {strides = array<i32>} : memref<40x128xf32, #tpu.memory_space<vmem>>, vector<1x16xf32>,
      %broadcast_in_dim3A_69 = arith.constant 0.000000e+00 : f32
      %broadcast_in_dim3A_70 = vector.broadcast %broadcast_in_dim3A_69 : f32 to vector<16xf32>
      %swap3A_71 = arith.index_cast %scan3A_42 : i32 to index
      %swap3A_72 = arith.constant 64 : index
      %swap3A_73 = tpu.vector_load %arg13[%swap3A_71, %swap3A_72] {strides = array<i32>} : memref<40x128xf32, #tpu.memory_space<vmem>>, vector<1x16xf32>,
      %swap3A_74 = vector.shape_cast %swap3A_73 : vector<1x16xf32> to vector<16xf32>
      %swap3A_75 = vector.shape_cast %broadcast_in_dim3A_70 : vector<16xf32> to vector<1x16xf32>
      tpu.vector_store %arg13[%swap3A_71, %swap3A_72], %swap3A_75 {strides = array<i32>} : memref<40x128xf32, #tpu.memory_space<vmem>>, vector<1x16xf32>,
      %broadcast_in_dim3A_76 = arith.constant 0.000000e+00 : f32
      %broadcast_in_dim3A_77 = vector.broadcast %broadcast_in_dim3A_76 : f32 to vector<16xf32>
      %swap3A_78 = arith.index_cast %scan3A_42 : i32 to index
      %swap3A_79 = arith.constant 80 : index
      %swap3A_80 = tpu.vector_load %arg13[%swap3A_78, %swap3A_79] {strides = array<i32>} : memref<40x128xf32, #tpu.memory_space<vmem>>, vector<1x16xf32>,
      %swap3A_81 = vector.shape_cast %swap3A_80 : vector<1x16xf32> to vector<16xf32>
      %swap3A_82 = vector.shape_cast %broadcast_in_dim3A_77 : vector<16xf32> to vector<1x16xf32>
      tpu.vector_store %arg13[%swap3A_78, %swap3A_79], %swap3A_82 {strides = array<i32>} : memref<40x128xf32, #tpu.memory_space<vmem>>, vector<1x16xf32>,
      %broadcast_in_dim3A_83 = arith.constant 0.000000e+00 : f32
      %broadcast_in_dim3A_84 = vector.broadcast %broadcast_in_dim3A_83 : f32 to vector<16xf32>
      %swap3A_85 = arith.index_cast %scan3A_42 : i32 to index
      %swap3A_86 = arith.constant 96 : index
      %swap3A_87 = tpu.vector_load %arg13[%swap3A_85, %swap3A_86] {strides = array<i32>} : memref<40x128xf32, #tpu.memory_space<vmem>>, vector<1x16xf32>,
      %swap3A_88 = vector.shape_cast %swap3A_87 : vector<1x16xf32> to vector<16xf32>
      %swap3A_89 = vector.shape_cast %broadcast_in_dim3A_84 : vector<16xf32> to vector<1x16xf32>
      tpu.vector_store %arg13[%swap3A_85, %swap3A_86], %swap3A_89 {strides = array<i32>} : memref<40x128xf32, #tpu.memory_space<vmem>>, vector<1x16xf32>,
      %broadcast_in_dim3A_90 = arith.constant 0.000000e+00 : f32
      %broadcast_in_dim3A_91 = vector.broadcast %broadcast_in_dim3A_90 : f32 to vector<16xf32>
      %swap3A_92 = arith.index_cast %scan3A_42 : i32 to index
      %swap3A_93 = arith.constant 112 : index
      %swap3A_94 = tpu.vector_load %arg13[%swap3A_92, %swap3A_93] {strides = array<i32>} : memref<40x128xf32, #tpu.memory_space<vmem>>, vector<1x16xf32>,
      %swap3A_95 = vector.shape_cast %swap3A_94 : vector<1x16xf32> to vector<16xf32>
      %swap3A_96 = vector.shape_cast %broadcast_in_dim3A_91 : vector<16xf32> to vector<1x16xf32>
      tpu.vector_store %arg13[%swap3A_92, %swap3A_93], %swap3A_96 {strides = array<i32>} : memref<40x128xf32, #tpu.memory_space<vmem>>, vector<1x16xf32>,
    }
    %scan3A_4 = arith.constant 40 : i32
    %lt3A = arith.constant 10 : i32
    %lt3A_5 = arith.cmpi slt, %arg1, %lt3A : i32
    %jit3A = arith.constant 1 : i32
    %jit3A_6 = arith.constant 0 : i32
    %select_n3A = arith.select %lt3A_5, %jit3A, %jit3A_6 : i32
    %add3A = arith.constant 15 : i32
    %add3A_7 = arith.addi %add3A, %select_n3A : i32
    %while3A = arith.constant 0 : i32
    %while3A_8 = arith.constant 0 : i32
    %while3A_9 = arith.subi %add3A_7, %while3A_8 : i32
    %while3A_10 = arith.addi %while3A_8, %while3A_9 : i32
    %while3A_11 = arith.constant 1 : i32
    %while3A_12 = arith.divsi %while3A_9, %while3A_11 : i32
    %while3A_13 = arith.muli %while3A_12, %while3A_11 : i32
    %while3A_14 = arith.addi %while3A_8, %while3A_13 : i32
    %while3A_15 = arith.constant 1 : i32
    scf.for %while3A_42 = %while3A_8 to %while3A_14 step %while3A_15  : i32 {
      %mul3A = arith.constant 16 : i32
      %mul3A_43 = arith.muli %while3A_42, %mul3A : i32
      %add3A_44 = arith.addi %arg1, %mul3A_43 : i32
      %mul3A_45 = arith.constant 40 : i32
      %mul3A_46 = arith.muli %add3A_44, %mul3A_45 : i32
      "tpu.region"() ({
        %run_scoped3A = tpu.sem_alloc : memref<!tpu.dma_semaphore, #tpu.memory_space<semaphore_mem>>
        %dma_start3A = arith.constant 0 : i32
        %dma_start3A_47 = tpu.memref_slice %arg16[%mul3A_46, %dma_start3A] : memref<10000x128xf32, #tpu.memory_space<vmem_shared>> -> memref<40x128xf32, #tpu.memory_space<vmem_shared>>
        %dma_start3A_48 = arith.constant 0 : i32
        %dma_start3A_49 = tpu.memref_slice %arg16[%mul3A_46, %dma_start3A_48] : memref<10000x128xf32, #tpu.memory_space<vmem_shared>> -> memref<40x128xf32, #tpu.memory_space<vmem_shared>>
        tpu.enqueue_dma source(%arg13 : memref<40x128xf32, #tpu.memory_space<vmem>>) target(%dma_start3A_49 : memref<40x128xf32, #tpu.memory_space<vmem_shared>>) target_semaphore(%run_scoped3A : memref<!tpu.dma_semaphore, #tpu.memory_space<semaphore_mem>>)
        %dma_wait3A = arith.constant 0 : i32
        %dma_wait3A_50 = tpu.memref_slice %arg16[%mul3A_46, %dma_wait3A] : memref<10000x128xf32, #tpu.memory_space<vmem_shared>> -> memref<40x128xf32, #tpu.memory_space<vmem_shared>>
        %dma_wait3A_51 = arith.constant 0 : i32
        %dma_wait3A_52 = tpu.memref_slice %arg16[%mul3A_46, %dma_wait3A_51] : memref<10000x128xf32, #tpu.memory_space<vmem_shared>> -> memref<40x128xf32, #tpu.memory_space<vmem_shared>>
        tpu.wait_dma2 semaphore(%run_scoped3A : memref<!tpu.dma_semaphore, #tpu.memory_space<semaphore_mem>>) src(%arg13 : memref<40x128xf32, #tpu.memory_space<vmem>>) dst(%dma_wait3A_52 : memref<40x128xf32, #tpu.memory_space<vmem_shared>>)
        tpu.yield
      }) : () -> ()
    }
    %while3A_16 = arith.constant 1 : i32
    scf.for %while3A_42 = %while3A_14 to %while3A_10 step %while3A_16  : i32 {
      %mul3A = arith.constant 16 : i32
      %mul3A_43 = arith.muli %while3A_42, %mul3A : i32
      %add3A_44 = arith.addi %arg1, %mul3A_43 : i32
      %mul3A_45 = arith.constant 40 : i32
      %mul3A_46 = arith.muli %add3A_44, %mul3A_45 : i32
      "tpu.region"() ({
        %run_scoped3A = tpu.sem_alloc : memref<!tpu.dma_semaphore, #tpu.memory_space<semaphore_mem>>
        %dma_start3A = arith.constant 0 : i32
        %dma_start3A_47 = tpu.memref_slice %arg16[%mul3A_46, %dma_start3A] : memref<10000x128xf32, #tpu.memory_space<vmem_shared>> -> memref<40x128xf32, #tpu.memory_space<vmem_shared>>
        %dma_start3A_48 = arith.constant 0 : i32
        %dma_start3A_49 = tpu.memref_slice %arg16[%mul3A_46, %dma_start3A_48] : memref<10000x128xf32, #tpu.memory_space<vmem_shared>> -> memref<40x128xf32, #tpu.memory_space<vmem_shared>>
        tpu.enqueue_dma source(%arg13 : memref<40x128xf32, #tpu.memory_space<vmem>>) target(%dma_start3A_49 : memref<40x128xf32, #tpu.memory_space<vmem_shared>>) target_semaphore(%run_scoped3A : memref<!tpu.dma_semaphore, #tpu.memory_space<semaphore_mem>>)
        %dma_wait3A = arith.constant 0 : i32
        %dma_wait3A_50 = tpu.memref_slice %arg16[%mul3A_46, %dma_wait3A] : memref<10000x128xf32, #tpu.memory_space<vmem_shared>> -> memref<40x128xf32, #tpu.memory_space<vmem_shared>>
        %dma_wait3A_51 = arith.constant 0 : i32
        %dma_wait3A_52 = tpu.memref_slice %arg16[%mul3A_46, %dma_wait3A_51] : memref<10000x128xf32, #tpu.memory_space<vmem_shared>> -> memref<40x128xf32, #tpu.memory_space<vmem_shared>>
        tpu.wait_dma2 semaphore(%run_scoped3A : memref<!tpu.dma_semaphore, #tpu.memory_space<semaphore_mem>>) src(%arg13 : memref<40x128xf32, #tpu.memory_space<vmem>>) dst(%dma_wait3A_52 : memref<40x128xf32, #tpu.memory_space<vmem_shared>>)
        tpu.yield
      }) : () -> ()
    }
    %barrier3A = arith.constant 0 : index
    tpu.barrier barrier_id(%barrier3A)
    %lt3A_17 = arith.constant 2 : i32
    %lt3A_18 = arith.cmpi slt, %arg1, %lt3A_17 : i32
    %jit3A_19 = arith.constant 1 : i32
    %jit3A_20 = arith.constant 0 : i32
    %select_n3A_21 = arith.select %lt3A_18, %jit3A_19, %jit3A_20 : i32
    %add3A_22 = arith.constant 78 : i32
    %add3A_23 = arith.addi %add3A_22, %select_n3A_21 : i32
    %eq3A = arith.constant 0 : i32
    %eq3A_24 = arith.cmpi eq, %arg0, %eq3A : i32
    %convert_element_type3A = arith.extui %eq3A_24 : i1 to i32
    %cond3A = arith.constant 0 : i32
    %cond3A_25 = arith.cmpi ne, %convert_element_type3A, %cond3A : i32
    scf.if %cond3A_25 {
      %add3A_42 = arith.constant 0 : i32
      %add3A_43 = arith.addi %arg1, %add3A_42 : i32
      %mul3A = arith.constant 128 : i32
      %mul3A_44 = arith.muli %add3A_43, %mul3A : i32
      %dma_start3A = tpu.memref_slice %arg3[%mul3A_44] : memref<160000xi32, #tpu.memory_space<hbm>> -> memref<128xi32, #tpu.memory_space<hbm>>
      %dma_start3A_45 = tpu.memref_slice %arg3[%mul3A_44] : memref<160000xi32, #tpu.memory_space<hbm>> -> memref<128xi32, #tpu.memory_space<hbm>>
      tpu.enqueue_dma source(%dma_start3A_45 : memref<128xi32, #tpu.memory_space<hbm>>) target(%arg8 : memref<128xi32, #tpu.memory_space<vmem>>) target_semaphore(%arg15 : memref<!tpu.dma_semaphore, #tpu.memory_space<semaphore_mem>>)
      %mul3A_46 = arith.constant 128 : i32
      %mul3A_47 = arith.muli %add3A_43, %mul3A_46 : i32
      %dma_start3A_48 = tpu.memref_slice %arg4[%mul3A_47] : memref<160000xi32, #tpu.memory_space<hbm>> -> memref<128xi32, #tpu.memory_space<hbm>>
      %dma_start3A_49 = tpu.memref_slice %arg4[%mul3A_47] : memref<160000xi32, #tpu.memory_space<hbm>> -> memref<128xi32, #tpu.memory_space<hbm>>
      tpu.enqueue_dma source(%dma_start3A_49 : memref<128xi32, #tpu.memory_space<hbm>>) target(%arg9 : memref<128xi32, #tpu.memory_space<vmem>>) target_semaphore(%arg15 : memref<!tpu.dma_semaphore, #tpu.memory_space<semaphore_mem>>)
      %scan3A_50 = arith.constant 0 : i32
      %scan3A_51 = arith.constant 0 : i32
      %scan3A_52 = arith.constant 39 : i32
      %scan3A_53 = arith.addi %scan3A_51, %scan3A_52 : i32
      %scan3A_54 = arith.constant 1 : i32
      scf.for %scan3A_74 = %scan3A_51 to %scan3A_53 step %scan3A_54  : i32 {
        %mul3A_75 = arith.constant 2 : i32
        %mul3A_76 = arith.muli %mul3A_75, %scan3A_74 : i32
        %dma_wait3A = arith.constant 0 : i32
        %dma_wait3A_77 = tpu.memref_slice %arg3[%dma_wait3A] : memref<160000xi32, #tpu.memory_space<hbm>> -> memref<128xi32, #tpu.memory_space<hbm>>
        %dma_wait3A_78 = arith.constant 0 : i32
        %dma_wait3A_79 = tpu.memref_slice %arg3[%dma_wait3A_78] : memref<160000xi32, #tpu.memory_space<hbm>> -> memref<128xi32, #tpu.memory_space<hbm>>
        tpu.wait_dma2 semaphore(%arg15 : memref<!tpu.dma_semaphore, #tpu.memory_space<semaphore_mem>>) src(%dma_wait3A_79 : memref<128xi32, #tpu.memory_space<hbm>>) dst(%arg8 : memref<128xi32, #tpu.memory_space<vmem>>)
        %dma_wait3A_80 = arith.constant 0 : i32
        %dma_wait3A_81 = tpu.memref_slice %arg4[%dma_wait3A_80] : memref<160000xi32, #tpu.memory_space<hbm>> -> memref<128xi32, #tpu.memory_space<hbm>>
        %dma_wait3A_82 = arith.constant 0 : i32
        %dma_wait3A_83 = tpu.memref_slice %arg4[%dma_wait3A_82] : memref<160000xi32, #tpu.memory_space<hbm>> -> memref<128xi32, #tpu.memory_space<hbm>>
        tpu.wait_dma2 semaphore(%arg15 : memref<!tpu.dma_semaphore, #tpu.memory_space<semaphore_mem>>) src(%dma_wait3A_83 : memref<128xi32, #tpu.memory_space<hbm>>) dst(%arg9 : memref<128xi32, #tpu.memory_space<vmem>>)
        %add3A_84 = arith.constant 1 : i32
        %add3A_85 = arith.addi %mul3A_76, %add3A_84 : i32
        %mul3A_86 = arith.constant 16 : i32
        %mul3A_87 = arith.muli %add3A_85, %mul3A_86 : i32
        %add3A_88 = arith.addi %arg1, %mul3A_87 : i32
        %mul3A_89 = arith.constant 128 : i32
        %mul3A_90 = arith.muli %add3A_88, %mul3A_89 : i32
        %dma_start3A_91 = tpu.memref_slice %arg3[%mul3A_90] : memref<160000xi32, #tpu.memory_space<hbm>> -> memref<128xi32, #tpu.memory_space<hbm>>
        %dma_start3A_92 = tpu.memref_slice %arg3[%mul3A_90] : memref<160000xi32, #tpu.memory_space<hbm>> -> memref<128xi32, #tpu.memory_space<hbm>>
        tpu.enqueue_dma source(%dma_start3A_92 : memref<128xi32, #tpu.memory_space<hbm>>) target(%arg10 : memref<128xi32, #tpu.memory_space<vmem>>) target_semaphore(%arg15 : memref<!tpu.dma_semaphore, #tpu.memory_space<semaphore_mem>>)
        %mul3A_93 = arith.constant 128 : i32
        %mul3A_94 = arith.muli %add3A_88, %mul3A_93 : i32
        %dma_start3A_95 = tpu.memref_slice %arg4[%mul3A_94] : memref<160000xi32, #tpu.memory_space<hbm>> -> memref<128xi32, #tpu.memory_space<hbm>>
        %dma_start3A_96 = tpu.memref_slice %arg4[%mul3A_94] : memref<160000xi32, #tpu.memory_space<hbm>> -> memref<128xi32, #tpu.memory_space<hbm>>
        tpu.enqueue_dma source(%dma_start3A_96 : memref<128xi32, #tpu.memory_space<hbm>>) target(%arg11 : memref<128xi32, #tpu.memory_space<vmem>>) target_semaphore(%arg15 : memref<!tpu.dma_semaphore, #tpu.memory_space<semaphore_mem>>)
        %dma_start3A_97 = arith.constant 0 : i32
        %dma_start3A_98 = arith.constant 0 : i32
        %dma_start3A_99 = tpu.memref_slice %arg2[%dma_start3A_97, %dma_start3A_98] : memref<10000x128xf32, #tpu.memory_space<hbm>> -> memref<10000x128xf32, #tpu.memory_space<hbm>>
        tpu.enqueue_indirect_dma source(%dma_start3A_99 : memref<10000x128xf32, #tpu.memory_space<hbm>>) target(%arg12 : memref<128x128xf32, #tpu.memory_space<vmem>>) offsets(%arg8 : memref<128xi32, #tpu.memory_space<vmem>>) semaphore(%arg14 : memref<!tpu.dma_semaphore, #tpu.memory_space<semaphore_mem>>)
        %dma_wait3A_100 = arith.constant 0 : i32
        %dma_wait3A_101 = arith.constant 0 : i32
        %dma_wait3A_102 = tpu.memref_slice %arg2[%dma_wait3A_100, %dma_wait3A_101] : memref<10000x128xf32, #tpu.memory_space<hbm>> -> memref<10000x128xf32, #tpu.memory_space<hbm>>
        tpu.wait_indirect_dma semaphore(%arg14 : memref<!tpu.dma_semaphore, #tpu.memory_space<semaphore_mem>>) src(%dma_wait3A_102 : memref<10000x128xf32, #tpu.memory_space<hbm>>) dst(%arg12 : memref<128x128xf32, #tpu.memory_space<vmem>>)
        "tpu.region"() ({
          %run_scoped3A = tpu.sem_alloc : memref<!tpu.dma_semaphore, #tpu.memory_space<semaphore_mem>>
          %dma_start3A_123 = arith.constant 0 : i32
          %dma_start3A_124 = arith.constant 0 : i32
          %dma_start3A_125 = tpu.memref_slice %arg16[%dma_start3A_123, %dma_start3A_124] : memref<10000x128xf32, #tpu.memory_space<vmem_shared>> -> memref<10000x128xf32, #tpu.memory_space<vmem_shared>>
          tpu.enqueue_indirect_dma source(%arg12 : memref<128x128xf32, #tpu.memory_space<vmem>>) target(%dma_start3A_125 : memref<10000x128xf32, #tpu.memory_space<vmem_shared>>) offsets(%arg9 : memref<128xi32, #tpu.memory_space<vmem>>) semaphore(%run_scoped3A : memref<!tpu.dma_semaphore, #tpu.memory_space<semaphore_mem>>) {add = true}
          %dma_wait3A_126 = arith.constant 0 : i32
          %dma_wait3A_127 = arith.constant 0 : i32
          %dma_wait3A_128 = tpu.memref_slice %arg16[%dma_wait3A_126, %dma_wait3A_127] : memref<10000x128xf32, #tpu.memory_space<vmem_shared>> -> memref<10000x128xf32, #tpu.memory_space<vmem_shared>>
          tpu.wait_indirect_dma semaphore(%run_scoped3A : memref<!tpu.dma_semaphore, #tpu.memory_space<semaphore_mem>>) src(%arg12 : memref<128x128xf32, #tpu.memory_space<vmem>>) dst(%dma_wait3A_128 : memref<10000x128xf32, #tpu.memory_space<vmem_shared>>)
          tpu.yield
        }) : () -> ()
        %dma_wait3A_103 = arith.constant 0 : i32
        %dma_wait3A_104 = tpu.memref_slice %arg3[%dma_wait3A_103] : memref<160000xi32, #tpu.memory_space<hbm>> -> memref<128xi32, #tpu.memory_space<hbm>>
        %dma_wait3A_105 = arith.constant 0 : i32
        %dma_wait3A_106 = tpu.memref_slice %arg3[%dma_wait3A_105] : memref<160000xi32, #tpu.memory_space<hbm>> -> memref<128xi32, #tpu.memory_space<hbm>>
        tpu.wait_dma2 semaphore(%arg15 : memref<!tpu.dma_semaphore, #tpu.memory_space<semaphore_mem>>) src(%dma_wait3A_106 : memref<128xi32, #tpu.memory_space<hbm>>) dst(%arg10 : memref<128xi32, #tpu.memory_space<vmem>>)
        %dma_wait3A_107 = arith.constant 0 : i32
        %dma_wait3A_108 = tpu.memref_slice %arg4[%dma_wait3A_107] : memref<160000xi32, #tpu.memory_space<hbm>> -> memref<128xi32, #tpu.memory_space<hbm>>
        %dma_wait3A_109 = arith.constant 0 : i32
        %dma_wait3A_110 = tpu.memref_slice %arg4[%dma_wait3A_109] : memref<160000xi32, #tpu.memory_space<hbm>> -> memref<128xi32, #tpu.memory_space<hbm>>
        tpu.wait_dma2 semaphore(%arg15 : memref<!tpu.dma_semaphore, #tpu.memory_space<semaphore_mem>>) src(%dma_wait3A_110 : memref<128xi32, #tpu.memory_space<hbm>>) dst(%arg11 : memref<128xi32, #tpu.memory_space<vmem>>)
        %add3A_111 = arith.constant 2 : i32
        %add3A_112 = arith.addi %mul3A_76, %add3A_111 : i32
        %lt3A_113 = arith.cmpi slt, %add3A_112, %add3A_23 : i32
        %convert_element_type3A_114 = arith.extui %lt3A_113 : i1 to i32
        %cond3A_115 = arith.constant 0 : i32
        %cond3A_116 = arith.cmpi ne, %convert_element_type3A_114, %cond3A_115 : i32
        scf.if %cond3A_116 {
          %add3A_123 = arith.constant 2 : i32
          %add3A_124 = arith.addi %mul3A_76, %add3A_123 : i32
          %mul3A_125 = arith.constant 16 : i32
          %mul3A_126 = arith.muli %add3A_124, %mul3A_125 : i32
          %add3A_127 = arith.addi %arg1, %mul3A_126 : i32
          %mul3A_128 = arith.constant 128 : i32
          %mul3A_129 = arith.muli %add3A_127, %mul3A_128 : i32
          %dma_start3A_130 = tpu.memref_slice %arg3[%mul3A_129] : memref<160000xi32, #tpu.memory_space<hbm>> -> memref<128xi32, #tpu.memory_space<hbm>>
          %dma_start3A_131 = tpu.memref_slice %arg3[%mul3A_129] : memref<160000xi32, #tpu.memory_space<hbm>> -> memref<128xi32, #tpu.memory_space<hbm>>
          tpu.enqueue_dma source(%dma_start3A_131 : memref<128xi32, #tpu.memory_space<hbm>>) target(%arg8 : memref<128xi32, #tpu.memory_space<vmem>>) target_semaphore(%arg15 : memref<!tpu.dma_semaphore, #tpu.memory_space<semaphore_mem>>)
          %mul3A_132 = arith.constant 128 : i32
          %mul3A_133 = arith.muli %add3A_127, %mul3A_132 : i32
          %dma_start3A_134 = tpu.memref_slice %arg4[%mul3A_133] : memref<160000xi32, #tpu.memory_space<hbm>> -> memref<128xi32, #tpu.memory_space<hbm>>
          %dma_start3A_135 = tpu.memref_slice %arg4[%mul3A_133] : memref<160000xi32, #tpu.memory_space<hbm>> -> memref<128xi32, #tpu.memory_space<hbm>>
          tpu.enqueue_dma source(%dma_start3A_135 : memref<128xi32, #tpu.memory_space<hbm>>) target(%arg9 : memref<128xi32, #tpu.memory_space<vmem>>) target_semaphore(%arg15 : memref<!tpu.dma_semaphore, #tpu.memory_space<semaphore_mem>>)
        } else {
        }
        %dma_start3A_117 = arith.constant 0 : i32
        %dma_start3A_118 = arith.constant 0 : i32
        %dma_start3A_119 = tpu.memref_slice %arg2[%dma_start3A_117, %dma_start3A_118] : memref<10000x128xf32, #tpu.memory_space<hbm>> -> memref<10000x128xf32, #tpu.memory_space<hbm>>
        tpu.enqueue_indirect_dma source(%dma_start3A_119 : memref<10000x128xf32, #tpu.memory_space<hbm>>) target(%arg12 : memref<128x128xf32, #tpu.memory_space<vmem>>) offsets(%arg10 : memref<128xi32, #tpu.memory_space<vmem>>) semaphore(%arg14 : memref<!tpu.dma_semaphore, #tpu.memory_space<semaphore_mem>>)
        %dma_wait3A_120 = arith.constant 0 : i32
        %dma_wait3A_121 = arith.constant 0 : i32
        %dma_wait3A_122 = tpu.memref_slice %arg2[%dma_wait3A_120, %dma_wait3A_121] : memref<10000x128xf32, #tpu.memory_space<hbm>> -> memref<10000x128xf32, #tpu.memory_space<hbm>>
        tpu.wait_indirect_dma semaphore(%arg14 : memref<!tpu.dma_semaphore, #tpu.memory_space<semaphore_mem>>) src(%dma_wait3A_122 : memref<10000x128xf32, #tpu.memory_space<hbm>>) dst(%arg12 : memref<128x128xf32, #tpu.memory_space<vmem>>)
        "tpu.region"() ({
          %run_scoped3A = tpu.sem_alloc : memref<!tpu.dma_semaphore, #tpu.memory_space<semaphore_mem>>
          %dma_start3A_123 = arith.constant 0 : i32
          %dma_start3A_124 = arith.constant 0 : i32
          %dma_start3A_125 = tpu.memref_slice %arg16[%dma_start3A_123, %dma_start3A_124] : memref<10000x128xf32, #tpu.memory_space<vmem_shared>> -> memref<10000x128xf32, #tpu.memory_space<vmem_shared>>
          tpu.enqueue_indirect_dma source(%arg12 : memref<128x128xf32, #tpu.memory_space<vmem>>) target(%dma_start3A_125 : memref<10000x128xf32, #tpu.memory_space<vmem_shared>>) offsets(%arg11 : memref<128xi32, #tpu.memory_space<vmem>>) semaphore(%run_scoped3A : memref<!tpu.dma_semaphore, #tpu.memory_space<semaphore_mem>>) {add = true}
          %dma_wait3A_126 = arith.constant 0 : i32
          %dma_wait3A_127 = arith.constant 0 : i32
          %dma_wait3A_128 = tpu.memref_slice %arg16[%dma_wait3A_126, %dma_wait3A_127] : memref<10000x128xf32, #tpu.memory_space<vmem_shared>> -> memref<10000x128xf32, #tpu.memory_space<vmem_shared>>
          tpu.wait_indirect_dma semaphore(%run_scoped3A : memref<!tpu.dma_semaphore, #tpu.memory_space<semaphore_mem>>) src(%arg12 : memref<128x128xf32, #tpu.memory_space<vmem>>) dst(%dma_wait3A_128 : memref<10000x128xf32, #tpu.memory_space<vmem_shared>>)
          tpu.yield
        }) : () -> ()
      }
      %scan3A_55 = arith.constant 39 : i32
      %jit3A_56 = arith.constant 2 : i32
      %eq3A_57 = arith.constant 0 : i32
      %eq3A_58 = arith.cmpi eq, %jit3A_56, %eq3A_57 : i32
      %jit3A_59 = arith.constant 1 : i32
      %select_n3A_60 = arith.select %eq3A_58, %jit3A_59, %jit3A_56 : i32
      %rem3A = arith.remsi %add3A_23, %select_n3A_60 : i32
      %ne3A = arith.constant 0 : i32
      %ne3A_61 = arith.cmpi ne, %rem3A, %ne3A : i32
      %lt3A_62 = arith.constant 0 : i32
      %lt3A_63 = arith.cmpi slt, %rem3A, %lt3A_62 : i32
      %lt3A_64 = arith.constant 0 : i32
      %lt3A_65 = arith.cmpi slt, %select_n3A_60, %lt3A_64 : i32
      %ne3A_66 = arith.xori %lt3A_63, %lt3A_65 : i1
      %and3A = arith.andi %ne3A_66, %ne3A_61 : i1
      %add3A_67 = arith.addi %rem3A, %select_n3A_60 : i32
      %select_n3A_68 = arith.select %and3A, %add3A_67, %rem3A : i32
      %eq3A_69 = arith.constant 1 : i32
      %eq3A_70 = arith.cmpi eq, %select_n3A_68, %eq3A_69 : i32
      %convert_element_type3A_71 = arith.extui %eq3A_70 : i1 to i32
      %cond3A_72 = arith.constant 0 : i32
      %cond3A_73 = arith.cmpi ne, %convert_element_type3A_71, %cond3A_72 : i32
      scf.if %cond3A_73 {
        %dma_wait3A = arith.constant 0 : i32
        %dma_wait3A_74 = tpu.memref_slice %arg3[%dma_wait3A] : memref<160000xi32, #tpu.memory_space<hbm>> -> memref<128xi32, #tpu.memory_space<hbm>>
        %dma_wait3A_75 = arith.constant 0 : i32
        %dma_wait3A_76 = tpu.memref_slice %arg3[%dma_wait3A_75] : memref<160000xi32, #tpu.memory_space<hbm>> -> memref<128xi32, #tpu.memory_space<hbm>>
        tpu.wait_dma2 semaphore(%arg15 : memref<!tpu.dma_semaphore, #tpu.memory_space<semaphore_mem>>) src(%dma_wait3A_76 : memref<128xi32, #tpu.memory_space<hbm>>) dst(%arg8 : memref<128xi32, #tpu.memory_space<vmem>>)
        %dma_wait3A_77 = arith.constant 0 : i32
        %dma_wait3A_78 = tpu.memref_slice %arg4[%dma_wait3A_77] : memref<160000xi32, #tpu.memory_space<hbm>> -> memref<128xi32, #tpu.memory_space<hbm>>
        %dma_wait3A_79 = arith.constant 0 : i32
        %dma_wait3A_80 = tpu.memref_slice %arg4[%dma_wait3A_79] : memref<160000xi32, #tpu.memory_space<hbm>> -> memref<128xi32, #tpu.memory_space<hbm>>
        tpu.wait_dma2 semaphore(%arg15 : memref<!tpu.dma_semaphore, #tpu.memory_space<semaphore_mem>>) src(%dma_wait3A_80 : memref<128xi32, #tpu.memory_space<hbm>>) dst(%arg9 : memref<128xi32, #tpu.memory_space<vmem>>)
        %dma_start3A_81 = arith.constant 0 : i32
        %dma_start3A_82 = arith.constant 0 : i32
        %dma_start3A_83 = tpu.memref_slice %arg2[%dma_start3A_81, %dma_start3A_82] : memref<10000x128xf32, #tpu.memory_space<hbm>> -> memref<10000x128xf32, #tpu.memory_space<hbm>>
        tpu.enqueue_indirect_dma source(%dma_start3A_83 : memref<10000x128xf32, #tpu.memory_space<hbm>>) target(%arg12 : memref<128x128xf32, #tpu.memory_space<vmem>>) offsets(%arg8 : memref<128xi32, #tpu.memory_space<vmem>>) semaphore(%arg14 : memref<!tpu.dma_semaphore, #tpu.memory_space<semaphore_mem>>)
        %dma_wait3A_84 = arith.constant 0 : i32
        %dma_wait3A_85 = arith.constant 0 : i32
        %dma_wait3A_86 = tpu.memref_slice %arg2[%dma_wait3A_84, %dma_wait3A_85] : memref<10000x128xf32, #tpu.memory_space<hbm>> -> memref<10000x128xf32, #tpu.memory_space<hbm>>
        tpu.wait_indirect_dma semaphore(%arg14 : memref<!tpu.dma_semaphore, #tpu.memory_space<semaphore_mem>>) src(%dma_wait3A_86 : memref<10000x128xf32, #tpu.memory_space<hbm>>) dst(%arg12 : memref<128x128xf32, #tpu.memory_space<vmem>>)
        "tpu.region"() ({
          %run_scoped3A = tpu.sem_alloc : memref<!tpu.dma_semaphore, #tpu.memory_space<semaphore_mem>>
          %dma_start3A_87 = arith.constant 0 : i32
          %dma_start3A_88 = arith.constant 0 : i32
          %dma_start3A_89 = tpu.memref_slice %arg16[%dma_start3A_87, %dma_start3A_88] : memref<10000x128xf32, #tpu.memory_space<vmem_shared>> -> memref<10000x128xf32, #tpu.memory_space<vmem_shared>>
          tpu.enqueue_indirect_dma source(%arg12 : memref<128x128xf32, #tpu.memory_space<vmem>>) target(%dma_start3A_89 : memref<10000x128xf32, #tpu.memory_space<vmem_shared>>) offsets(%arg9 : memref<128xi32, #tpu.memory_space<vmem>>) semaphore(%run_scoped3A : memref<!tpu.dma_semaphore, #tpu.memory_space<semaphore_mem>>) {add = true}
          %dma_wait3A_90 = arith.constant 0 : i32
          %dma_wait3A_91 = arith.constant 0 : i32
          %dma_wait3A_92 = tpu.memref_slice %arg16[%dma_wait3A_90, %dma_wait3A_91] : memref<10000x128xf32, #tpu.memory_space<vmem_shared>> -> memref<10000x128xf32, #tpu.memory_space<vmem_shared>>
          tpu.wait_indirect_dma semaphore(%run_scoped3A : memref<!tpu.dma_semaphore, #tpu.memory_space<semaphore_mem>>) src(%arg12 : memref<128x128xf32, #tpu.memory_space<vmem>>) dst(%dma_wait3A_92 : memref<10000x128xf32, #tpu.memory_space<vmem_shared>>)
          tpu.yield
        }) : () -> ()
      } else {
      }
    } else {
    }
    %eq3A_26 = arith.constant 1 : i32
    %eq3A_27 = arith.cmpi eq, %arg0, %eq3A_26 : i32
    %convert_element_type3A_28 = arith.extui %eq3A_27 : i1 to i32
    %cond3A_29 = arith.constant 0 : i32
    %cond3A_30 = arith.cmpi ne, %convert_element_type3A_28, %cond3A_29 : i32
    scf.if %cond3A_30 {
      %add3A_42 = arith.constant 0 : i32
      %add3A_43 = arith.addi %arg1, %add3A_42 : i32
      %mul3A = arith.constant 128 : i32
      %mul3A_44 = arith.muli %add3A_43, %mul3A : i32
      %dma_start3A = tpu.memref_slice %arg5[%mul3A_44] : memref<160000xi32, #tpu.memory_space<hbm>> -> memref<128xi32, #tpu.memory_space<hbm>>
      %dma_start3A_45 = tpu.memref_slice %arg5[%mul3A_44] : memref<160000xi32, #tpu.memory_space<hbm>> -> memref<128xi32, #tpu.memory_space<hbm>>
      tpu.enqueue_dma source(%dma_start3A_45 : memref<128xi32, #tpu.memory_space<hbm>>) target(%arg8 : memref<128xi32, #tpu.memory_space<vmem>>) target_semaphore(%arg15 : memref<!tpu.dma_semaphore, #tpu.memory_space<semaphore_mem>>)
      %mul3A_46 = arith.constant 128 : i32
      %mul3A_47 = arith.muli %add3A_43, %mul3A_46 : i32
      %dma_start3A_48 = tpu.memref_slice %arg6[%mul3A_47] : memref<160000xi32, #tpu.memory_space<hbm>> -> memref<128xi32, #tpu.memory_space<hbm>>
      %dma_start3A_49 = tpu.memref_slice %arg6[%mul3A_47] : memref<160000xi32, #tpu.memory_space<hbm>> -> memref<128xi32, #tpu.memory_space<hbm>>
      tpu.enqueue_dma source(%dma_start3A_49 : memref<128xi32, #tpu.memory_space<hbm>>) target(%arg9 : memref<128xi32, #tpu.memory_space<vmem>>) target_semaphore(%arg15 : memref<!tpu.dma_semaphore, #tpu.memory_space<semaphore_mem>>)
      %scan3A_50 = arith.constant 0 : i32
      %scan3A_51 = arith.constant 0 : i32
      %scan3A_52 = arith.constant 39 : i32
      %scan3A_53 = arith.addi %scan3A_51, %scan3A_52 : i32
      %scan3A_54 = arith.constant 1 : i32
      scf.for %scan3A_74 = %scan3A_51 to %scan3A_53 step %scan3A_54  : i32 {
        %mul3A_75 = arith.constant 2 : i32
        %mul3A_76 = arith.muli %mul3A_75, %scan3A_74 : i32
        %dma_wait3A = arith.constant 0 : i32
        %dma_wait3A_77 = tpu.memref_slice %arg5[%dma_wait3A] : memref<160000xi32, #tpu.memory_space<hbm>> -> memref<128xi32, #tpu.memory_space<hbm>>
        %dma_wait3A_78 = arith.constant 0 : i32
        %dma_wait3A_79 = tpu.memref_slice %arg5[%dma_wait3A_78] : memref<160000xi32, #tpu.memory_space<hbm>> -> memref<128xi32, #tpu.memory_space<hbm>>
        tpu.wait_dma2 semaphore(%arg15 : memref<!tpu.dma_semaphore, #tpu.memory_space<semaphore_mem>>) src(%dma_wait3A_79 : memref<128xi32, #tpu.memory_space<hbm>>) dst(%arg8 : memref<128xi32, #tpu.memory_space<vmem>>)
        %dma_wait3A_80 = arith.constant 0 : i32
        %dma_wait3A_81 = tpu.memref_slice %arg6[%dma_wait3A_80] : memref<160000xi32, #tpu.memory_space<hbm>> -> memref<128xi32, #tpu.memory_space<hbm>>
        %dma_wait3A_82 = arith.constant 0 : i32
        %dma_wait3A_83 = tpu.memref_slice %arg6[%dma_wait3A_82] : memref<160000xi32, #tpu.memory_space<hbm>> -> memref<128xi32, #tpu.memory_space<hbm>>
        tpu.wait_dma2 semaphore(%arg15 : memref<!tpu.dma_semaphore, #tpu.memory_space<semaphore_mem>>) src(%dma_wait3A_83 : memref<128xi32, #tpu.memory_space<hbm>>) dst(%arg9 : memref<128xi32, #tpu.memory_space<vmem>>)
        %add3A_84 = arith.constant 1 : i32
        %add3A_85 = arith.addi %mul3A_76, %add3A_84 : i32
        %mul3A_86 = arith.constant 16 : i32
        %mul3A_87 = arith.muli %add3A_85, %mul3A_86 : i32
        %add3A_88 = arith.addi %arg1, %mul3A_87 : i32
        %mul3A_89 = arith.constant 128 : i32
        %mul3A_90 = arith.muli %add3A_88, %mul3A_89 : i32
        %dma_start3A_91 = tpu.memref_slice %arg5[%mul3A_90] : memref<160000xi32, #tpu.memory_space<hbm>> -> memref<128xi32, #tpu.memory_space<hbm>>
        %dma_start3A_92 = tpu.memref_slice %arg5[%mul3A_90] : memref<160000xi32, #tpu.memory_space<hbm>> -> memref<128xi32, #tpu.memory_space<hbm>>
        tpu.enqueue_dma source(%dma_start3A_92 : memref<128xi32, #tpu.memory_space<hbm>>) target(%arg10 : memref<128xi32, #tpu.memory_space<vmem>>) target_semaphore(%arg15 : memref<!tpu.dma_semaphore, #tpu.memory_space<semaphore_mem>>)
        %mul3A_93 = arith.constant 128 : i32
        %mul3A_94 = arith.muli %add3A_88, %mul3A_93 : i32
        %dma_start3A_95 = tpu.memref_slice %arg6[%mul3A_94] : memref<160000xi32, #tpu.memory_space<hbm>> -> memref<128xi32, #tpu.memory_space<hbm>>
        %dma_start3A_96 = tpu.memref_slice %arg6[%mul3A_94] : memref<160000xi32, #tpu.memory_space<hbm>> -> memref<128xi32, #tpu.memory_space<hbm>>
        tpu.enqueue_dma source(%dma_start3A_96 : memref<128xi32, #tpu.memory_space<hbm>>) target(%arg11 : memref<128xi32, #tpu.memory_space<vmem>>) target_semaphore(%arg15 : memref<!tpu.dma_semaphore, #tpu.memory_space<semaphore_mem>>)
        %dma_start3A_97 = arith.constant 0 : i32
        %dma_start3A_98 = arith.constant 0 : i32
        %dma_start3A_99 = tpu.memref_slice %arg2[%dma_start3A_97, %dma_start3A_98] : memref<10000x128xf32, #tpu.memory_space<hbm>> -> memref<10000x128xf32, #tpu.memory_space<hbm>>
        tpu.enqueue_indirect_dma source(%dma_start3A_99 : memref<10000x128xf32, #tpu.memory_space<hbm>>) target(%arg12 : memref<128x128xf32, #tpu.memory_space<vmem>>) offsets(%arg8 : memref<128xi32, #tpu.memory_space<vmem>>) semaphore(%arg14 : memref<!tpu.dma_semaphore, #tpu.memory_space<semaphore_mem>>)
        %dma_wait3A_100 = arith.constant 0 : i32
        %dma_wait3A_101 = arith.constant 0 : i32
        %dma_wait3A_102 = tpu.memref_slice %arg2[%dma_wait3A_100, %dma_wait3A_101] : memref<10000x128xf32, #tpu.memory_space<hbm>> -> memref<10000x128xf32, #tpu.memory_space<hbm>>
        tpu.wait_indirect_dma semaphore(%arg14 : memref<!tpu.dma_semaphore, #tpu.memory_space<semaphore_mem>>) src(%dma_wait3A_102 : memref<10000x128xf32, #tpu.memory_space<hbm>>) dst(%arg12 : memref<128x128xf32, #tpu.memory_space<vmem>>)
        "tpu.region"() ({
          %run_scoped3A = tpu.sem_alloc : memref<!tpu.dma_semaphore, #tpu.memory_space<semaphore_mem>>
          %dma_start3A_123 = arith.constant 0 : i32
          %dma_start3A_124 = arith.constant 0 : i32
          %dma_start3A_125 = tpu.memref_slice %arg16[%dma_start3A_123, %dma_start3A_124] : memref<10000x128xf32, #tpu.memory_space<vmem_shared>> -> memref<10000x128xf32, #tpu.memory_space<vmem_shared>>
          tpu.enqueue_indirect_dma source(%arg12 : memref<128x128xf32, #tpu.memory_space<vmem>>) target(%dma_start3A_125 : memref<10000x128xf32, #tpu.memory_space<vmem_shared>>) offsets(%arg9 : memref<128xi32, #tpu.memory_space<vmem>>) semaphore(%run_scoped3A : memref<!tpu.dma_semaphore, #tpu.memory_space<semaphore_mem>>) {add = true}
          %dma_wait3A_126 = arith.constant 0 : i32
          %dma_wait3A_127 = arith.constant 0 : i32
          %dma_wait3A_128 = tpu.memref_slice %arg16[%dma_wait3A_126, %dma_wait3A_127] : memref<10000x128xf32, #tpu.memory_space<vmem_shared>> -> memref<10000x128xf32, #tpu.memory_space<vmem_shared>>
          tpu.wait_indirect_dma semaphore(%run_scoped3A : memref<!tpu.dma_semaphore, #tpu.memory_space<semaphore_mem>>) src(%arg12 : memref<128x128xf32, #tpu.memory_space<vmem>>) dst(%dma_wait3A_128 : memref<10000x128xf32, #tpu.memory_space<vmem_shared>>)
          tpu.yield
        }) : () -> ()
        %dma_wait3A_103 = arith.constant 0 : i32
        %dma_wait3A_104 = tpu.memref_slice %arg5[%dma_wait3A_103] : memref<160000xi32, #tpu.memory_space<hbm>> -> memref<128xi32, #tpu.memory_space<hbm>>
        %dma_wait3A_105 = arith.constant 0 : i32
        %dma_wait3A_106 = tpu.memref_slice %arg5[%dma_wait3A_105] : memref<160000xi32, #tpu.memory_space<hbm>> -> memref<128xi32, #tpu.memory_space<hbm>>
        tpu.wait_dma2 semaphore(%arg15 : memref<!tpu.dma_semaphore, #tpu.memory_space<semaphore_mem>>) src(%dma_wait3A_106 : memref<128xi32, #tpu.memory_space<hbm>>) dst(%arg10 : memref<128xi32, #tpu.memory_space<vmem>>)
        %dma_wait3A_107 = arith.constant 0 : i32
        %dma_wait3A_108 = tpu.memref_slice %arg6[%dma_wait3A_107] : memref<160000xi32, #tpu.memory_space<hbm>> -> memref<128xi32, #tpu.memory_space<hbm>>
        %dma_wait3A_109 = arith.constant 0 : i32
        %dma_wait3A_110 = tpu.memref_slice %arg6[%dma_wait3A_109] : memref<160000xi32, #tpu.memory_space<hbm>> -> memref<128xi32, #tpu.memory_space<hbm>>
        tpu.wait_dma2 semaphore(%arg15 : memref<!tpu.dma_semaphore, #tpu.memory_space<semaphore_mem>>) src(%dma_wait3A_110 : memref<128xi32, #tpu.memory_space<hbm>>) dst(%arg11 : memref<128xi32, #tpu.memory_space<vmem>>)
        %add3A_111 = arith.constant 2 : i32
        %add3A_112 = arith.addi %mul3A_76, %add3A_111 : i32
        %lt3A_113 = arith.cmpi slt, %add3A_112, %add3A_23 : i32
        %convert_element_type3A_114 = arith.extui %lt3A_113 : i1 to i32
        %cond3A_115 = arith.constant 0 : i32
        %cond3A_116 = arith.cmpi ne, %convert_element_type3A_114, %cond3A_115 : i32
        scf.if %cond3A_116 {
          %add3A_123 = arith.constant 2 : i32
          %add3A_124 = arith.addi %mul3A_76, %add3A_123 : i32
          %mul3A_125 = arith.constant 16 : i32
          %mul3A_126 = arith.muli %add3A_124, %mul3A_125 : i32
          %add3A_127 = arith.addi %arg1, %mul3A_126 : i32
          %mul3A_128 = arith.constant 128 : i32
          %mul3A_129 = arith.muli %add3A_127, %mul3A_128 : i32
          %dma_start3A_130 = tpu.memref_slice %arg5[%mul3A_129] : memref<160000xi32, #tpu.memory_space<hbm>> -> memref<128xi32, #tpu.memory_space<hbm>>
          %dma_start3A_131 = tpu.memref_slice %arg5[%mul3A_129] : memref<160000xi32, #tpu.memory_space<hbm>> -> memref<128xi32, #tpu.memory_space<hbm>>
          tpu.enqueue_dma source(%dma_start3A_131 : memref<128xi32, #tpu.memory_space<hbm>>) target(%arg8 : memref<128xi32, #tpu.memory_space<vmem>>) target_semaphore(%arg15 : memref<!tpu.dma_semaphore, #tpu.memory_space<semaphore_mem>>)
          %mul3A_132 = arith.constant 128 : i32
          %mul3A_133 = arith.muli %add3A_127, %mul3A_132 : i32
          %dma_start3A_134 = tpu.memref_slice %arg6[%mul3A_133] : memref<160000xi32, #tpu.memory_space<hbm>> -> memref<128xi32, #tpu.memory_space<hbm>>
          %dma_start3A_135 = tpu.memref_slice %arg6[%mul3A_133] : memref<160000xi32, #tpu.memory_space<hbm>> -> memref<128xi32, #tpu.memory_space<hbm>>
          tpu.enqueue_dma source(%dma_start3A_135 : memref<128xi32, #tpu.memory_space<hbm>>) target(%arg9 : memref<128xi32, #tpu.memory_space<vmem>>) target_semaphore(%arg15 : memref<!tpu.dma_semaphore, #tpu.memory_space<semaphore_mem>>)
        } else {
        }
        %dma_start3A_117 = arith.constant 0 : i32
        %dma_start3A_118 = arith.constant 0 : i32
        %dma_start3A_119 = tpu.memref_slice %arg2[%dma_start3A_117, %dma_start3A_118] : memref<10000x128xf32, #tpu.memory_space<hbm>> -> memref<10000x128xf32, #tpu.memory_space<hbm>>
        tpu.enqueue_indirect_dma source(%dma_start3A_119 : memref<10000x128xf32, #tpu.memory_space<hbm>>) target(%arg12 : memref<128x128xf32, #tpu.memory_space<vmem>>) offsets(%arg10 : memref<128xi32, #tpu.memory_space<vmem>>) semaphore(%arg14 : memref<!tpu.dma_semaphore, #tpu.memory_space<semaphore_mem>>)
        %dma_wait3A_120 = arith.constant 0 : i32
        %dma_wait3A_121 = arith.constant 0 : i32
        %dma_wait3A_122 = tpu.memref_slice %arg2[%dma_wait3A_120, %dma_wait3A_121] : memref<10000x128xf32, #tpu.memory_space<hbm>> -> memref<10000x128xf32, #tpu.memory_space<hbm>>
        tpu.wait_indirect_dma semaphore(%arg14 : memref<!tpu.dma_semaphore, #tpu.memory_space<semaphore_mem>>) src(%dma_wait3A_122 : memref<10000x128xf32, #tpu.memory_space<hbm>>) dst(%arg12 : memref<128x128xf32, #tpu.memory_space<vmem>>)
        "tpu.region"() ({
          %run_scoped3A = tpu.sem_alloc : memref<!tpu.dma_semaphore, #tpu.memory_space<semaphore_mem>>
          %dma_start3A_123 = arith.constant 0 : i32
          %dma_start3A_124 = arith.constant 0 : i32
          %dma_start3A_125 = tpu.memref_slice %arg16[%dma_start3A_123, %dma_start3A_124] : memref<10000x128xf32, #tpu.memory_space<vmem_shared>> -> memref<10000x128xf32, #tpu.memory_space<vmem_shared>>
          tpu.enqueue_indirect_dma source(%arg12 : memref<128x128xf32, #tpu.memory_space<vmem>>) target(%dma_start3A_125 : memref<10000x128xf32, #tpu.memory_space<vmem_shared>>) offsets(%arg11 : memref<128xi32, #tpu.memory_space<vmem>>) semaphore(%run_scoped3A : memref<!tpu.dma_semaphore, #tpu.memory_space<semaphore_mem>>) {add = true}
          %dma_wait3A_126 = arith.constant 0 : i32
          %dma_wait3A_127 = arith.constant 0 : i32
          %dma_wait3A_128 = tpu.memref_slice %arg16[%dma_wait3A_126, %dma_wait3A_127] : memref<10000x128xf32, #tpu.memory_space<vmem_shared>> -> memref<10000x128xf32, #tpu.memory_space<vmem_shared>>
          tpu.wait_indirect_dma semaphore(%run_scoped3A : memref<!tpu.dma_semaphore, #tpu.memory_space<semaphore_mem>>) src(%arg12 : memref<128x128xf32, #tpu.memory_space<vmem>>) dst(%dma_wait3A_128 : memref<10000x128xf32, #tpu.memory_space<vmem_shared>>)
          tpu.yield
        }) : () -> ()
      }
      %scan3A_55 = arith.constant 39 : i32
      %jit3A_56 = arith.constant 2 : i32
      %eq3A_57 = arith.constant 0 : i32
      %eq3A_58 = arith.cmpi eq, %jit3A_56, %eq3A_57 : i32
      %jit3A_59 = arith.constant 1 : i32
      %select_n3A_60 = arith.select %eq3A_58, %jit3A_59, %jit3A_56 : i32
      %rem3A = arith.remsi %add3A_23, %select_n3A_60 : i32
      %ne3A = arith.constant 0 : i32
      %ne3A_61 = arith.cmpi ne, %rem3A, %ne3A : i32
      %lt3A_62 = arith.constant 0 : i32
      %lt3A_63 = arith.cmpi slt, %rem3A, %lt3A_62 : i32
      %lt3A_64 = arith.constant 0 : i32
      %lt3A_65 = arith.cmpi slt, %select_n3A_60, %lt3A_64 : i32
      %ne3A_66 = arith.xori %lt3A_63, %lt3A_65 : i1
      %and3A = arith.andi %ne3A_66, %ne3A_61 : i1
      %add3A_67 = arith.addi %rem3A, %select_n3A_60 : i32
      %select_n3A_68 = arith.select %and3A, %add3A_67, %rem3A : i32
      %eq3A_69 = arith.constant 1 : i32
      %eq3A_70 = arith.cmpi eq, %select_n3A_68, %eq3A_69 : i32
      %convert_element_type3A_71 = arith.extui %eq3A_70 : i1 to i32
      %cond3A_72 = arith.constant 0 : i32
      %cond3A_73 = arith.cmpi ne, %convert_element_type3A_71, %cond3A_72 : i32
      scf.if %cond3A_73 {
        %dma_wait3A = arith.constant 0 : i32
        %dma_wait3A_74 = tpu.memref_slice %arg5[%dma_wait3A] : memref<160000xi32, #tpu.memory_space<hbm>> -> memref<128xi32, #tpu.memory_space<hbm>>
        %dma_wait3A_75 = arith.constant 0 : i32
        %dma_wait3A_76 = tpu.memref_slice %arg5[%dma_wait3A_75] : memref<160000xi32, #tpu.memory_space<hbm>> -> memref<128xi32, #tpu.memory_space<hbm>>
        tpu.wait_dma2 semaphore(%arg15 : memref<!tpu.dma_semaphore, #tpu.memory_space<semaphore_mem>>) src(%dma_wait3A_76 : memref<128xi32, #tpu.memory_space<hbm>>) dst(%arg8 : memref<128xi32, #tpu.memory_space<vmem>>)
        %dma_wait3A_77 = arith.constant 0 : i32
        %dma_wait3A_78 = tpu.memref_slice %arg6[%dma_wait3A_77] : memref<160000xi32, #tpu.memory_space<hbm>> -> memref<128xi32, #tpu.memory_space<hbm>>
        %dma_wait3A_79 = arith.constant 0 : i32
        %dma_wait3A_80 = tpu.memref_slice %arg6[%dma_wait3A_79] : memref<160000xi32, #tpu.memory_space<hbm>> -> memref<128xi32, #tpu.memory_space<hbm>>
        tpu.wait_dma2 semaphore(%arg15 : memref<!tpu.dma_semaphore, #tpu.memory_space<semaphore_mem>>) src(%dma_wait3A_80 : memref<128xi32, #tpu.memory_space<hbm>>) dst(%arg9 : memref<128xi32, #tpu.memory_space<vmem>>)
        %dma_start3A_81 = arith.constant 0 : i32
        %dma_start3A_82 = arith.constant 0 : i32
        %dma_start3A_83 = tpu.memref_slice %arg2[%dma_start3A_81, %dma_start3A_82] : memref<10000x128xf32, #tpu.memory_space<hbm>> -> memref<10000x128xf32, #tpu.memory_space<hbm>>
        tpu.enqueue_indirect_dma source(%dma_start3A_83 : memref<10000x128xf32, #tpu.memory_space<hbm>>) target(%arg12 : memref<128x128xf32, #tpu.memory_space<vmem>>) offsets(%arg8 : memref<128xi32, #tpu.memory_space<vmem>>) semaphore(%arg14 : memref<!tpu.dma_semaphore, #tpu.memory_space<semaphore_mem>>)
        %dma_wait3A_84 = arith.constant 0 : i32
        %dma_wait3A_85 = arith.constant 0 : i32
        %dma_wait3A_86 = tpu.memref_slice %arg2[%dma_wait3A_84, %dma_wait3A_85] : memref<10000x128xf32, #tpu.memory_space<hbm>> -> memref<10000x128xf32, #tpu.memory_space<hbm>>
        tpu.wait_indirect_dma semaphore(%arg14 : memref<!tpu.dma_semaphore, #tpu.memory_space<semaphore_mem>>) src(%dma_wait3A_86 : memref<10000x128xf32, #tpu.memory_space<hbm>>) dst(%arg12 : memref<128x128xf32, #tpu.memory_space<vmem>>)
        "tpu.region"() ({
          %run_scoped3A = tpu.sem_alloc : memref<!tpu.dma_semaphore, #tpu.memory_space<semaphore_mem>>
          %dma_start3A_87 = arith.constant 0 : i32
          %dma_start3A_88 = arith.constant 0 : i32
          %dma_start3A_89 = tpu.memref_slice %arg16[%dma_start3A_87, %dma_start3A_88] : memref<10000x128xf32, #tpu.memory_space<vmem_shared>> -> memref<10000x128xf32, #tpu.memory_space<vmem_shared>>
          tpu.enqueue_indirect_dma source(%arg12 : memref<128x128xf32, #tpu.memory_space<vmem>>) target(%dma_start3A_89 : memref<10000x128xf32, #tpu.memory_space<vmem_shared>>) offsets(%arg9 : memref<128xi32, #tpu.memory_space<vmem>>) semaphore(%run_scoped3A : memref<!tpu.dma_semaphore, #tpu.memory_space<semaphore_mem>>) {add = true}
          %dma_wait3A_90 = arith.constant 0 : i32
          %dma_wait3A_91 = arith.constant 0 : i32
          %dma_wait3A_92 = tpu.memref_slice %arg16[%dma_wait3A_90, %dma_wait3A_91] : memref<10000x128xf32, #tpu.memory_space<vmem_shared>> -> memref<10000x128xf32, #tpu.memory_space<vmem_shared>>
          tpu.wait_indirect_dma semaphore(%run_scoped3A : memref<!tpu.dma_semaphore, #tpu.memory_space<semaphore_mem>>) src(%arg12 : memref<128x128xf32, #tpu.memory_space<vmem>>) dst(%dma_wait3A_92 : memref<10000x128xf32, #tpu.memory_space<vmem_shared>>)
          tpu.yield
        }) : () -> ()
      } else {
      }
    } else {
    }
    %barrier3A_31 = arith.constant 0 : index
    tpu.barrier barrier_id(%barrier3A_31)
    %while3A_32 = arith.constant 0 : i32
    %while3A_33 = arith.constant 0 : i32
    %while3A_34 = arith.subi %add3A_7, %while3A_33 : i32
    %while3A_35 = arith.addi %while3A_33, %while3A_34 : i32
    %while3A_36 = arith.constant 1 : i32
    %while3A_37 = arith.divsi %while3A_34, %while3A_36 : i32
    %while3A_38 = arith.muli %while3A_37, %while3A_36 : i32
    %while3A_39 = arith.addi %while3A_33, %while3A_38 : i32
    %while3A_40 = arith.constant 1 : i32
    scf.for %while3A_42 = %while3A_33 to %while3A_39 step %while3A_40  : i32 {
      %mul3A = arith.constant 16 : i32
      %mul3A_43 = arith.muli %while3A_42, %mul3A : i32
      %add3A_44 = arith.addi %arg1, %mul3A_43 : i32
      %mul3A_45 = arith.constant 40 : i32
      %mul3A_46 = arith.muli %add3A_44, %mul3A_45 : i32
      %mul3A_47 = arith.constant 40 : i32
      %mul3A_48 = arith.muli %add3A_44, %mul3A_47 : i32
      "tpu.region"() ({
        %run_scoped3A = tpu.sem_alloc : memref<!tpu.dma_semaphore, #tpu.memory_space<semaphore_mem>>
        %dma_start3A = arith.constant 0 : i32
        %dma_start3A_49 = tpu.memref_slice %arg7[%arg0, %mul3A_48, %dma_start3A] : memref<2x10000x128xf32, #tpu.memory_space<hbm>> -> memref<1x40x128xf32, #tpu.memory_space<hbm>>
        %dma_start3A_50 = tpu.memref_squeeze %dma_start3A_49 : memref<1x40x128xf32, #tpu.memory_space<hbm>> -> memref<40x128xf32, #tpu.memory_space<hbm>>
        %dma_start3A_51 = arith.constant 0 : i32
        %dma_start3A_52 = tpu.memref_slice %arg16[%mul3A_46, %dma_start3A_51] : memref<10000x128xf32, #tpu.memory_space<vmem_shared>> -> memref<40x128xf32, #tpu.memory_space<vmem_shared>>
        tpu.enqueue_dma source(%dma_start3A_52 : memref<40x128xf32, #tpu.memory_space<vmem_shared>>) target(%dma_start3A_50 : memref<40x128xf32, #tpu.memory_space<hbm>>) target_semaphore(%run_scoped3A : memref<!tpu.dma_semaphore, #tpu.memory_space<semaphore_mem>>)
        %dma_wait3A = arith.constant 0 : i32
        %dma_wait3A_53 = tpu.memref_slice %arg7[%arg0, %mul3A_48, %dma_wait3A] : memref<2x10000x128xf32, #tpu.memory_space<hbm>> -> memref<1x40x128xf32, #tpu.memory_space<hbm>>
        %dma_wait3A_54 = tpu.memref_squeeze %dma_wait3A_53 : memref<1x40x128xf32, #tpu.memory_space<hbm>> -> memref<40x128xf32, #tpu.memory_space<hbm>>
        %dma_wait3A_55 = arith.constant 0 : i32
        %dma_wait3A_56 = tpu.memref_slice %arg16[%mul3A_46, %dma_wait3A_55] : memref<10000x128xf32, #tpu.memory_space<vmem_shared>> -> memref<40x128xf32, #tpu.memory_space<vmem_shared>>
        tpu.wait_dma2 semaphore(%run_scoped3A : memref<!tpu.dma_semaphore, #tpu.memory_space<semaphore_mem>>) src(%dma_wait3A_56 : memref<40x128xf32, #tpu.memory_space<vmem_shared>>) dst(%dma_wait3A_54 : memref<40x128xf32, #tpu.memory_space<hbm>>)
        tpu.yield
      }) : () -> ()
    }
    %while3A_41 = arith.constant 1 : i32
    scf.for %while3A_42 = %while3A_39 to %while3A_35 step %while3A_41  : i32 {
      %mul3A = arith.constant 16 : i32
      %mul3A_43 = arith.muli %while3A_42, %mul3A : i32
      %add3A_44 = arith.addi %arg1, %mul3A_43 : i32
      %mul3A_45 = arith.constant 40 : i32
      %mul3A_46 = arith.muli %add3A_44, %mul3A_45 : i32
      %mul3A_47 = arith.constant 40 : i32
      %mul3A_48 = arith.muli %add3A_44, %mul3A_47 : i32
      "tpu.region"() ({
        %run_scoped3A = tpu.sem_alloc : memref<!tpu.dma_semaphore, #tpu.memory_space<semaphore_mem>>
        %dma_start3A = arith.constant 0 : i32
        %dma_start3A_49 = tpu.memref_slice %arg7[%arg0, %mul3A_48, %dma_start3A] : memref<2x10000x128xf32, #tpu.memory_space<hbm>> -> memref<1x40x128xf32, #tpu.memory_space<hbm>>
        %dma_start3A_50 = tpu.memref_squeeze %dma_start3A_49 : memref<1x40x128xf32, #tpu.memory_space<hbm>> -> memref<40x128xf32, #tpu.memory_space<hbm>>
        %dma_start3A_51 = arith.constant 0 : i32
        %dma_start3A_52 = tpu.memref_slice %arg16[%mul3A_46, %dma_start3A_51] : memref<10000x128xf32, #tpu.memory_space<vmem_shared>> -> memref<40x128xf32, #tpu.memory_space<vmem_shared>>
        tpu.enqueue_dma source(%dma_start3A_52 : memref<40x128xf32, #tpu.memory_space<vmem_shared>>) target(%dma_start3A_50 : memref<40x128xf32, #tpu.memory_space<hbm>>) target_semaphore(%run_scoped3A : memref<!tpu.dma_semaphore, #tpu.memory_space<semaphore_mem>>)
        %dma_wait3A = arith.constant 0 : i32
        %dma_wait3A_53 = tpu.memref_slice %arg7[%arg0, %mul3A_48, %dma_wait3A] : memref<2x10000x128xf32, #tpu.memory_space<hbm>> -> memref<1x40x128xf32, #tpu.memory_space<hbm>>
        %dma_wait3A_54 = tpu.memref_squeeze %dma_wait3A_53 : memref<1x40x128xf32, #tpu.memory_space<hbm>> -> memref<40x128xf32, #tpu.memory_space<hbm>>
        %dma_wait3A_55 = arith.constant 0 : i32
        %dma_wait3A_56 = tpu.memref_slice %arg16[%mul3A_46, %dma_wait3A_55] : memref<10000x128xf32, #tpu.memory_space<vmem_shared>> -> memref<40x128xf32, #tpu.memory_space<vmem_shared>>
        tpu.wait_dma2 semaphore(%run_scoped3A : memref<!tpu.dma_semaphore, #tpu.memory_space<semaphore_mem>>) src(%dma_wait3A_56 : memref<40x128xf32, #tpu.memory_space<vmem_shared>>) dst(%dma_wait3A_54 : memref<40x128xf32, #tpu.memory_space<hbm>>)
        tpu.yield
      }) : () -> ()
    }
    return
  }
}

#map = affine_map<(d0, d1) -> (0, 0)>
#map1 = affine_map<(d0, d1) -> (0)>
#map2 = affine_map<(d0, d1) -> (0, 0, 0)>
module attributes {stable_mosaic.version = 14 : i64} {
  func.func @body(%arg0: i32, %arg1: i32, %arg2: memref<10000x128xf32, #tpu.memory_space<hbm>>, %arg3: memref<160000xi32, #tpu.memory_space<hbm>>, %arg4: memref<160000xi32, #tpu.memory_space<hbm>>, %arg5: memref<160000xi32, #tpu.memory_space<hbm>>, %arg6: memref<160000xi32, #tpu.memory_space<hbm>>, %arg7: memref<2x10000x128xf32, #tpu.memory_space<hbm>>, %arg8: memref<128xi32, #tpu.memory_space<vmem>>, %arg9: memref<128xi32, #tpu.memory_space<vmem>>, %arg10: memref<128xi32, #tpu.memory_space<vmem>>, %arg11: memref<128xi32, #tpu.memory_space<vmem>>, %arg12: memref<128x128xf32, #tpu.memory_space<vmem>>, %arg13: memref<40x128xf32, #tpu.memory_space<vmem>>, %arg14: memref<!tpu.dma_semaphore, #tpu.memory_space<semaphore_mem>>, %arg15: memref<!tpu.dma_semaphore, #tpu.memory_space<semaphore_mem>>, %arg16: memref<10000x128xf32, #tpu.memory_space<vmem_shared>>) attributes {dimension_semantics = [#tpu.dimension_semantics<core_parallel>, #tpu.dimension_semantics<subcore_parallel>], iteration_bounds = array<i64: 2, 16>, scalar_prefetch = 0 : i64, scratch_operands = 9 : i64, tpu.core_type = #tpu.core_type<sc_vector_subcore>, window_params = [{transform_indices = #map}, {transform_indices = #map1}, {transform_indices = #map1}, {transform_indices = #map1}, {transform_indices = #map1}, {transform_indices = #map2}]} {
    %scan3A = arith.constant 0 : i32
    %scan3A_0 = arith.constant 0 : i32
    %scan3A_1 = arith.constant 40 : i32
    %scan3A_2 = arith.addi %scan3A_0, %scan3A_1 : i32
    %scan3A_3 = arith.constant 1 : i32
    scf.for %scan3A_42 = %scan3A_0 to %scan3A_2 step %scan3A_3  : i32 {
      %broadcast_in_dim3A = arith.constant 0.000000e+00 : f32
      %broadcast_in_dim3A_43 = vector.broadcast %broadcast_in_dim3A : f32 to vector<16xf32>
      %swap3A = arith.index_cast %scan3A_42 : i32 to index
      %swap3A_44 = arith.constant 0 : index
      %swap3A_45 = tpu.vector_load %arg13[%swap3A, %swap3A_44] {strides = array<i32>} : memref<40x128xf32, #tpu.memory_space<vmem>>, vector<1x16xf32>,
      %swap3A_46 = vector.shape_cast %swap3A_45 : vector<1x16xf32> to vector<16xf32>
      %swap3A_47 = vector.shape_cast %broadcast_in_dim3A_43 : vector<16xf32> to vector<1x16xf32>
      tpu.vector_store %arg13[%swap3A, %swap3A_44], %swap3A_47 {strides = array<i32>} : memref<40x128xf32, #tpu.memory_space<vmem>>, vector<1x16xf32>,
      %broadcast_in_dim3A_48 = arith.constant 0.000000e+00 : f32
      %broadcast_in_dim3A_49 = vector.broadcast %broadcast_in_dim3A_48 : f32 to vector<16xf32>
      %swap3A_50 = arith.index_cast %scan3A_42 : i32 to index
      %swap3A_51 = arith.constant 16 : index
      %swap3A_52 = tpu.vector_load %arg13[%swap3A_50, %swap3A_51] {strides = array<i32>} : memref<40x128xf32, #tpu.memory_space<vmem>>, vector<1x16xf32>,
      %swap3A_53 = vector.shape_cast %swap3A_52 : vector<1x16xf32> to vector<16xf32>
      %swap3A_54 = vector.shape_cast %broadcast_in_dim3A_49 : vector<16xf32> to vector<1x16xf32>
      tpu.vector_store %arg13[%swap3A_50, %swap3A_51], %swap3A_54 {strides = array<i32>} : memref<40x128xf32, #tpu.memory_space<vmem>>, vector<1x16xf32>,
      %broadcast_in_dim3A_55 = arith.constant 0.000000e+00 : f32
      %broadcast_in_dim3A_56 = vector.broadcast %broadcast_in_dim3A_55 : f32 to vector<16xf32>
      %swap3A_57 = arith.index_cast %scan3A_42 : i32 to index
      %swap3A_58 = arith.constant 32 : index
      %swap3A_59 = tpu.vector_load %arg13[%swap3A_57, %swap3A_58] {strides = array<i32>} : memref<40x128xf32, #tpu.memory_space<vmem>>, vector<1x16xf32>,
      %swap3A_60 = vector.shape_cast %swap3A_59 : vector<1x16xf32> to vector<16xf32>
      %swap3A_61 = vector.shape_cast %broadcast_in_dim3A_56 : vector<16xf32> to vector<1x16xf32>
      tpu.vector_store %arg13[%swap3A_57, %swap3A_58], %swap3A_61 {strides = array<i32>} : memref<40x128xf32, #tpu.memory_space<vmem>>, vector<1x16xf32>,
      %broadcast_in_dim3A_62 = arith.constant 0.000000e+00 : f32
      %broadcast_in_dim3A_63 = vector.broadcast %broadcast_in_dim3A_62 : f32 to vector<16xf32>
      %swap3A_64 = arith.index_cast %scan3A_42 : i32 to index
      %swap3A_65 = arith.constant 48 : index
      %swap3A_66 = tpu.vector_load %arg13[%swap3A_64, %swap3A_65] {strides = array<i32>} : memref<40x128xf32, #tpu.memory_space<vmem>>, vector<1x16xf32>,
      %swap3A_67 = vector.shape_cast %swap3A_66 : vector<1x16xf32> to vector<16xf32>
      %swap3A_68 = vector.shape_cast %broadcast_in_dim3A_63 : vector<16xf32> to vector<1x16xf32>
      tpu.vector_store %arg13[%swap3A_64, %swap3A_65], %swap3A_68 {strides = array<i32>} : memref<40x128xf32, #tpu.memory_space<vmem>>, vector<1x16xf32>,
      %broadcast_in_dim3A_69 = arith.constant 0.000000e+00 : f32
      %broadcast_in_dim3A_70 = vector.broadcast %broadcast_in_dim3A_69 : f32 to vector<16xf32>
      %swap3A_71 = arith.index_cast %scan3A_42 : i32 to index
      %swap3A_72 = arith.constant 64 : index
      %swap3A_73 = tpu.vector_load %arg13[%swap3A_71, %swap3A_72] {strides = array<i32>} : memref<40x128xf32, #tpu.memory_space<vmem>>, vector<1x16xf32>,
      %swap3A_74 = vector.shape_cast %swap3A_73 : vector<1x16xf32> to vector<16xf32>
      %swap3A_75 = vector.shape_cast %broadcast_in_dim3A_70 : vector<16xf32> to vector<1x16xf32>
      tpu.vector_store %arg13[%swap3A_71, %swap3A_72], %swap3A_75 {strides = array<i32>} : memref<40x128xf32, #tpu.memory_space<vmem>>, vector<1x16xf32>,
      %broadcast_in_dim3A_76 = arith.constant 0.000000e+00 : f32
      %broadcast_in_dim3A_77 = vector.broadcast %broadcast_in_dim3A_76 : f32 to vector<16xf32>
      %swap3A_78 = arith.index_cast %scan3A_42 : i32 to index
      %swap3A_79 = arith.constant 80 : index
      %swap3A_80 = tpu.vector_load %arg13[%swap3A_78, %swap3A_79] {strides = array<i32>} : memref<40x128xf32, #tpu.memory_space<vmem>>, vector<1x16xf32>,
      %swap3A_81 = vector.shape_cast %swap3A_80 : vector<1x16xf32> to vector<16xf32>
      %swap3A_82 = vector.shape_cast %broadcast_in_dim3A_77 : vector<16xf32> to vector<1x16xf32>
      tpu.vector_store %arg13[%swap3A_78, %swap3A_79], %swap3A_82 {strides = array<i32>} : memref<40x128xf32, #tpu.memory_space<vmem>>, vector<1x16xf32>,
      %broadcast_in_dim3A_83 = arith.constant 0.000000e+00 : f32
      %broadcast_in_dim3A_84 = vector.broadcast %broadcast_in_dim3A_83 : f32 to vector<16xf32>
      %swap3A_85 = arith.index_cast %scan3A_42 : i32 to index
      %swap3A_86 = arith.constant 96 : index
      %swap3A_87 = tpu.vector_load %arg13[%swap3A_85, %swap3A_86] {strides = array<i32>} : memref<40x128xf32, #tpu.memory_space<vmem>>, vector<1x16xf32>,
      %swap3A_88 = vector.shape_cast %swap3A_87 : vector<1x16xf32> to vector<16xf32>
      %swap3A_89 = vector.shape_cast %broadcast_in_dim3A_84 : vector<16xf32> to vector<1x16xf32>
      tpu.vector_store %arg13[%swap3A_85, %swap3A_86], %swap3A_89 {strides = array<i32>} : memref<40x128xf32, #tpu.memory_space<vmem>>, vector<1x16xf32>,
      %broadcast_in_dim3A_90 = arith.constant 0.000000e+00 : f32
      %broadcast_in_dim3A_91 = vector.broadcast %broadcast_in_dim3A_90 : f32 to vector<16xf32>
      %swap3A_92 = arith.index_cast %scan3A_42 : i32 to index
      %swap3A_93 = arith.constant 112 : index
      %swap3A_94 = tpu.vector_load %arg13[%swap3A_92, %swap3A_93] {strides = array<i32>} : memref<40x128xf32, #tpu.memory_space<vmem>>, vector<1x16xf32>,
      %swap3A_95 = vector.shape_cast %swap3A_94 : vector<1x16xf32> to vector<16xf32>
      %swap3A_96 = vector.shape_cast %broadcast_in_dim3A_91 : vector<16xf32> to vector<1x16xf32>
      tpu.vector_store %arg13[%swap3A_92, %swap3A_93], %swap3A_96 {strides = array<i32>} : memref<40x128xf32, #tpu.memory_space<vmem>>, vector<1x16xf32>,
    }
    %scan3A_4 = arith.constant 40 : i32
    %lt3A = arith.constant 10 : i32
    %lt3A_5 = arith.cmpi slt, %arg1, %lt3A : i32
    %jit3A = arith.constant 1 : i32
    %jit3A_6 = arith.constant 0 : i32
    %select_n3A = arith.select %lt3A_5, %jit3A, %jit3A_6 : i32
    %add3A = arith.constant 15 : i32
    %add3A_7 = arith.addi %add3A, %select_n3A : i32
    %while3A = arith.constant 0 : i32
    %while3A_8 = arith.constant 0 : i32
    %while3A_9 = arith.subi %add3A_7, %while3A_8 : i32
    %while3A_10 = arith.addi %while3A_8, %while3A_9 : i32
    %while3A_11 = arith.constant 1 : i32
    %while3A_12 = arith.divsi %while3A_9, %while3A_11 : i32
    %while3A_13 = arith.muli %while3A_12, %while3A_11 : i32
    %while3A_14 = arith.addi %while3A_8, %while3A_13 : i32
    %while3A_15 = arith.constant 1 : i32
    scf.for %while3A_42 = %while3A_8 to %while3A_14 step %while3A_15  : i32 {
      %mul3A = arith.constant 16 : i32
      %mul3A_43 = arith.muli %while3A_42, %mul3A : i32
      %add3A_44 = arith.addi %arg1, %mul3A_43 : i32
      %mul3A_45 = arith.constant 40 : i32
      %mul3A_46 = arith.muli %add3A_44, %mul3A_45 : i32
      "tpu.region"() ({
        %run_scoped3A = tpu.sem_alloc : memref<!tpu.dma_semaphore, #tpu.memory_space<semaphore_mem>>
        %dma_start3A = arith.constant 0 : i32
        %dma_start3A_47 = tpu.memref_slice %arg16[%mul3A_46, %dma_start3A] : memref<10000x128xf32, #tpu.memory_space<vmem_shared>> -> memref<40x128xf32, #tpu.memory_space<vmem_shared>>
        %dma_start3A_48 = arith.constant 0 : i32
        %dma_start3A_49 = tpu.memref_slice %arg16[%mul3A_46, %dma_start3A_48] : memref<10000x128xf32, #tpu.memory_space<vmem_shared>> -> memref<40x128xf32, #tpu.memory_space<vmem_shared>>
        tpu.enqueue_dma source(%arg13 : memref<40x128xf32, #tpu.memory_space<vmem>>) target(%dma_start3A_49 : memref<40x128xf32, #tpu.memory_space<vmem_shared>>) target_semaphore(%run_scoped3A : memref<!tpu.dma_semaphore, #tpu.memory_space<semaphore_mem>>)
        %dma_wait3A = arith.constant 0 : i32
        %dma_wait3A_50 = tpu.memref_slice %arg16[%mul3A_46, %dma_wait3A] : memref<10000x128xf32, #tpu.memory_space<vmem_shared>> -> memref<40x128xf32, #tpu.memory_space<vmem_shared>>
        %dma_wait3A_51 = arith.constant 0 : i32
        %dma_wait3A_52 = tpu.memref_slice %arg16[%mul3A_46, %dma_wait3A_51] : memref<10000x128xf32, #tpu.memory_space<vmem_shared>> -> memref<40x128xf32, #tpu.memory_space<vmem_shared>>
        tpu.wait_dma2 semaphore(%run_scoped3A : memref<!tpu.dma_semaphore, #tpu.memory_space<semaphore_mem>>) src(%arg13 : memref<40x128xf32, #tpu.memory_space<vmem>>) dst(%dma_wait3A_52 : memref<40x128xf32, #tpu.memory_space<vmem_shared>>)
        tpu.yield
      }) : () -> ()
    }
    %while3A_16 = arith.constant 1 : i32
    scf.for %while3A_42 = %while3A_14 to %while3A_10 step %while3A_16  : i32 {
      %mul3A = arith.constant 16 : i32
      %mul3A_43 = arith.muli %while3A_42, %mul3A : i32
      %add3A_44 = arith.addi %arg1, %mul3A_43 : i32
      %mul3A_45 = arith.constant 40 : i32
      %mul3A_46 = arith.muli %add3A_44, %mul3A_45 : i32
      "tpu.region"() ({
        %run_scoped3A = tpu.sem_alloc : memref<!tpu.dma_semaphore, #tpu.memory_space<semaphore_mem>>
        %dma_start3A = arith.constant 0 : i32
        %dma_start3A_47 = tpu.memref_slice %arg16[%mul3A_46, %dma_start3A] : memref<10000x128xf32, #tpu.memory_space<vmem_shared>> -> memref<40x128xf32, #tpu.memory_space<vmem_shared>>
        %dma_start3A_48 = arith.constant 0 : i32
        %dma_start3A_49 = tpu.memref_slice %arg16[%mul3A_46, %dma_start3A_48] : memref<10000x128xf32, #tpu.memory_space<vmem_shared>> -> memref<40x128xf32, #tpu.memory_space<vmem_shared>>
        tpu.enqueue_dma source(%arg13 : memref<40x128xf32, #tpu.memory_space<vmem>>) target(%dma_start3A_49 : memref<40x128xf32, #tpu.memory_space<vmem_shared>>) target_semaphore(%run_scoped3A : memref<!tpu.dma_semaphore, #tpu.memory_space<semaphore_mem>>)
        %dma_wait3A = arith.constant 0 : i32
        %dma_wait3A_50 = tpu.memref_slice %arg16[%mul3A_46, %dma_wait3A] : memref<10000x128xf32, #tpu.memory_space<vmem_shared>> -> memref<40x128xf32, #tpu.memory_space<vmem_shared>>
        %dma_wait3A_51 = arith.constant 0 : i32
        %dma_wait3A_52 = tpu.memref_slice %arg16[%mul3A_46, %dma_wait3A_51] : memref<10000x128xf32, #tpu.memory_space<vmem_shared>> -> memref<40x128xf32, #tpu.memory_space<vmem_shared>>
        tpu.wait_dma2 semaphore(%run_scoped3A : memref<!tpu.dma_semaphore, #tpu.memory_space<semaphore_mem>>) src(%arg13 : memref<40x128xf32, #tpu.memory_space<vmem>>) dst(%dma_wait3A_52 : memref<40x128xf32, #tpu.memory_space<vmem_shared>>)
        tpu.yield
      }) : () -> ()
    }
    %barrier3A = arith.constant 0 : index
    tpu.barrier barrier_id(%barrier3A)
    %lt3A_17 = arith.constant 2 : i32
    %lt3A_18 = arith.cmpi slt, %arg1, %lt3A_17 : i32
    %jit3A_19 = arith.constant 1 : i32
    %jit3A_20 = arith.constant 0 : i32
    %select_n3A_21 = arith.select %lt3A_18, %jit3A_19, %jit3A_20 : i32
    %add3A_22 = arith.constant 78 : i32
    %add3A_23 = arith.addi %add3A_22, %select_n3A_21 : i32
    %eq3A = arith.constant 0 : i32
    %eq3A_24 = arith.cmpi eq, %arg0, %eq3A : i32
    %convert_element_type3A = arith.extui %eq3A_24 : i1 to i32
    %cond3A = arith.constant 0 : i32
    %cond3A_25 = arith.cmpi ne, %convert_element_type3A, %cond3A : i32
    scf.if %cond3A_25 {
      %add3A_42 = arith.constant 0 : i32
      %add3A_43 = arith.addi %arg1, %add3A_42 : i32
      %mul3A = arith.constant 128 : i32
      %mul3A_44 = arith.muli %add3A_43, %mul3A : i32
      %dma_start3A = tpu.memref_slice %arg3[%mul3A_44] : memref<160000xi32, #tpu.memory_space<hbm>> -> memref<128xi32, #tpu.memory_space<hbm>>
      %dma_start3A_45 = tpu.memref_slice %arg3[%mul3A_44] : memref<160000xi32, #tpu.memory_space<hbm>> -> memref<128xi32, #tpu.memory_space<hbm>>
      tpu.enqueue_dma source(%dma_start3A_45 : memref<128xi32, #tpu.memory_space<hbm>>) target(%arg8 : memref<128xi32, #tpu.memory_space<vmem>>) target_semaphore(%arg15 : memref<!tpu.dma_semaphore, #tpu.memory_space<semaphore_mem>>)
      %mul3A_46 = arith.constant 128 : i32
      %mul3A_47 = arith.muli %add3A_43, %mul3A_46 : i32
      %dma_start3A_48 = tpu.memref_slice %arg4[%mul3A_47] : memref<160000xi32, #tpu.memory_space<hbm>> -> memref<128xi32, #tpu.memory_space<hbm>>
      %dma_start3A_49 = tpu.memref_slice %arg4[%mul3A_47] : memref<160000xi32, #tpu.memory_space<hbm>> -> memref<128xi32, #tpu.memory_space<hbm>>
      tpu.enqueue_dma source(%dma_start3A_49 : memref<128xi32, #tpu.memory_space<hbm>>) target(%arg9 : memref<128xi32, #tpu.memory_space<vmem>>) target_semaphore(%arg15 : memref<!tpu.dma_semaphore, #tpu.memory_space<semaphore_mem>>)
      %scan3A_50 = arith.constant 0 : i32
      %scan3A_51 = arith.constant 0 : i32
      %scan3A_52 = arith.constant 39 : i32
      %scan3A_53 = arith.addi %scan3A_51, %scan3A_52 : i32
      %scan3A_54 = arith.constant 1 : i32
      scf.for %scan3A_74 = %scan3A_51 to %scan3A_53 step %scan3A_54  : i32 {
        %mul3A_75 = arith.constant 2 : i32
        %mul3A_76 = arith.muli %mul3A_75, %scan3A_74 : i32
        %dma_wait3A = arith.constant 0 : i32
        %dma_wait3A_77 = tpu.memref_slice %arg3[%dma_wait3A] : memref<160000xi32, #tpu.memory_space<hbm>> -> memref<128xi32, #tpu.memory_space<hbm>>
        %dma_wait3A_78 = arith.constant 0 : i32
        %dma_wait3A_79 = tpu.memref_slice %arg3[%dma_wait3A_78] : memref<160000xi32, #tpu.memory_space<hbm>> -> memref<128xi32, #tpu.memory_space<hbm>>
        tpu.wait_dma2 semaphore(%arg15 : memref<!tpu.dma_semaphore, #tpu.memory_space<semaphore_mem>>) src(%dma_wait3A_79 : memref<128xi32, #tpu.memory_space<hbm>>) dst(%arg8 : memref<128xi32, #tpu.memory_space<vmem>>)
        %dma_wait3A_80 = arith.constant 0 : i32
        %dma_wait3A_81 = tpu.memref_slice %arg4[%dma_wait3A_80] : memref<160000xi32, #tpu.memory_space<hbm>> -> memref<128xi32, #tpu.memory_space<hbm>>
        %dma_wait3A_82 = arith.constant 0 : i32
        %dma_wait3A_83 = tpu.memref_slice %arg4[%dma_wait3A_82] : memref<160000xi32, #tpu.memory_space<hbm>> -> memref<128xi32, #tpu.memory_space<hbm>>
        tpu.wait_dma2 semaphore(%arg15 : memref<!tpu.dma_semaphore, #tpu.memory_space<semaphore_mem>>) src(%dma_wait3A_83 : memref<128xi32, #tpu.memory_space<hbm>>) dst(%arg9 : memref<128xi32, #tpu.memory_space<vmem>>)
        %add3A_84 = arith.constant 1 : i32
        %add3A_85 = arith.addi %mul3A_76, %add3A_84 : i32
        %mul3A_86 = arith.constant 16 : i32
        %mul3A_87 = arith.muli %add3A_85, %mul3A_86 : i32
        %add3A_88 = arith.addi %arg1, %mul3A_87 : i32
        %mul3A_89 = arith.constant 128 : i32
        %mul3A_90 = arith.muli %add3A_88, %mul3A_89 : i32
        %dma_start3A_91 = tpu.memref_slice %arg3[%mul3A_90] : memref<160000xi32, #tpu.memory_space<hbm>> -> memref<128xi32, #tpu.memory_space<hbm>>
        %dma_start3A_92 = tpu.memref_slice %arg3[%mul3A_90] : memref<160000xi32, #tpu.memory_space<hbm>> -> memref<128xi32, #tpu.memory_space<hbm>>
        tpu.enqueue_dma source(%dma_start3A_92 : memref<128xi32, #tpu.memory_space<hbm>>) target(%arg10 : memref<128xi32, #tpu.memory_space<vmem>>) target_semaphore(%arg15 : memref<!tpu.dma_semaphore, #tpu.memory_space<semaphore_mem>>)
        %mul3A_93 = arith.constant 128 : i32
        %mul3A_94 = arith.muli %add3A_88, %mul3A_93 : i32
        %dma_start3A_95 = tpu.memref_slice %arg4[%mul3A_94] : memref<160000xi32, #tpu.memory_space<hbm>> -> memref<128xi32, #tpu.memory_space<hbm>>
        %dma_start3A_96 = tpu.memref_slice %arg4[%mul3A_94] : memref<160000xi32, #tpu.memory_space<hbm>> -> memref<128xi32, #tpu.memory_space<hbm>>
        tpu.enqueue_dma source(%dma_start3A_96 : memref<128xi32, #tpu.memory_space<hbm>>) target(%arg11 : memref<128xi32, #tpu.memory_space<vmem>>) target_semaphore(%arg15 : memref<!tpu.dma_semaphore, #tpu.memory_space<semaphore_mem>>)
        %dma_start3A_97 = arith.constant 0 : i32
        %dma_start3A_98 = arith.constant 0 : i32
        %dma_start3A_99 = tpu.memref_slice %arg2[%dma_start3A_97, %dma_start3A_98] : memref<10000x128xf32, #tpu.memory_space<hbm>> -> memref<10000x128xf32, #tpu.memory_space<hbm>>
        tpu.enqueue_indirect_dma source(%dma_start3A_99 : memref<10000x128xf32, #tpu.memory_space<hbm>>) target(%arg12 : memref<128x128xf32, #tpu.memory_space<vmem>>) offsets(%arg8 : memref<128xi32, #tpu.memory_space<vmem>>) semaphore(%arg14 : memref<!tpu.dma_semaphore, #tpu.memory_space<semaphore_mem>>)
        %dma_wait3A_100 = arith.constant 0 : i32
        %dma_wait3A_101 = arith.constant 0 : i32
        %dma_wait3A_102 = tpu.memref_slice %arg2[%dma_wait3A_100, %dma_wait3A_101] : memref<10000x128xf32, #tpu.memory_space<hbm>> -> memref<10000x128xf32, #tpu.memory_space<hbm>>
        tpu.wait_indirect_dma semaphore(%arg14 : memref<!tpu.dma_semaphore, #tpu.memory_space<semaphore_mem>>) src(%dma_wait3A_102 : memref<10000x128xf32, #tpu.memory_space<hbm>>) dst(%arg12 : memref<128x128xf32, #tpu.memory_space<vmem>>)
        "tpu.region"() ({
          %run_scoped3A = tpu.sem_alloc : memref<!tpu.dma_semaphore, #tpu.memory_space<semaphore_mem>>
          %dma_start3A_123 = arith.constant 0 : i32
          %dma_start3A_124 = arith.constant 0 : i32
          %dma_start3A_125 = tpu.memref_slice %arg16[%dma_start3A_123, %dma_start3A_124] : memref<10000x128xf32, #tpu.memory_space<vmem_shared>> -> memref<10000x128xf32, #tpu.memory_space<vmem_shared>>
          tpu.enqueue_indirect_dma source(%arg12 : memref<128x128xf32, #tpu.memory_space<vmem>>) target(%dma_start3A_125 : memref<10000x128xf32, #tpu.memory_space<vmem_shared>>) offsets(%arg9 : memref<128xi32, #tpu.memory_space<vmem>>) semaphore(%run_scoped3A : memref<!tpu.dma_semaphore, #tpu.memory_space<semaphore_mem>>) {add = true}
          %dma_wait3A_126 = arith.constant 0 : i32
          %dma_wait3A_127 = arith.constant 0 : i32
          %dma_wait3A_128 = tpu.memref_slice %arg16[%dma_wait3A_126, %dma_wait3A_127] : memref<10000x128xf32, #tpu.memory_space<vmem_shared>> -> memref<10000x128xf32, #tpu.memory_space<vmem_shared>>
          tpu.wait_indirect_dma semaphore(%run_scoped3A : memref<!tpu.dma_semaphore, #tpu.memory_space<semaphore_mem>>) src(%arg12 : memref<128x128xf32, #tpu.memory_space<vmem>>) dst(%dma_wait3A_128 : memref<10000x128xf32, #tpu.memory_space<vmem_shared>>)
          tpu.yield
        }) : () -> ()
        %dma_wait3A_103 = arith.constant 0 : i32
        %dma_wait3A_104 = tpu.memref_slice %arg3[%dma_wait3A_103] : memref<160000xi32, #tpu.memory_space<hbm>> -> memref<128xi32, #tpu.memory_space<hbm>>
        %dma_wait3A_105 = arith.constant 0 : i32
        %dma_wait3A_106 = tpu.memref_slice %arg3[%dma_wait3A_105] : memref<160000xi32, #tpu.memory_space<hbm>> -> memref<128xi32, #tpu.memory_space<hbm>>
        tpu.wait_dma2 semaphore(%arg15 : memref<!tpu.dma_semaphore, #tpu.memory_space<semaphore_mem>>) src(%dma_wait3A_106 : memref<128xi32, #tpu.memory_space<hbm>>) dst(%arg10 : memref<128xi32, #tpu.memory_space<vmem>>)
        %dma_wait3A_107 = arith.constant 0 : i32
        %dma_wait3A_108 = tpu.memref_slice %arg4[%dma_wait3A_107] : memref<160000xi32, #tpu.memory_space<hbm>> -> memref<128xi32, #tpu.memory_space<hbm>>
        %dma_wait3A_109 = arith.constant 0 : i32
        %dma_wait3A_110 = tpu.memref_slice %arg4[%dma_wait3A_109] : memref<160000xi32, #tpu.memory_space<hbm>> -> memref<128xi32, #tpu.memory_space<hbm>>
        tpu.wait_dma2 semaphore(%arg15 : memref<!tpu.dma_semaphore, #tpu.memory_space<semaphore_mem>>) src(%dma_wait3A_110 : memref<128xi32, #tpu.memory_space<hbm>>) dst(%arg11 : memref<128xi32, #tpu.memory_space<vmem>>)
        %add3A_111 = arith.constant 2 : i32
        %add3A_112 = arith.addi %mul3A_76, %add3A_111 : i32
        %lt3A_113 = arith.cmpi slt, %add3A_112, %add3A_23 : i32
        %convert_element_type3A_114 = arith.extui %lt3A_113 : i1 to i32
        %cond3A_115 = arith.constant 0 : i32
        %cond3A_116 = arith.cmpi ne, %convert_element_type3A_114, %cond3A_115 : i32
        scf.if %cond3A_116 {
          %add3A_123 = arith.constant 2 : i32
          %add3A_124 = arith.addi %mul3A_76, %add3A_123 : i32
          %mul3A_125 = arith.constant 16 : i32
          %mul3A_126 = arith.muli %add3A_124, %mul3A_125 : i32
          %add3A_127 = arith.addi %arg1, %mul3A_126 : i32
          %mul3A_128 = arith.constant 128 : i32
          %mul3A_129 = arith.muli %add3A_127, %mul3A_128 : i32
          %dma_start3A_130 = tpu.memref_slice %arg3[%mul3A_129] : memref<160000xi32, #tpu.memory_space<hbm>> -> memref<128xi32, #tpu.memory_space<hbm>>
          %dma_start3A_131 = tpu.memref_slice %arg3[%mul3A_129] : memref<160000xi32, #tpu.memory_space<hbm>> -> memref<128xi32, #tpu.memory_space<hbm>>
          tpu.enqueue_dma source(%dma_start3A_131 : memref<128xi32, #tpu.memory_space<hbm>>) target(%arg8 : memref<128xi32, #tpu.memory_space<vmem>>) target_semaphore(%arg15 : memref<!tpu.dma_semaphore, #tpu.memory_space<semaphore_mem>>)
          %mul3A_132 = arith.constant 128 : i32
          %mul3A_133 = arith.muli %add3A_127, %mul3A_132 : i32
          %dma_start3A_134 = tpu.memref_slice %arg4[%mul3A_133] : memref<160000xi32, #tpu.memory_space<hbm>> -> memref<128xi32, #tpu.memory_space<hbm>>
          %dma_start3A_135 = tpu.memref_slice %arg4[%mul3A_133] : memref<160000xi32, #tpu.memory_space<hbm>> -> memref<128xi32, #tpu.memory_space<hbm>>
          tpu.enqueue_dma source(%dma_start3A_135 : memref<128xi32, #tpu.memory_space<hbm>>) target(%arg9 : memref<128xi32, #tpu.memory_space<vmem>>) target_semaphore(%arg15 : memref<!tpu.dma_semaphore, #tpu.memory_space<semaphore_mem>>)
        } else {
        }
        %dma_start3A_117 = arith.constant 0 : i32
        %dma_start3A_118 = arith.constant 0 : i32
        %dma_start3A_119 = tpu.memref_slice %arg2[%dma_start3A_117, %dma_start3A_118] : memref<10000x128xf32, #tpu.memory_space<hbm>> -> memref<10000x128xf32, #tpu.memory_space<hbm>>
        tpu.enqueue_indirect_dma source(%dma_start3A_119 : memref<10000x128xf32, #tpu.memory_space<hbm>>) target(%arg12 : memref<128x128xf32, #tpu.memory_space<vmem>>) offsets(%arg10 : memref<128xi32, #tpu.memory_space<vmem>>) semaphore(%arg14 : memref<!tpu.dma_semaphore, #tpu.memory_space<semaphore_mem>>)
        %dma_wait3A_120 = arith.constant 0 : i32
        %dma_wait3A_121 = arith.constant 0 : i32
        %dma_wait3A_122 = tpu.memref_slice %arg2[%dma_wait3A_120, %dma_wait3A_121] : memref<10000x128xf32, #tpu.memory_space<hbm>> -> memref<10000x128xf32, #tpu.memory_space<hbm>>
        tpu.wait_indirect_dma semaphore(%arg14 : memref<!tpu.dma_semaphore, #tpu.memory_space<semaphore_mem>>) src(%dma_wait3A_122 : memref<10000x128xf32, #tpu.memory_space<hbm>>) dst(%arg12 : memref<128x128xf32, #tpu.memory_space<vmem>>)
        "tpu.region"() ({
          %run_scoped3A = tpu.sem_alloc : memref<!tpu.dma_semaphore, #tpu.memory_space<semaphore_mem>>
          %dma_start3A_123 = arith.constant 0 : i32
          %dma_start3A_124 = arith.constant 0 : i32
          %dma_start3A_125 = tpu.memref_slice %arg16[%dma_start3A_123, %dma_start3A_124] : memref<10000x128xf32, #tpu.memory_space<vmem_shared>> -> memref<10000x128xf32, #tpu.memory_space<vmem_shared>>
          tpu.enqueue_indirect_dma source(%arg12 : memref<128x128xf32, #tpu.memory_space<vmem>>) target(%dma_start3A_125 : memref<10000x128xf32, #tpu.memory_space<vmem_shared>>) offsets(%arg11 : memref<128xi32, #tpu.memory_space<vmem>>) semaphore(%run_scoped3A : memref<!tpu.dma_semaphore, #tpu.memory_space<semaphore_mem>>) {add = true}
          %dma_wait3A_126 = arith.constant 0 : i32
          %dma_wait3A_127 = arith.constant 0 : i32
          %dma_wait3A_128 = tpu.memref_slice %arg16[%dma_wait3A_126, %dma_wait3A_127] : memref<10000x128xf32, #tpu.memory_space<vmem_shared>> -> memref<10000x128xf32, #tpu.memory_space<vmem_shared>>
          tpu.wait_indirect_dma semaphore(%run_scoped3A : memref<!tpu.dma_semaphore, #tpu.memory_space<semaphore_mem>>) src(%arg12 : memref<128x128xf32, #tpu.memory_space<vmem>>) dst(%dma_wait3A_128 : memref<10000x128xf32, #tpu.memory_space<vmem_shared>>)
          tpu.yield
        }) : () -> ()
      }
      %scan3A_55 = arith.constant 39 : i32
      %jit3A_56 = arith.constant 2 : i32
      %eq3A_57 = arith.constant 0 : i32
      %eq3A_58 = arith.cmpi eq, %jit3A_56, %eq3A_57 : i32
      %jit3A_59 = arith.constant 1 : i32
      %select_n3A_60 = arith.select %eq3A_58, %jit3A_59, %jit3A_56 : i32
      %rem3A = arith.remsi %add3A_23, %select_n3A_60 : i32
      %ne3A = arith.constant 0 : i32
      %ne3A_61 = arith.cmpi ne, %rem3A, %ne3A : i32
      %lt3A_62 = arith.constant 0 : i32
      %lt3A_63 = arith.cmpi slt, %rem3A, %lt3A_62 : i32
      %lt3A_64 = arith.constant 0 : i32
      %lt3A_65 = arith.cmpi slt, %select_n3A_60, %lt3A_64 : i32
      %ne3A_66 = arith.xori %lt3A_63, %lt3A_65 : i1
      %and3A = arith.andi %ne3A_66, %ne3A_61 : i1
      %add3A_67 = arith.addi %rem3A, %select_n3A_60 : i32
      %select_n3A_68 = arith.select %and3A, %add3A_67, %rem3A : i32
      %eq3A_69 = arith.constant 1 : i32
      %eq3A_70 = arith.cmpi eq, %select_n3A_68, %eq3A_69 : i32
      %convert_element_type3A_71 = arith.extui %eq3A_70 : i1 to i32
      %cond3A_72 = arith.constant 0 : i32
      %cond3A_73 = arith.cmpi ne, %convert_element_type3A_71, %cond3A_72 : i32
      scf.if %cond3A_73 {
        %dma_wait3A = arith.constant 0 : i32
        %dma_wait3A_74 = tpu.memref_slice %arg3[%dma_wait3A] : memref<160000xi32, #tpu.memory_space<hbm>> -> memref<128xi32, #tpu.memory_space<hbm>>
        %dma_wait3A_75 = arith.constant 0 : i32
        %dma_wait3A_76 = tpu.memref_slice %arg3[%dma_wait3A_75] : memref<160000xi32, #tpu.memory_space<hbm>> -> memref<128xi32, #tpu.memory_space<hbm>>
        tpu.wait_dma2 semaphore(%arg15 : memref<!tpu.dma_semaphore, #tpu.memory_space<semaphore_mem>>) src(%dma_wait3A_76 : memref<128xi32, #tpu.memory_space<hbm>>) dst(%arg8 : memref<128xi32, #tpu.memory_space<vmem>>)
        %dma_wait3A_77 = arith.constant 0 : i32
        %dma_wait3A_78 = tpu.memref_slice %arg4[%dma_wait3A_77] : memref<160000xi32, #tpu.memory_space<hbm>> -> memref<128xi32, #tpu.memory_space<hbm>>
        %dma_wait3A_79 = arith.constant 0 : i32
        %dma_wait3A_80 = tpu.memref_slice %arg4[%dma_wait3A_79] : memref<160000xi32, #tpu.memory_space<hbm>> -> memref<128xi32, #tpu.memory_space<hbm>>
        tpu.wait_dma2 semaphore(%arg15 : memref<!tpu.dma_semaphore, #tpu.memory_space<semaphore_mem>>) src(%dma_wait3A_80 : memref<128xi32, #tpu.memory_space<hbm>>) dst(%arg9 : memref<128xi32, #tpu.memory_space<vmem>>)
        %dma_start3A_81 = arith.constant 0 : i32
        %dma_start3A_82 = arith.constant 0 : i32
        %dma_start3A_83 = tpu.memref_slice %arg2[%dma_start3A_81, %dma_start3A_82] : memref<10000x128xf32, #tpu.memory_space<hbm>> -> memref<10000x128xf32, #tpu.memory_space<hbm>>
        tpu.enqueue_indirect_dma source(%dma_start3A_83 : memref<10000x128xf32, #tpu.memory_space<hbm>>) target(%arg12 : memref<128x128xf32, #tpu.memory_space<vmem>>) offsets(%arg8 : memref<128xi32, #tpu.memory_space<vmem>>) semaphore(%arg14 : memref<!tpu.dma_semaphore, #tpu.memory_space<semaphore_mem>>)
        %dma_wait3A_84 = arith.constant 0 : i32
        %dma_wait3A_85 = arith.constant 0 : i32
        %dma_wait3A_86 = tpu.memref_slice %arg2[%dma_wait3A_84, %dma_wait3A_85] : memref<10000x128xf32, #tpu.memory_space<hbm>> -> memref<10000x128xf32, #tpu.memory_space<hbm>>
        tpu.wait_indirect_dma semaphore(%arg14 : memref<!tpu.dma_semaphore, #tpu.memory_space<semaphore_mem>>) src(%dma_wait3A_86 : memref<10000x128xf32, #tpu.memory_space<hbm>>) dst(%arg12 : memref<128x128xf32, #tpu.memory_space<vmem>>)
        "tpu.region"() ({
          %run_scoped3A = tpu.sem_alloc : memref<!tpu.dma_semaphore, #tpu.memory_space<semaphore_mem>>
          %dma_start3A_87 = arith.constant 0 : i32
          %dma_start3A_88 = arith.constant 0 : i32
          %dma_start3A_89 = tpu.memref_slice %arg16[%dma_start3A_87, %dma_start3A_88] : memref<10000x128xf32, #tpu.memory_space<vmem_shared>> -> memref<10000x128xf32, #tpu.memory_space<vmem_shared>>
          tpu.enqueue_indirect_dma source(%arg12 : memref<128x128xf32, #tpu.memory_space<vmem>>) target(%dma_start3A_89 : memref<10000x128xf32, #tpu.memory_space<vmem_shared>>) offsets(%arg9 : memref<128xi32, #tpu.memory_space<vmem>>) semaphore(%run_scoped3A : memref<!tpu.dma_semaphore, #tpu.memory_space<semaphore_mem>>) {add = true}
          %dma_wait3A_90 = arith.constant 0 : i32
          %dma_wait3A_91 = arith.constant 0 : i32
          %dma_wait3A_92 = tpu.memref_slice %arg16[%dma_wait3A_90, %dma_wait3A_91] : memref<10000x128xf32, #tpu.memory_space<vmem_shared>> -> memref<10000x128xf32, #tpu.memory_space<vmem_shared>>
          tpu.wait_indirect_dma semaphore(%run_scoped3A : memref<!tpu.dma_semaphore, #tpu.memory_space<semaphore_mem>>) src(%arg12 : memref<128x128xf32, #tpu.memory_space<vmem>>) dst(%dma_wait3A_92 : memref<10000x128xf32, #tpu.memory_space<vmem_shared>>)
          tpu.yield
        }) : () -> ()
      } else {
      }
    } else {
    }
    %eq3A_26 = arith.constant 1 : i32
    %eq3A_27 = arith.cmpi eq, %arg0, %eq3A_26 : i32
    %convert_element_type3A_28 = arith.extui %eq3A_27 : i1 to i32
    %cond3A_29 = arith.constant 0 : i32
    %cond3A_30 = arith.cmpi ne, %convert_element_type3A_28, %cond3A_29 : i32
    scf.if %cond3A_30 {
      %add3A_42 = arith.constant 0 : i32
      %add3A_43 = arith.addi %arg1, %add3A_42 : i32
      %mul3A = arith.constant 128 : i32
      %mul3A_44 = arith.muli %add3A_43, %mul3A : i32
      %dma_start3A = tpu.memref_slice %arg5[%mul3A_44] : memref<160000xi32, #tpu.memory_space<hbm>> -> memref<128xi32, #tpu.memory_space<hbm>>
      %dma_start3A_45 = tpu.memref_slice %arg5[%mul3A_44] : memref<160000xi32, #tpu.memory_space<hbm>> -> memref<128xi32, #tpu.memory_space<hbm>>
      tpu.enqueue_dma source(%dma_start3A_45 : memref<128xi32, #tpu.memory_space<hbm>>) target(%arg8 : memref<128xi32, #tpu.memory_space<vmem>>) target_semaphore(%arg15 : memref<!tpu.dma_semaphore, #tpu.memory_space<semaphore_mem>>)
      %mul3A_46 = arith.constant 128 : i32
      %mul3A_47 = arith.muli %add3A_43, %mul3A_46 : i32
      %dma_start3A_48 = tpu.memref_slice %arg6[%mul3A_47] : memref<160000xi32, #tpu.memory_space<hbm>> -> memref<128xi32, #tpu.memory_space<hbm>>
      %dma_start3A_49 = tpu.memref_slice %arg6[%mul3A_47] : memref<160000xi32, #tpu.memory_space<hbm>> -> memref<128xi32, #tpu.memory_space<hbm>>
      tpu.enqueue_dma source(%dma_start3A_49 : memref<128xi32, #tpu.memory_space<hbm>>) target(%arg9 : memref<128xi32, #tpu.memory_space<vmem>>) target_semaphore(%arg15 : memref<!tpu.dma_semaphore, #tpu.memory_space<semaphore_mem>>)
      %scan3A_50 = arith.constant 0 : i32
      %scan3A_51 = arith.constant 0 : i32
      %scan3A_52 = arith.constant 39 : i32
      %scan3A_53 = arith.addi %scan3A_51, %scan3A_52 : i32
      %scan3A_54 = arith.constant 1 : i32
      scf.for %scan3A_74 = %scan3A_51 to %scan3A_53 step %scan3A_54  : i32 {
        %mul3A_75 = arith.constant 2 : i32
        %mul3A_76 = arith.muli %mul3A_75, %scan3A_74 : i32
        %dma_wait3A = arith.constant 0 : i32
        %dma_wait3A_77 = tpu.memref_slice %arg5[%dma_wait3A] : memref<160000xi32, #tpu.memory_space<hbm>> -> memref<128xi32, #tpu.memory_space<hbm>>
        %dma_wait3A_78 = arith.constant 0 : i32
        %dma_wait3A_79 = tpu.memref_slice %arg5[%dma_wait3A_78] : memref<160000xi32, #tpu.memory_space<hbm>> -> memref<128xi32, #tpu.memory_space<hbm>>
        tpu.wait_dma2 semaphore(%arg15 : memref<!tpu.dma_semaphore, #tpu.memory_space<semaphore_mem>>) src(%dma_wait3A_79 : memref<128xi32, #tpu.memory_space<hbm>>) dst(%arg8 : memref<128xi32, #tpu.memory_space<vmem>>)
        %dma_wait3A_80 = arith.constant 0 : i32
        %dma_wait3A_81 = tpu.memref_slice %arg6[%dma_wait3A_80] : memref<160000xi32, #tpu.memory_space<hbm>> -> memref<128xi32, #tpu.memory_space<hbm>>
        %dma_wait3A_82 = arith.constant 0 : i32
        %dma_wait3A_83 = tpu.memref_slice %arg6[%dma_wait3A_82] : memref<160000xi32, #tpu.memory_space<hbm>> -> memref<128xi32, #tpu.memory_space<hbm>>
        tpu.wait_dma2 semaphore(%arg15 : memref<!tpu.dma_semaphore, #tpu.memory_space<semaphore_mem>>) src(%dma_wait3A_83 : memref<128xi32, #tpu.memory_space<hbm>>) dst(%arg9 : memref<128xi32, #tpu.memory_space<vmem>>)
        %add3A_84 = arith.constant 1 : i32
        %add3A_85 = arith.addi %mul3A_76, %add3A_84 : i32
        %mul3A_86 = arith.constant 16 : i32
        %mul3A_87 = arith.muli %add3A_85, %mul3A_86 : i32
        %add3A_88 = arith.addi %arg1, %mul3A_87 : i32
        %mul3A_89 = arith.constant 128 : i32
        %mul3A_90 = arith.muli %add3A_88, %mul3A_89 : i32
        %dma_start3A_91 = tpu.memref_slice %arg5[%mul3A_90] : memref<160000xi32, #tpu.memory_space<hbm>> -> memref<128xi32, #tpu.memory_space<hbm>>
        %dma_start3A_92 = tpu.memref_slice %arg5[%mul3A_90] : memref<160000xi32, #tpu.memory_space<hbm>> -> memref<128xi32, #tpu.memory_space<hbm>>
        tpu.enqueue_dma source(%dma_start3A_92 : memref<128xi32, #tpu.memory_space<hbm>>) target(%arg10 : memref<128xi32, #tpu.memory_space<vmem>>) target_semaphore(%arg15 : memref<!tpu.dma_semaphore, #tpu.memory_space<semaphore_mem>>)
        %mul3A_93 = arith.constant 128 : i32
        %mul3A_94 = arith.muli %add3A_88, %mul3A_93 : i32
        %dma_start3A_95 = tpu.memref_slice %arg6[%mul3A_94] : memref<160000xi32, #tpu.memory_space<hbm>> -> memref<128xi32, #tpu.memory_space<hbm>>
        %dma_start3A_96 = tpu.memref_slice %arg6[%mul3A_94] : memref<160000xi32, #tpu.memory_space<hbm>> -> memref<128xi32, #tpu.memory_space<hbm>>
        tpu.enqueue_dma source(%dma_start3A_96 : memref<128xi32, #tpu.memory_space<hbm>>) target(%arg11 : memref<128xi32, #tpu.memory_space<vmem>>) target_semaphore(%arg15 : memref<!tpu.dma_semaphore, #tpu.memory_space<semaphore_mem>>)
        %dma_start3A_97 = arith.constant 0 : i32
        %dma_start3A_98 = arith.constant 0 : i32
        %dma_start3A_99 = tpu.memref_slice %arg2[%dma_start3A_97, %dma_start3A_98] : memref<10000x128xf32, #tpu.memory_space<hbm>> -> memref<10000x128xf32, #tpu.memory_space<hbm>>
        tpu.enqueue_indirect_dma source(%dma_start3A_99 : memref<10000x128xf32, #tpu.memory_space<hbm>>) target(%arg12 : memref<128x128xf32, #tpu.memory_space<vmem>>) offsets(%arg8 : memref<128xi32, #tpu.memory_space<vmem>>) semaphore(%arg14 : memref<!tpu.dma_semaphore, #tpu.memory_space<semaphore_mem>>)
        %dma_wait3A_100 = arith.constant 0 : i32
        %dma_wait3A_101 = arith.constant 0 : i32
        %dma_wait3A_102 = tpu.memref_slice %arg2[%dma_wait3A_100, %dma_wait3A_101] : memref<10000x128xf32, #tpu.memory_space<hbm>> -> memref<10000x128xf32, #tpu.memory_space<hbm>>
        tpu.wait_indirect_dma semaphore(%arg14 : memref<!tpu.dma_semaphore, #tpu.memory_space<semaphore_mem>>) src(%dma_wait3A_102 : memref<10000x128xf32, #tpu.memory_space<hbm>>) dst(%arg12 : memref<128x128xf32, #tpu.memory_space<vmem>>)
        "tpu.region"() ({
          %run_scoped3A = tpu.sem_alloc : memref<!tpu.dma_semaphore, #tpu.memory_space<semaphore_mem>>
          %dma_start3A_123 = arith.constant 0 : i32
          %dma_start3A_124 = arith.constant 0 : i32
          %dma_start3A_125 = tpu.memref_slice %arg16[%dma_start3A_123, %dma_start3A_124] : memref<10000x128xf32, #tpu.memory_space<vmem_shared>> -> memref<10000x128xf32, #tpu.memory_space<vmem_shared>>
          tpu.enqueue_indirect_dma source(%arg12 : memref<128x128xf32, #tpu.memory_space<vmem>>) target(%dma_start3A_125 : memref<10000x128xf32, #tpu.memory_space<vmem_shared>>) offsets(%arg9 : memref<128xi32, #tpu.memory_space<vmem>>) semaphore(%run_scoped3A : memref<!tpu.dma_semaphore, #tpu.memory_space<semaphore_mem>>) {add = true}
          %dma_wait3A_126 = arith.constant 0 : i32
          %dma_wait3A_127 = arith.constant 0 : i32
          %dma_wait3A_128 = tpu.memref_slice %arg16[%dma_wait3A_126, %dma_wait3A_127] : memref<10000x128xf32, #tpu.memory_space<vmem_shared>> -> memref<10000x128xf32, #tpu.memory_space<vmem_shared>>
          tpu.wait_indirect_dma semaphore(%run_scoped3A : memref<!tpu.dma_semaphore, #tpu.memory_space<semaphore_mem>>) src(%arg12 : memref<128x128xf32, #tpu.memory_space<vmem>>) dst(%dma_wait3A_128 : memref<10000x128xf32, #tpu.memory_space<vmem_shared>>)
          tpu.yield
        }) : () -> ()
        %dma_wait3A_103 = arith.constant 0 : i32
        %dma_wait3A_104 = tpu.memref_slice %arg5[%dma_wait3A_103] : memref<160000xi32, #tpu.memory_space<hbm>> -> memref<128xi32, #tpu.memory_space<hbm>>
        %dma_wait3A_105 = arith.constant 0 : i32
        %dma_wait3A_106 = tpu.memref_slice %arg5[%dma_wait3A_105] : memref<160000xi32, #tpu.memory_space<hbm>> -> memref<128xi32, #tpu.memory_space<hbm>>
        tpu.wait_dma2 semaphore(%arg15 : memref<!tpu.dma_semaphore, #tpu.memory_space<semaphore_mem>>) src(%dma_wait3A_106 : memref<128xi32, #tpu.memory_space<hbm>>) dst(%arg10 : memref<128xi32, #tpu.memory_space<vmem>>)
        %dma_wait3A_107 = arith.constant 0 : i32
        %dma_wait3A_108 = tpu.memref_slice %arg6[%dma_wait3A_107] : memref<160000xi32, #tpu.memory_space<hbm>> -> memref<128xi32, #tpu.memory_space<hbm>>
        %dma_wait3A_109 = arith.constant 0 : i32
        %dma_wait3A_110 = tpu.memref_slice %arg6[%dma_wait3A_109] : memref<160000xi32, #tpu.memory_space<hbm>> -> memref<128xi32, #tpu.memory_space<hbm>>
        tpu.wait_dma2 semaphore(%arg15 : memref<!tpu.dma_semaphore, #tpu.memory_space<semaphore_mem>>) src(%dma_wait3A_110 : memref<128xi32, #tpu.memory_space<hbm>>) dst(%arg11 : memref<128xi32, #tpu.memory_space<vmem>>)
        %add3A_111 = arith.constant 2 : i32
        %add3A_112 = arith.addi %mul3A_76, %add3A_111 : i32
        %lt3A_113 = arith.cmpi slt, %add3A_112, %add3A_23 : i32
        %convert_element_type3A_114 = arith.extui %lt3A_113 : i1 to i32
        %cond3A_115 = arith.constant 0 : i32
        %cond3A_116 = arith.cmpi ne, %convert_element_type3A_114, %cond3A_115 : i32
        scf.if %cond3A_116 {
          %add3A_123 = arith.constant 2 : i32
          %add3A_124 = arith.addi %mul3A_76, %add3A_123 : i32
          %mul3A_125 = arith.constant 16 : i32
          %mul3A_126 = arith.muli %add3A_124, %mul3A_125 : i32
          %add3A_127 = arith.addi %arg1, %mul3A_126 : i32
          %mul3A_128 = arith.constant 128 : i32
          %mul3A_129 = arith.muli %add3A_127, %mul3A_128 : i32
          %dma_start3A_130 = tpu.memref_slice %arg5[%mul3A_129] : memref<160000xi32, #tpu.memory_space<hbm>> -> memref<128xi32, #tpu.memory_space<hbm>>
          %dma_start3A_131 = tpu.memref_slice %arg5[%mul3A_129] : memref<160000xi32, #tpu.memory_space<hbm>> -> memref<128xi32, #tpu.memory_space<hbm>>
          tpu.enqueue_dma source(%dma_start3A_131 : memref<128xi32, #tpu.memory_space<hbm>>) target(%arg8 : memref<128xi32, #tpu.memory_space<vmem>>) target_semaphore(%arg15 : memref<!tpu.dma_semaphore, #tpu.memory_space<semaphore_mem>>)
          %mul3A_132 = arith.constant 128 : i32
          %mul3A_133 = arith.muli %add3A_127, %mul3A_132 : i32
          %dma_start3A_134 = tpu.memref_slice %arg6[%mul3A_133] : memref<160000xi32, #tpu.memory_space<hbm>> -> memref<128xi32, #tpu.memory_space<hbm>>
          %dma_start3A_135 = tpu.memref_slice %arg6[%mul3A_133] : memref<160000xi32, #tpu.memory_space<hbm>> -> memref<128xi32, #tpu.memory_space<hbm>>
          tpu.enqueue_dma source(%dma_start3A_135 : memref<128xi32, #tpu.memory_space<hbm>>) target(%arg9 : memref<128xi32, #tpu.memory_space<vmem>>) target_semaphore(%arg15 : memref<!tpu.dma_semaphore, #tpu.memory_space<semaphore_mem>>)
        } else {
        }
        %dma_start3A_117 = arith.constant 0 : i32
        %dma_start3A_118 = arith.constant 0 : i32
        %dma_start3A_119 = tpu.memref_slice %arg2[%dma_start3A_117, %dma_start3A_118] : memref<10000x128xf32, #tpu.memory_space<hbm>> -> memref<10000x128xf32, #tpu.memory_space<hbm>>
        tpu.enqueue_indirect_dma source(%dma_start3A_119 : memref<10000x128xf32, #tpu.memory_space<hbm>>) target(%arg12 : memref<128x128xf32, #tpu.memory_space<vmem>>) offsets(%arg10 : memref<128xi32, #tpu.memory_space<vmem>>) semaphore(%arg14 : memref<!tpu.dma_semaphore, #tpu.memory_space<semaphore_mem>>)
        %dma_wait3A_120 = arith.constant 0 : i32
        %dma_wait3A_121 = arith.constant 0 : i32
        %dma_wait3A_122 = tpu.memref_slice %arg2[%dma_wait3A_120, %dma_wait3A_121] : memref<10000x128xf32, #tpu.memory_space<hbm>> -> memref<10000x128xf32, #tpu.memory_space<hbm>>
        tpu.wait_indirect_dma semaphore(%arg14 : memref<!tpu.dma_semaphore, #tpu.memory_space<semaphore_mem>>) src(%dma_wait3A_122 : memref<10000x128xf32, #tpu.memory_space<hbm>>) dst(%arg12 : memref<128x128xf32, #tpu.memory_space<vmem>>)
        "tpu.region"() ({
          %run_scoped3A = tpu.sem_alloc : memref<!tpu.dma_semaphore, #tpu.memory_space<semaphore_mem>>
          %dma_start3A_123 = arith.constant 0 : i32
          %dma_start3A_124 = arith.constant 0 : i32
          %dma_start3A_125 = tpu.memref_slice %arg16[%dma_start3A_123, %dma_start3A_124] : memref<10000x128xf32, #tpu.memory_space<vmem_shared>> -> memref<10000x128xf32, #tpu.memory_space<vmem_shared>>
          tpu.enqueue_indirect_dma source(%arg12 : memref<128x128xf32, #tpu.memory_space<vmem>>) target(%dma_start3A_125 : memref<10000x128xf32, #tpu.memory_space<vmem_shared>>) offsets(%arg11 : memref<128xi32, #tpu.memory_space<vmem>>) semaphore(%run_scoped3A : memref<!tpu.dma_semaphore, #tpu.memory_space<semaphore_mem>>) {add = true}
          %dma_wait3A_126 = arith.constant 0 : i32
          %dma_wait3A_127 = arith.constant 0 : i32
          %dma_wait3A_128 = tpu.memref_slice %arg16[%dma_wait3A_126, %dma_wait3A_127] : memref<10000x128xf32, #tpu.memory_space<vmem_shared>> -> memref<10000x128xf32, #tpu.memory_space<vmem_shared>>
          tpu.wait_indirect_dma semaphore(%run_scoped3A : memref<!tpu.dma_semaphore, #tpu.memory_space<semaphore_mem>>) src(%arg12 : memref<128x128xf32, #tpu.memory_space<vmem>>) dst(%dma_wait3A_128 : memref<10000x128xf32, #tpu.memory_space<vmem_shared>>)
          tpu.yield
        }) : () -> ()
      }
      %scan3A_55 = arith.constant 39 : i32
      %jit3A_56 = arith.constant 2 : i32
      %eq3A_57 = arith.constant 0 : i32
      %eq3A_58 = arith.cmpi eq, %jit3A_56, %eq3A_57 : i32
      %jit3A_59 = arith.constant 1 : i32
      %select_n3A_60 = arith.select %eq3A_58, %jit3A_59, %jit3A_56 : i32
      %rem3A = arith.remsi %add3A_23, %select_n3A_60 : i32
      %ne3A = arith.constant 0 : i32
      %ne3A_61 = arith.cmpi ne, %rem3A, %ne3A : i32
      %lt3A_62 = arith.constant 0 : i32
      %lt3A_63 = arith.cmpi slt, %rem3A, %lt3A_62 : i32
      %lt3A_64 = arith.constant 0 : i32
      %lt3A_65 = arith.cmpi slt, %select_n3A_60, %lt3A_64 : i32
      %ne3A_66 = arith.xori %lt3A_63, %lt3A_65 : i1
      %and3A = arith.andi %ne3A_66, %ne3A_61 : i1
      %add3A_67 = arith.addi %rem3A, %select_n3A_60 : i32
      %select_n3A_68 = arith.select %and3A, %add3A_67, %rem3A : i32
      %eq3A_69 = arith.constant 1 : i32
      %eq3A_70 = arith.cmpi eq, %select_n3A_68, %eq3A_69 : i32
      %convert_element_type3A_71 = arith.extui %eq3A_70 : i1 to i32
      %cond3A_72 = arith.constant 0 : i32
      %cond3A_73 = arith.cmpi ne, %convert_element_type3A_71, %cond3A_72 : i32
      scf.if %cond3A_73 {
        %dma_wait3A = arith.constant 0 : i32
        %dma_wait3A_74 = tpu.memref_slice %arg5[%dma_wait3A] : memref<160000xi32, #tpu.memory_space<hbm>> -> memref<128xi32, #tpu.memory_space<hbm>>
        %dma_wait3A_75 = arith.constant 0 : i32
        %dma_wait3A_76 = tpu.memref_slice %arg5[%dma_wait3A_75] : memref<160000xi32, #tpu.memory_space<hbm>> -> memref<128xi32, #tpu.memory_space<hbm>>
        tpu.wait_dma2 semaphore(%arg15 : memref<!tpu.dma_semaphore, #tpu.memory_space<semaphore_mem>>) src(%dma_wait3A_76 : memref<128xi32, #tpu.memory_space<hbm>>) dst(%arg8 : memref<128xi32, #tpu.memory_space<vmem>>)
        %dma_wait3A_77 = arith.constant 0 : i32
        %dma_wait3A_78 = tpu.memref_slice %arg6[%dma_wait3A_77] : memref<160000xi32, #tpu.memory_space<hbm>> -> memref<128xi32, #tpu.memory_space<hbm>>
        %dma_wait3A_79 = arith.constant 0 : i32
        %dma_wait3A_80 = tpu.memref_slice %arg6[%dma_wait3A_79] : memref<160000xi32, #tpu.memory_space<hbm>> -> memref<128xi32, #tpu.memory_space<hbm>>
        tpu.wait_dma2 semaphore(%arg15 : memref<!tpu.dma_semaphore, #tpu.memory_space<semaphore_mem>>) src(%dma_wait3A_80 : memref<128xi32, #tpu.memory_space<hbm>>) dst(%arg9 : memref<128xi32, #tpu.memory_space<vmem>>)
        %dma_start3A_81 = arith.constant 0 : i32
        %dma_start3A_82 = arith.constant 0 : i32
        %dma_start3A_83 = tpu.memref_slice %arg2[%dma_start3A_81, %dma_start3A_82] : memref<10000x128xf32, #tpu.memory_space<hbm>> -> memref<10000x128xf32, #tpu.memory_space<hbm>>
        tpu.enqueue_indirect_dma source(%dma_start3A_83 : memref<10000x128xf32, #tpu.memory_space<hbm>>) target(%arg12 : memref<128x128xf32, #tpu.memory_space<vmem>>) offsets(%arg8 : memref<128xi32, #tpu.memory_space<vmem>>) semaphore(%arg14 : memref<!tpu.dma_semaphore, #tpu.memory_space<semaphore_mem>>)
        %dma_wait3A_84 = arith.constant 0 : i32
        %dma_wait3A_85 = arith.constant 0 : i32
        %dma_wait3A_86 = tpu.memref_slice %arg2[%dma_wait3A_84, %dma_wait3A_85] : memref<10000x128xf32, #tpu.memory_space<hbm>> -> memref<10000x128xf32, #tpu.memory_space<hbm>>
        tpu.wait_indirect_dma semaphore(%arg14 : memref<!tpu.dma_semaphore, #tpu.memory_space<semaphore_mem>>) src(%dma_wait3A_86 : memref<10000x128xf32, #tpu.memory_space<hbm>>) dst(%arg12 : memref<128x128xf32, #tpu.memory_space<vmem>>)
        "tpu.region"() ({
          %run_scoped3A = tpu.sem_alloc : memref<!tpu.dma_semaphore, #tpu.memory_space<semaphore_mem>>
          %dma_start3A_87 = arith.constant 0 : i32
          %dma_start3A_88 = arith.constant 0 : i32
          %dma_start3A_89 = tpu.memref_slice %arg16[%dma_start3A_87, %dma_start3A_88] : memref<10000x128xf32, #tpu.memory_space<vmem_shared>> -> memref<10000x128xf32, #tpu.memory_space<vmem_shared>>
          tpu.enqueue_indirect_dma source(%arg12 : memref<128x128xf32, #tpu.memory_space<vmem>>) target(%dma_start3A_89 : memref<10000x128xf32, #tpu.memory_space<vmem_shared>>) offsets(%arg9 : memref<128xi32, #tpu.memory_space<vmem>>) semaphore(%run_scoped3A : memref<!tpu.dma_semaphore, #tpu.memory_space<semaphore_mem>>) {add = true}
          %dma_wait3A_90 = arith.constant 0 : i32
          %dma_wait3A_91 = arith.constant 0 : i32
          %dma_wait3A_92 = tpu.memref_slice %arg16[%dma_wait3A_90, %dma_wait3A_91] : memref<10000x128xf32, #tpu.memory_space<vmem_shared>> -> memref<10000x128xf32, #tpu.memory_space<vmem_shared>>
          tpu.wait_indirect_dma semaphore(%run_scoped3A : memref<!tpu.dma_semaphore, #tpu.memory_space<semaphore_mem>>) src(%arg12 : memref<128x128xf32, #tpu.memory_space<vmem>>) dst(%dma_wait3A_92 : memref<10000x128xf32, #tpu.memory_space<vmem_shared>>)
          tpu.yield
        }) : () -> ()
      } else {
      }
    } else {
    }
    %barrier3A_31 = arith.constant 0 : index
    tpu.barrier barrier_id(%barrier3A_31)
    %while3A_32 = arith.constant 0 : i32
    %while3A_33 = arith.constant 0 : i32
    %while3A_34 = arith.subi %add3A_7, %while3A_33 : i32
    %while3A_35 = arith.addi %while3A_33, %while3A_34 : i32
    %while3A_36 = arith.constant 1 : i32
    %while3A_37 = arith.divsi %while3A_34, %while3A_36 : i32
    %while3A_38 = arith.muli %while3A_37, %while3A_36 : i32
    %while3A_39 = arith.addi %while3A_33, %while3A_38 : i32
    %while3A_40 = arith.constant 1 : i32
    scf.for %while3A_42 = %while3A_33 to %while3A_39 step %while3A_40  : i32 {
      %mul3A = arith.constant 16 : i32
      %mul3A_43 = arith.muli %while3A_42, %mul3A : i32
      %add3A_44 = arith.addi %arg1, %mul3A_43 : i32
      %mul3A_45 = arith.constant 40 : i32
      %mul3A_46 = arith.muli %add3A_44, %mul3A_45 : i32
      %mul3A_47 = arith.constant 40 : i32
      %mul3A_48 = arith.muli %add3A_44, %mul3A_47 : i32
      "tpu.region"() ({
        %run_scoped3A = tpu.sem_alloc : memref<!tpu.dma_semaphore, #tpu.memory_space<semaphore_mem>>
        %dma_start3A = arith.constant 0 : i32
        %dma_start3A_49 = tpu.memref_slice %arg7[%arg0, %mul3A_48, %dma_start3A] : memref<2x10000x128xf32, #tpu.memory_space<hbm>> -> memref<1x40x128xf32, #tpu.memory_space<hbm>>
        %dma_start3A_50 = tpu.memref_squeeze %dma_start3A_49 : memref<1x40x128xf32, #tpu.memory_space<hbm>> -> memref<40x128xf32, #tpu.memory_space<hbm>>
        %dma_start3A_51 = arith.constant 0 : i32
        %dma_start3A_52 = tpu.memref_slice %arg16[%mul3A_46, %dma_start3A_51] : memref<10000x128xf32, #tpu.memory_space<vmem_shared>> -> memref<40x128xf32, #tpu.memory_space<vmem_shared>>
        tpu.enqueue_dma source(%dma_start3A_52 : memref<40x128xf32, #tpu.memory_space<vmem_shared>>) target(%dma_start3A_50 : memref<40x128xf32, #tpu.memory_space<hbm>>) target_semaphore(%run_scoped3A : memref<!tpu.dma_semaphore, #tpu.memory_space<semaphore_mem>>)
        %dma_wait3A = arith.constant 0 : i32
        %dma_wait3A_53 = tpu.memref_slice %arg7[%arg0, %mul3A_48, %dma_wait3A] : memref<2x10000x128xf32, #tpu.memory_space<hbm>> -> memref<1x40x128xf32, #tpu.memory_space<hbm>>
        %dma_wait3A_54 = tpu.memref_squeeze %dma_wait3A_53 : memref<1x40x128xf32, #tpu.memory_space<hbm>> -> memref<40x128xf32, #tpu.memory_space<hbm>>
        %dma_wait3A_55 = arith.constant 0 : i32
        %dma_wait3A_56 = tpu.memref_slice %arg16[%mul3A_46, %dma_wait3A_55] : memref<10000x128xf32, #tpu.memory_space<vmem_shared>> -> memref<40x128xf32, #tpu.memory_space<vmem_shared>>
        tpu.wait_dma2 semaphore(%run_scoped3A : memref<!tpu.dma_semaphore, #tpu.memory_space<semaphore_mem>>) src(%dma_wait3A_56 : memref<40x128xf32, #tpu.memory_space<vmem_shared>>) dst(%dma_wait3A_54 : memref<40x128xf32, #tpu.memory_space<hbm>>)
        tpu.yield
      }) : () -> ()
    }
    %while3A_41 = arith.constant 1 : i32
    scf.for %while3A_42 = %while3A_39 to %while3A_35 step %while3A_41  : i32 {
      %mul3A = arith.constant 16 : i32
      %mul3A_43 = arith.muli %while3A_42, %mul3A : i32
      %add3A_44 = arith.addi %arg1, %mul3A_43 : i32
      %mul3A_45 = arith.constant 40 : i32
      %mul3A_46 = arith.muli %add3A_44, %mul3A_45 : i32
      %mul3A_47 = arith.constant 40 : i32
      %mul3A_48 = arith.muli %add3A_44, %mul3A_47 : i32
      "tpu.region"() ({
        %run_scoped3A = tpu.sem_alloc : memref<!tpu.dma_semaphore, #tpu.memory_space<semaphore_mem>>
        %dma_start3A = arith.constant 0 : i32
        %dma_start3A_49 = tpu.memref_slice %arg7[%arg0, %mul3A_48, %dma_start3A] : memref<2x10000x128xf32, #tpu.memory_space<hbm>> -> memref<1x40x128xf32, #tpu.memory_space<hbm>>
        %dma_start3A_50 = tpu.memref_squeeze %dma_start3A_49 : memref<1x40x128xf32, #tpu.memory_space<hbm>> -> memref<40x128xf32, #tpu.memory_space<hbm>>
        %dma_start3A_51 = arith.constant 0 : i32
        %dma_start3A_52 = tpu.memref_slice %arg16[%mul3A_46, %dma_start3A_51] : memref<10000x128xf32, #tpu.memory_space<vmem_shared>> -> memref<40x128xf32, #tpu.memory_space<vmem_shared>>
        tpu.enqueue_dma source(%dma_start3A_52 : memref<40x128xf32, #tpu.memory_space<vmem_shared>>) target(%dma_start3A_50 : memref<40x128xf32, #tpu.memory_space<hbm>>) target_semaphore(%run_scoped3A : memref<!tpu.dma_semaphore, #tpu.memory_space<semaphore_mem>>)
        %dma_wait3A = arith.constant 0 : i32
        %dma_wait3A_53 = tpu.memref_slice %arg7[%arg0, %mul3A_48, %dma_wait3A] : memref<2x10000x128xf32, #tpu.memory_space<hbm>> -> memref<1x40x128xf32, #tpu.memory_space<hbm>>
        %dma_wait3A_54 = tpu.memref_squeeze %dma_wait3A_53 : memref<1x40x128xf32, #tpu.memory_space<hbm>> -> memref<40x128xf32, #tpu.memory_space<hbm>>
        %dma_wait3A_55 = arith.constant 0 : i32
        %dma_wait3A_56 = tpu.memref_slice %arg16[%mul3A_46, %dma_wait3A_55] : memref<10000x128xf32, #tpu.memory_space<vmem_shared>> -> memref<40x128xf32, #tpu.memory_space<vmem_shared>>
        tpu.wait_dma2 semaphore(%run_scoped3A : memref<!tpu.dma_semaphore, #tpu.memory_space<semaphore_mem>>) src(%dma_wait3A_56 : memref<40x128xf32, #tpu.memory_space<vmem_shared>>) dst(%dma_wait3A_54 : memref<40x128xf32, #tpu.memory_space<hbm>>)
        tpu.yield
      }) : () -> ()
    }
    return
  }
}

#map = affine_map<(d0, d1) -> (0, 0)>
#map1 = affine_map<(d0, d1) -> (0)>
module attributes {stable_mosaic.version = 14 : i64} {
  func.func @body(%arg0: i32, %arg1: i32, %arg2: memref<1280x128xi32, #tpu.memory_space<hbm>>, %arg3: memref<1280x128xi32, #tpu.memory_space<hbm>>, %arg4: memref<10128xf32, #tpu.memory_space<hbm>>, %arg5: memref<10128xf32, #tpu.memory_space<hbm>>, %arg6: memref<128xf32, #tpu.memory_space<vmem>>, %arg7: memref<80x128xi32, #tpu.memory_space<vmem>>, %arg8: memref<10128xf32, #tpu.memory_space<vmem>>, %arg9: memref<10128xf32, #tpu.memory_space<vmem_shared>>) attributes {dimension_semantics = [#tpu.dimension_semantics<core_parallel>, #tpu.dimension_semantics<subcore_parallel>], iteration_bounds = array<i64: 2, 16>, scalar_prefetch = 0 : i64, scratch_operands = 4 : i64, tpu.core_type = #tpu.core_type<sc_vector_subcore>, window_params = [{transform_indices = #map}, {transform_indices = #map}, {transform_indices = #map1}, {transform_indices = #map1}]} {
    %broadcast_in_dim3A = arith.constant 1.000000e+00 : f32
    %broadcast_in_dim3A_0 = vector.broadcast %broadcast_in_dim3A : f32 to vector<16xf32>
    %swap3A = arith.constant 0 : index
    %swap3A_1 = tpu.vector_load %arg6[%swap3A] {strides = array<i32>} : memref<128xf32, #tpu.memory_space<vmem>>, vector<16xf32>,
    %swap3A_2 = vector.shape_cast %swap3A_1 : vector<16xf32> to vector<16xf32>
    %swap3A_3 = vector.shape_cast %broadcast_in_dim3A_0 : vector<16xf32> to vector<16xf32>
    tpu.vector_store %arg6[%swap3A], %swap3A_3 {strides = array<i32>} : memref<128xf32, #tpu.memory_space<vmem>>, vector<16xf32>,
    %broadcast_in_dim3A_4 = arith.constant 1.000000e+00 : f32
    %broadcast_in_dim3A_5 = vector.broadcast %broadcast_in_dim3A_4 : f32 to vector<16xf32>
    %swap3A_6 = arith.constant 16 : index
    %swap3A_7 = tpu.vector_load %arg6[%swap3A_6] {strides = array<i32>} : memref<128xf32, #tpu.memory_space<vmem>>, vector<16xf32>,
    %swap3A_8 = vector.shape_cast %swap3A_7 : vector<16xf32> to vector<16xf32>
    %swap3A_9 = vector.shape_cast %broadcast_in_dim3A_5 : vector<16xf32> to vector<16xf32>
    tpu.vector_store %arg6[%swap3A_6], %swap3A_9 {strides = array<i32>} : memref<128xf32, #tpu.memory_space<vmem>>, vector<16xf32>,
    %broadcast_in_dim3A_10 = arith.constant 1.000000e+00 : f32
    %broadcast_in_dim3A_11 = vector.broadcast %broadcast_in_dim3A_10 : f32 to vector<16xf32>
    %swap3A_12 = arith.constant 32 : index
    %swap3A_13 = tpu.vector_load %arg6[%swap3A_12] {strides = array<i32>} : memref<128xf32, #tpu.memory_space<vmem>>, vector<16xf32>,
    %swap3A_14 = vector.shape_cast %swap3A_13 : vector<16xf32> to vector<16xf32>
    %swap3A_15 = vector.shape_cast %broadcast_in_dim3A_11 : vector<16xf32> to vector<16xf32>
    tpu.vector_store %arg6[%swap3A_12], %swap3A_15 {strides = array<i32>} : memref<128xf32, #tpu.memory_space<vmem>>, vector<16xf32>,
    %broadcast_in_dim3A_16 = arith.constant 1.000000e+00 : f32
    %broadcast_in_dim3A_17 = vector.broadcast %broadcast_in_dim3A_16 : f32 to vector<16xf32>
    %swap3A_18 = arith.constant 48 : index
    %swap3A_19 = tpu.vector_load %arg6[%swap3A_18] {strides = array<i32>} : memref<128xf32, #tpu.memory_space<vmem>>, vector<16xf32>,
    %swap3A_20 = vector.shape_cast %swap3A_19 : vector<16xf32> to vector<16xf32>
    %swap3A_21 = vector.shape_cast %broadcast_in_dim3A_17 : vector<16xf32> to vector<16xf32>
    tpu.vector_store %arg6[%swap3A_18], %swap3A_21 {strides = array<i32>} : memref<128xf32, #tpu.memory_space<vmem>>, vector<16xf32>,
    %broadcast_in_dim3A_22 = arith.constant 1.000000e+00 : f32
    %broadcast_in_dim3A_23 = vector.broadcast %broadcast_in_dim3A_22 : f32 to vector<16xf32>
    %swap3A_24 = arith.constant 64 : index
    %swap3A_25 = tpu.vector_load %arg6[%swap3A_24] {strides = array<i32>} : memref<128xf32, #tpu.memory_space<vmem>>, vector<16xf32>,
    %swap3A_26 = vector.shape_cast %swap3A_25 : vector<16xf32> to vector<16xf32>
    %swap3A_27 = vector.shape_cast %broadcast_in_dim3A_23 : vector<16xf32> to vector<16xf32>
    tpu.vector_store %arg6[%swap3A_24], %swap3A_27 {strides = array<i32>} : memref<128xf32, #tpu.memory_space<vmem>>, vector<16xf32>,
    %broadcast_in_dim3A_28 = arith.constant 1.000000e+00 : f32
    %broadcast_in_dim3A_29 = vector.broadcast %broadcast_in_dim3A_28 : f32 to vector<16xf32>
    %swap3A_30 = arith.constant 80 : index
    %swap3A_31 = tpu.vector_load %arg6[%swap3A_30] {strides = array<i32>} : memref<128xf32, #tpu.memory_space<vmem>>, vector<16xf32>,
    %swap3A_32 = vector.shape_cast %swap3A_31 : vector<16xf32> to vector<16xf32>
    %swap3A_33 = vector.shape_cast %broadcast_in_dim3A_29 : vector<16xf32> to vector<16xf32>
    tpu.vector_store %arg6[%swap3A_30], %swap3A_33 {strides = array<i32>} : memref<128xf32, #tpu.memory_space<vmem>>, vector<16xf32>,
    %broadcast_in_dim3A_34 = arith.constant 1.000000e+00 : f32
    %broadcast_in_dim3A_35 = vector.broadcast %broadcast_in_dim3A_34 : f32 to vector<16xf32>
    %swap3A_36 = arith.constant 96 : index
    %swap3A_37 = tpu.vector_load %arg6[%swap3A_36] {strides = array<i32>} : memref<128xf32, #tpu.memory_space<vmem>>, vector<16xf32>,
    %swap3A_38 = vector.shape_cast %swap3A_37 : vector<16xf32> to vector<16xf32>
    %swap3A_39 = vector.shape_cast %broadcast_in_dim3A_35 : vector<16xf32> to vector<16xf32>
    tpu.vector_store %arg6[%swap3A_36], %swap3A_39 {strides = array<i32>} : memref<128xf32, #tpu.memory_space<vmem>>, vector<16xf32>,
    %broadcast_in_dim3A_40 = arith.constant 1.000000e+00 : f32
    %broadcast_in_dim3A_41 = vector.broadcast %broadcast_in_dim3A_40 : f32 to vector<16xf32>
    %swap3A_42 = arith.constant 112 : index
    %swap3A_43 = tpu.vector_load %arg6[%swap3A_42] {strides = array<i32>} : memref<128xf32, #tpu.memory_space<vmem>>, vector<16xf32>,
    %swap3A_44 = vector.shape_cast %swap3A_43 : vector<16xf32> to vector<16xf32>
    %swap3A_45 = vector.shape_cast %broadcast_in_dim3A_41 : vector<16xf32> to vector<16xf32>
    tpu.vector_store %arg6[%swap3A_42], %swap3A_45 {strides = array<i32>} : memref<128xf32, #tpu.memory_space<vmem>>, vector<16xf32>,
    %eq3A = arith.constant 0 : i32
    %eq3A_46 = arith.cmpi eq, %arg1, %eq3A : i32
    %convert_element_type3A = arith.extui %eq3A_46 : i1 to i32
    %cond3A = arith.constant 0 : i32
    %cond3A_47 = arith.cmpi ne, %convert_element_type3A, %cond3A : i32
    scf.if %cond3A_47 {
      %scan3A = arith.constant 0 : i32
      %scan3A_74 = arith.constant 0 : i32
      %scan3A_75 = arith.constant 633 : i32
      %scan3A_76 = arith.addi %scan3A_74, %scan3A_75 : i32
      %scan3A_77 = arith.constant 1 : i32
      scf.for %scan3A_79 = %scan3A_74 to %scan3A_76 step %scan3A_77  : i32 {
        %broadcast_in_dim3A_80 = arith.constant 0.000000e+00 : f32
        %broadcast_in_dim3A_81 = vector.broadcast %broadcast_in_dim3A_80 : f32 to vector<16xf32>
        %mul3A = arith.constant 16 : i32
        %mul3A_82 = arith.muli %scan3A_79, %mul3A : i32
        %swap3A_83 = arith.index_cast %mul3A_82 : i32 to index
        %swap3A_84 = tpu.vector_load %arg8[%swap3A_83] {strides = array<i32>} : memref<10128xf32, #tpu.memory_space<vmem>>, vector<16xf32>,
        %swap3A_85 = vector.shape_cast %swap3A_84 : vector<16xf32> to vector<16xf32>
        %swap3A_86 = vector.shape_cast %broadcast_in_dim3A_81 : vector<16xf32> to vector<16xf32>
        tpu.vector_store %arg8[%swap3A_83], %swap3A_86 {strides = array<i32>} : memref<10128xf32, #tpu.memory_space<vmem>>, vector<16xf32>,
      }
      %scan3A_78 = arith.constant 633 : i32
      "tpu.region"() ({
        %run_scoped3A = tpu.sem_alloc : memref<!tpu.dma_semaphore, #tpu.memory_space<semaphore_mem>>
        tpu.enqueue_dma source(%arg8 : memref<10128xf32, #tpu.memory_space<vmem>>) target(%arg9 : memref<10128xf32, #tpu.memory_space<vmem_shared>>) target_semaphore(%run_scoped3A : memref<!tpu.dma_semaphore, #tpu.memory_space<semaphore_mem>>)
        tpu.wait_dma2 semaphore(%run_scoped3A : memref<!tpu.dma_semaphore, #tpu.memory_space<semaphore_mem>>) src(%arg8 : memref<10128xf32, #tpu.memory_space<vmem>>) dst(%arg9 : memref<10128xf32, #tpu.memory_space<vmem_shared>>)
        tpu.yield
      }) : () -> ()
    } else {
    }
    %barrier3A = arith.constant 0 : index
    tpu.barrier barrier_id(%barrier3A)
    %eq3A_48 = arith.constant 0 : i32
    %eq3A_49 = arith.cmpi eq, %arg0, %eq3A_48 : i32
    %convert_element_type3A_50 = arith.extui %eq3A_49 : i1 to i32
    %cond3A_51 = arith.constant 0 : i32
    %cond3A_52 = arith.cmpi ne, %convert_element_type3A_50, %cond3A_51 : i32
    scf.if %cond3A_52 {
      %mul3A = arith.constant 80 : i32
      %mul3A_74 = arith.muli %arg1, %mul3A : i32
      "tpu.region"() ({
        %run_scoped3A = tpu.sem_alloc : memref<!tpu.dma_semaphore, #tpu.memory_space<semaphore_mem>>
        %dma_start3A = arith.constant 0 : i32
        %dma_start3A_80 = tpu.memref_slice %arg2[%mul3A_74, %dma_start3A] : memref<1280x128xi32, #tpu.memory_space<hbm>> -> memref<80x128xi32, #tpu.memory_space<hbm>>
        %dma_start3A_81 = arith.constant 0 : i32
        %dma_start3A_82 = tpu.memref_slice %arg2[%mul3A_74, %dma_start3A_81] : memref<1280x128xi32, #tpu.memory_space<hbm>> -> memref<80x128xi32, #tpu.memory_space<hbm>>
        tpu.enqueue_dma source(%dma_start3A_82 : memref<80x128xi32, #tpu.memory_space<hbm>>) target(%arg7 : memref<80x128xi32, #tpu.memory_space<vmem>>) target_semaphore(%run_scoped3A : memref<!tpu.dma_semaphore, #tpu.memory_space<semaphore_mem>>)
        %dma_wait3A = arith.constant 0 : i32
        %dma_wait3A_83 = tpu.memref_slice %arg2[%mul3A_74, %dma_wait3A] : memref<1280x128xi32, #tpu.memory_space<hbm>> -> memref<80x128xi32, #tpu.memory_space<hbm>>
        %dma_wait3A_84 = arith.constant 0 : i32
        %dma_wait3A_85 = tpu.memref_slice %arg2[%mul3A_74, %dma_wait3A_84] : memref<1280x128xi32, #tpu.memory_space<hbm>> -> memref<80x128xi32, #tpu.memory_space<hbm>>
        tpu.wait_dma2 semaphore(%run_scoped3A : memref<!tpu.dma_semaphore, #tpu.memory_space<semaphore_mem>>) src(%dma_wait3A_85 : memref<80x128xi32, #tpu.memory_space<hbm>>) dst(%arg7 : memref<80x128xi32, #tpu.memory_space<vmem>>)
        tpu.yield
      }) : () -> ()
      %scan3A = arith.constant 0 : i32
      %scan3A_75 = arith.constant 0 : i32
      %scan3A_76 = arith.constant 80 : i32
      %scan3A_77 = arith.addi %scan3A_75, %scan3A_76 : i32
      %scan3A_78 = arith.constant 1 : i32
      scf.for %scan3A_80 = %scan3A_75 to %scan3A_77 step %scan3A_78  : i32 {
        "tpu.region"() ({
          %run_scoped3A = tpu.sem_alloc : memref<!tpu.dma_semaphore, #tpu.memory_space<semaphore_mem>>
          %dma_start3A = arith.constant 0 : i32
          %dma_start3A_81 = tpu.memref_slice %arg7[%scan3A_80, %dma_start3A] : memref<80x128xi32, #tpu.memory_space<vmem>> -> memref<1x128xi32, #tpu.memory_space<vmem>>
          %dma_start3A_82 = tpu.memref_squeeze %dma_start3A_81 : memref<1x128xi32, #tpu.memory_space<vmem>> -> memref<128xi32, #tpu.memory_space<vmem>>
          %dma_start3A_83 = arith.constant 0 : i32
          %dma_start3A_84 = tpu.memref_slice %arg9[%dma_start3A_83] : memref<10128xf32, #tpu.memory_space<vmem_shared>> -> memref<10128xf32, #tpu.memory_space<vmem_shared>>
          tpu.enqueue_indirect_dma source(%arg6 : memref<128xf32, #tpu.memory_space<vmem>>) target(%dma_start3A_84 : memref<10128xf32, #tpu.memory_space<vmem_shared>>) offsets(%dma_start3A_82 : memref<128xi32, #tpu.memory_space<vmem>>) semaphore(%run_scoped3A : memref<!tpu.dma_semaphore, #tpu.memory_space<semaphore_mem>>) {add = true}
          %dma_wait3A = arith.constant 0 : i32
          %dma_wait3A_85 = tpu.memref_slice %arg7[%scan3A_80, %dma_wait3A] : memref<80x128xi32, #tpu.memory_space<vmem>> -> memref<1x128xi32, #tpu.memory_space<vmem>>
          %dma_wait3A_86 = tpu.memref_squeeze %dma_wait3A_85 : memref<1x128xi32, #tpu.memory_space<vmem>> -> memref<128xi32, #tpu.memory_space<vmem>>
          %dma_wait3A_87 = arith.constant 0 : i32
          %dma_wait3A_88 = tpu.memref_slice %arg9[%dma_wait3A_87] : memref<10128xf32, #tpu.memory_space<vmem_shared>> -> memref<10128xf32, #tpu.memory_space<vmem_shared>>
          tpu.wait_indirect_dma semaphore(%run_scoped3A : memref<!tpu.dma_semaphore, #tpu.memory_space<semaphore_mem>>) src(%arg6 : memref<128xf32, #tpu.memory_space<vmem>>) dst(%dma_wait3A_88 : memref<10128xf32, #tpu.memory_space<vmem_shared>>)
          tpu.yield
        }) : () -> ()
      }
      %scan3A_79 = arith.constant 80 : i32
    } else {
    }
    %eq3A_53 = arith.constant 1 : i32
    %eq3A_54 = arith.cmpi eq, %arg0, %eq3A_53 : i32
    %convert_element_type3A_55 = arith.extui %eq3A_54 : i1 to i32
    %cond3A_56 = arith.constant 0 : i32
    %cond3A_57 = arith.cmpi ne, %convert_element_type3A_55, %cond3A_56 : i32
    scf.if %cond3A_57 {
      %mul3A = arith.constant 80 : i32
      %mul3A_74 = arith.muli %arg1, %mul3A : i32
      "tpu.region"() ({
        %run_scoped3A = tpu.sem_alloc : memref<!tpu.dma_semaphore, #tpu.memory_space<semaphore_mem>>
        %dma_start3A = arith.constant 0 : i32
        %dma_start3A_80 = tpu.memref_slice %arg3[%mul3A_74, %dma_start3A] : memref<1280x128xi32, #tpu.memory_space<hbm>> -> memref<80x128xi32, #tpu.memory_space<hbm>>
        %dma_start3A_81 = arith.constant 0 : i32
        %dma_start3A_82 = tpu.memref_slice %arg3[%mul3A_74, %dma_start3A_81] : memref<1280x128xi32, #tpu.memory_space<hbm>> -> memref<80x128xi32, #tpu.memory_space<hbm>>
        tpu.enqueue_dma source(%dma_start3A_82 : memref<80x128xi32, #tpu.memory_space<hbm>>) target(%arg7 : memref<80x128xi32, #tpu.memory_space<vmem>>) target_semaphore(%run_scoped3A : memref<!tpu.dma_semaphore, #tpu.memory_space<semaphore_mem>>)
        %dma_wait3A = arith.constant 0 : i32
        %dma_wait3A_83 = tpu.memref_slice %arg3[%mul3A_74, %dma_wait3A] : memref<1280x128xi32, #tpu.memory_space<hbm>> -> memref<80x128xi32, #tpu.memory_space<hbm>>
        %dma_wait3A_84 = arith.constant 0 : i32
        %dma_wait3A_85 = tpu.memref_slice %arg3[%mul3A_74, %dma_wait3A_84] : memref<1280x128xi32, #tpu.memory_space<hbm>> -> memref<80x128xi32, #tpu.memory_space<hbm>>
        tpu.wait_dma2 semaphore(%run_scoped3A : memref<!tpu.dma_semaphore, #tpu.memory_space<semaphore_mem>>) src(%dma_wait3A_85 : memref<80x128xi32, #tpu.memory_space<hbm>>) dst(%arg7 : memref<80x128xi32, #tpu.memory_space<vmem>>)
        tpu.yield
      }) : () -> ()
      %scan3A = arith.constant 0 : i32
      %scan3A_75 = arith.constant 0 : i32
      %scan3A_76 = arith.constant 80 : i32
      %scan3A_77 = arith.addi %scan3A_75, %scan3A_76 : i32
      %scan3A_78 = arith.constant 1 : i32
      scf.for %scan3A_80 = %scan3A_75 to %scan3A_77 step %scan3A_78  : i32 {
        "tpu.region"() ({
          %run_scoped3A = tpu.sem_alloc : memref<!tpu.dma_semaphore, #tpu.memory_space<semaphore_mem>>
          %dma_start3A = arith.constant 0 : i32
          %dma_start3A_81 = tpu.memref_slice %arg7[%scan3A_80, %dma_start3A] : memref<80x128xi32, #tpu.memory_space<vmem>> -> memref<1x128xi32, #tpu.memory_space<vmem>>
          %dma_start3A_82 = tpu.memref_squeeze %dma_start3A_81 : memref<1x128xi32, #tpu.memory_space<vmem>> -> memref<128xi32, #tpu.memory_space<vmem>>
          %dma_start3A_83 = arith.constant 0 : i32
          %dma_start3A_84 = tpu.memref_slice %arg9[%dma_start3A_83] : memref<10128xf32, #tpu.memory_space<vmem_shared>> -> memref<10128xf32, #tpu.memory_space<vmem_shared>>
          tpu.enqueue_indirect_dma source(%arg6 : memref<128xf32, #tpu.memory_space<vmem>>) target(%dma_start3A_84 : memref<10128xf32, #tpu.memory_space<vmem_shared>>) offsets(%dma_start3A_82 : memref<128xi32, #tpu.memory_space<vmem>>) semaphore(%run_scoped3A : memref<!tpu.dma_semaphore, #tpu.memory_space<semaphore_mem>>) {add = true}
          %dma_wait3A = arith.constant 0 : i32
          %dma_wait3A_85 = tpu.memref_slice %arg7[%scan3A_80, %dma_wait3A] : memref<80x128xi32, #tpu.memory_space<vmem>> -> memref<1x128xi32, #tpu.memory_space<vmem>>
          %dma_wait3A_86 = tpu.memref_squeeze %dma_wait3A_85 : memref<1x128xi32, #tpu.memory_space<vmem>> -> memref<128xi32, #tpu.memory_space<vmem>>
          %dma_wait3A_87 = arith.constant 0 : i32
          %dma_wait3A_88 = tpu.memref_slice %arg9[%dma_wait3A_87] : memref<10128xf32, #tpu.memory_space<vmem_shared>> -> memref<10128xf32, #tpu.memory_space<vmem_shared>>
          tpu.wait_indirect_dma semaphore(%run_scoped3A : memref<!tpu.dma_semaphore, #tpu.memory_space<semaphore_mem>>) src(%arg6 : memref<128xf32, #tpu.memory_space<vmem>>) dst(%dma_wait3A_88 : memref<10128xf32, #tpu.memory_space<vmem_shared>>)
          tpu.yield
        }) : () -> ()
      }
      %scan3A_79 = arith.constant 80 : i32
    } else {
    }
    %barrier3A_58 = arith.constant 0 : index
    tpu.barrier barrier_id(%barrier3A_58)
    %eq3A_59 = arith.constant 0 : i32
    %eq3A_60 = arith.cmpi eq, %arg1, %eq3A_59 : i32
    %eq3A_61 = arith.constant 0 : i32
    %eq3A_62 = arith.cmpi eq, %arg0, %eq3A_61 : i32
    %and3A = arith.andi %eq3A_60, %eq3A_62 : i1
    %convert_element_type3A_63 = arith.extui %and3A : i1 to i32
    %cond3A_64 = arith.constant 0 : i32
    %cond3A_65 = arith.cmpi ne, %convert_element_type3A_63, %cond3A_64 : i32
    scf.if %cond3A_65 {
      "tpu.region"() ({
        %run_scoped3A = tpu.sem_alloc : memref<!tpu.dma_semaphore, #tpu.memory_space<semaphore_mem>>
        tpu.enqueue_dma source(%arg9 : memref<10128xf32, #tpu.memory_space<vmem_shared>>) target(%arg4 : memref<10128xf32, #tpu.memory_space<hbm>>) target_semaphore(%run_scoped3A : memref<!tpu.dma_semaphore, #tpu.memory_space<semaphore_mem>>)
        tpu.wait_dma2 semaphore(%run_scoped3A : memref<!tpu.dma_semaphore, #tpu.memory_space<semaphore_mem>>) src(%arg9 : memref<10128xf32, #tpu.memory_space<vmem_shared>>) dst(%arg4 : memref<10128xf32, #tpu.memory_space<hbm>>)
        tpu.yield
      }) : () -> ()
    } else {
    }
    %eq3A_66 = arith.constant 0 : i32
    %eq3A_67 = arith.cmpi eq, %arg1, %eq3A_66 : i32
    %eq3A_68 = arith.constant 1 : i32
    %eq3A_69 = arith.cmpi eq, %arg0, %eq3A_68 : i32
    %and3A_70 = arith.andi %eq3A_67, %eq3A_69 : i1
    %convert_element_type3A_71 = arith.extui %and3A_70 : i1 to i32
    %cond3A_72 = arith.constant 0 : i32
    %cond3A_73 = arith.cmpi ne, %convert_element_type3A_71, %cond3A_72 : i32
    scf.if %cond3A_73 {
      "tpu.region"() ({
        %run_scoped3A = tpu.sem_alloc : memref<!tpu.dma_semaphore, #tpu.memory_space<semaphore_mem>>
        tpu.enqueue_dma source(%arg9 : memref<10128xf32, #tpu.memory_space<vmem_shared>>) target(%arg5 : memref<10128xf32, #tpu.memory_space<hbm>>) target_semaphore(%run_scoped3A : memref<!tpu.dma_semaphore, #tpu.memory_space<semaphore_mem>>)
        tpu.wait_dma2 semaphore(%run_scoped3A : memref<!tpu.dma_semaphore, #tpu.memory_space<semaphore_mem>>) src(%arg9 : memref<10128xf32, #tpu.memory_space<vmem_shared>>) dst(%arg5 : memref<10128xf32, #tpu.memory_space<hbm>>)
        tpu.yield
      }) : () -> ()
    } else {
    }
    return
  }
}

module attributes {stable_mosaic.version = 14 : i64} {
  func.func @body(%arg0: i32, %arg1: memref<2x1000x128xf32, #tpu.memory_space<vmem>>, %arg2: memref<1000x1xf32, #tpu.memory_space<vmem>>, %arg3: memref<1000x1xf32, #tpu.memory_space<vmem>>, %arg4: memref<128x128xf32, #tpu.memory_space<vmem>>, %arg5: memref<1x128xf32, #tpu.memory_space<vmem>>, %arg6: memref<128x128xf32, #tpu.memory_space<vmem>>, %arg7: memref<1x128xf32, #tpu.memory_space<vmem>>, %arg8: memref<1000x128xf32, #tpu.memory_space<vmem>>) attributes {dimension_semantics = [#tpu.dimension_semantics<arbitrary>], iteration_bounds = array<i64: 10>, scalar_prefetch = 0 : i64, scratch_operands = 0 : i64, tpu.core_type = #tpu.core_type<tc>, window_params = [{transform_indices = @transform_0, window_bounds = array<i64: 2, 1000, 128>}, {transform_indices = @transform_1, window_bounds = array<i64: 1000, 1>}, {transform_indices = @transform_2, window_bounds = array<i64: 1000, 1>}, {pipeline_mode = #tpu.pipeline_mode<synchronous>, transform_indices = @transform_3, window_bounds = array<i64: 128, 128>}, {pipeline_mode = #tpu.pipeline_mode<synchronous>, transform_indices = @transform_4, window_bounds = array<i64: 1, 128>}, {pipeline_mode = #tpu.pipeline_mode<synchronous>, transform_indices = @transform_5, window_bounds = array<i64: 128, 128>}, {pipeline_mode = #tpu.pipeline_mode<synchronous>, transform_indices = @transform_6, window_bounds = array<i64: 1, 128>}, {transform_indices = @transform_7, window_bounds = array<i64: 1000, 128>}]} {
    %get3A = arith.constant 0 : index
    %get3A_0 = arith.constant 0 : index
    %get3A_1 = arith.constant 0 : index
    %get3A_2 = vector.load %arg1[%get3A, %get3A_0, %get3A_1] : memref<2x1000x128xf32, #tpu.memory_space<vmem>>, vector<1x1000x128xf32>
    %get3A_3 = vector.shape_cast %get3A_2 : vector<1x1000x128xf32> to vector<1000x128xf32>
    %get3A_4 = arith.constant 1 : index
    %get3A_5 = arith.constant 0 : index
    %get3A_6 = arith.constant 0 : index
    %get3A_7 = vector.load %arg1[%get3A_4, %get3A_5, %get3A_6] : memref<2x1000x128xf32, #tpu.memory_space<vmem>>, vector<1x1000x128xf32>
    %get3A_8 = vector.shape_cast %get3A_7 : vector<1x1000x128xf32> to vector<1000x128xf32>
    %get3A_9 = arith.constant 0 : index
    %get3A_10 = arith.constant 0 : index
    %get3A_11 = vector.load %arg2[%get3A_9, %get3A_10] : memref<1000x1xf32, #tpu.memory_space<vmem>>, vector<1000x1xf32>
    %jit3A = arith.constant 1.000000e+00 : f32
    %max3A = vector.broadcast %jit3A : f32 to vector<1000x1xf32>
    %max3A_12 = arith.maximumf %max3A, %get3A_11 : vector<1000x1xf32>
    %get3A_13 = arith.constant 0 : index
    %get3A_14 = arith.constant 0 : index
    %get3A_15 = vector.load %arg3[%get3A_13, %get3A_14] : memref<1000x1xf32, #tpu.memory_space<vmem>>, vector<1000x1xf32>
    %jit3A_16 = arith.constant 1.000000e+00 : f32
    %max3A_17 = vector.broadcast %jit3A_16 : f32 to vector<1000x1xf32>
    %max3A_18 = arith.maximumf %max3A_17, %get3A_15 : vector<1000x1xf32>
    %div3A = vector.broadcast %max3A_12 : vector<1000x1xf32> to vector<1000x128xf32>
    %div3A_19 = arith.divf %get3A_3, %div3A : vector<1000x128xf32>
    %get3A_20 = arith.constant 0 : index
    %get3A_21 = arith.constant 0 : index
    %get3A_22 = vector.load %arg4[%get3A_20, %get3A_21] : memref<128x128xf32, #tpu.memory_space<vmem>>, vector<128x128xf32>
    %dot_general3A = arith.constant dense<0.000000e+00> : vector<1000x128xf32>
    %dot_general3A_23 = tpu.matmul %div3A_19, %get3A_22, %dot_general3A {dimension_numbers = #tpu.dot_dimension_numbers<[1], [0], [0], [1], [0, 0, 1, 1], [], []>, transpose_lhs_hint = false} : vector<1000x128xf32>, vector<128x128xf32>, vector<1000x128xf32> -> vector<1000x128xf32>
    %get3A_24 = arith.constant 0 : index
    %get3A_25 = arith.constant 0 : index
    %get3A_26 = vector.load %arg5[%get3A_24, %get3A_25] : memref<1x128xf32, #tpu.memory_space<vmem>>, vector<1x128xf32>
    %add3A = vector.broadcast %get3A_26 : vector<1x128xf32> to vector<1000x128xf32>
    %add3A_27 = arith.addf %dot_general3A_23, %add3A : vector<1000x128xf32>
    %max3A_28 = arith.constant 0.000000e+00 : f32
    %max3A_29 = vector.broadcast %max3A_28 : f32 to vector<1000x128xf32>
    %max3A_30 = arith.maximumf %add3A_27, %max3A_29 : vector<1000x128xf32>
    %div3A_31 = vector.broadcast %max3A_18 : vector<1000x1xf32> to vector<1000x128xf32>
    %div3A_32 = arith.divf %get3A_8, %div3A_31 : vector<1000x128xf32>
    %get3A_33 = arith.constant 0 : index
    %get3A_34 = arith.constant 0 : index
    %get3A_35 = vector.load %arg6[%get3A_33, %get3A_34] : memref<128x128xf32, #tpu.memory_space<vmem>>, vector<128x128xf32>
    %dot_general3A_36 = arith.constant dense<0.000000e+00> : vector<1000x128xf32>
    %dot_general3A_37 = tpu.matmul %div3A_32, %get3A_35, %dot_general3A_36 {dimension_numbers = #tpu.dot_dimension_numbers<[1], [0], [0], [1], [0, 0, 1, 1], [], []>, transpose_lhs_hint = false} : vector<1000x128xf32>, vector<128x128xf32>, vector<1000x128xf32> -> vector<1000x128xf32>
    %get3A_38 = arith.constant 0 : index
    %get3A_39 = arith.constant 0 : index
    %get3A_40 = vector.load %arg7[%get3A_38, %get3A_39] : memref<1x128xf32, #tpu.memory_space<vmem>>, vector<1x128xf32>
    %add3A_41 = vector.broadcast %get3A_40 : vector<1x128xf32> to vector<1000x128xf32>
    %add3A_42 = arith.addf %dot_general3A_37, %add3A_41 : vector<1000x128xf32>
    %max3A_43 = arith.constant 0.000000e+00 : f32
    %max3A_44 = vector.broadcast %max3A_43 : f32 to vector<1000x128xf32>
    %max3A_45 = arith.maximumf %add3A_42, %max3A_44 : vector<1000x128xf32>
    %add3A_46 = arith.addf %max3A_30, %max3A_45 : vector<1000x128xf32>
    %mul3A = arith.constant 5.000000e-01 : f32
    %mul3A_47 = vector.broadcast %mul3A : f32 to vector<1000x128xf32>
    %mul3A_48 = arith.mulf %add3A_46, %mul3A_47 : vector<1000x128xf32>
    %swap3A = arith.constant 0 : index
    %swap3A_49 = arith.constant 0 : index
    %swap3A_50 = vector.load %arg8[%swap3A, %swap3A_49] : memref<1000x128xf32, #tpu.memory_space<vmem>>, vector<1000x128xf32>
    tpu.vector_store %arg8[%swap3A, %swap3A_49], %mul3A_48 {strides = array<i32>} : memref<1000x128xf32, #tpu.memory_space<vmem>>, vector<1000x128xf32>,
    return
  }
  func.func @transform_0(%arg0: i32) -> (i32, i32, i32) {
    %c0_i32 = arith.constant 0 : i32
    %c0_i32_0 = arith.constant 0 : i32
    %c0_i32_1 = arith.constant 0 : i32
    return %c0_i32, %arg0, %c0_i32_0 : i32, i32, i32
  }
  func.func @transform_1(%arg0: i32) -> (i32, i32) {
    %c0_i32 = arith.constant 0 : i32
    %c0_i32_0 = arith.constant 0 : i32
    return %arg0, %c0_i32 : i32, i32
  }
  func.func @transform_2(%arg0: i32) -> (i32, i32) {
    %c0_i32 = arith.constant 0 : i32
    %c0_i32_0 = arith.constant 0 : i32
    return %arg0, %c0_i32 : i32, i32
  }
  func.func @transform_3(%arg0: i32) -> (i32, i32) {
    %c0_i32 = arith.constant 0 : i32
    %c0_i32_0 = arith.constant 0 : i32
    %c0_i32_1 = arith.constant 0 : i32
    return %c0_i32, %c0_i32_0 : i32, i32
  }
  func.func @transform_4(%arg0: i32) -> (i32, i32) {
    %c0_i32 = arith.constant 0 : i32
    %c0_i32_0 = arith.constant 0 : i32
    %c0_i32_1 = arith.constant 0 : i32
    return %c0_i32, %c0_i32_0 : i32, i32
  }
  func.func @transform_5(%arg0: i32) -> (i32, i32) {
    %c0_i32 = arith.constant 0 : i32
    %c0_i32_0 = arith.constant 0 : i32
    %c0_i32_1 = arith.constant 0 : i32
    return %c0_i32, %c0_i32_0 : i32, i32
  }
  func.func @transform_6(%arg0: i32) -> (i32, i32) {
    %c0_i32 = arith.constant 0 : i32
    %c0_i32_0 = arith.constant 0 : i32
    %c0_i32_1 = arith.constant 0 : i32
    return %c0_i32, %c0_i32_0 : i32, i32
  }
  func.func @transform_7(%arg0: i32) -> (i32, i32) {
    %c0_i32 = arith.constant 0 : i32
    %c0_i32_0 = arith.constant 0 : i32
    return %arg0, %c0_i32 : i32, i32
  }
}

module attributes {stable_mosaic.version = 14 : i64} {
  func.func @body(%arg0: i32, %arg1: memref<2x1000x128xf32, #tpu.memory_space<vmem>>, %arg2: memref<1000x1xf32, #tpu.memory_space<vmem>>, %arg3: memref<1000x1xf32, #tpu.memory_space<vmem>>, %arg4: memref<128x128xf32, #tpu.memory_space<vmem>>, %arg5: memref<1x128xf32, #tpu.memory_space<vmem>>, %arg6: memref<128x128xf32, #tpu.memory_space<vmem>>, %arg7: memref<1x128xf32, #tpu.memory_space<vmem>>, %arg8: memref<128x256xf32, #tpu.memory_space<vmem>>, %arg9: memref<1x256xf32, #tpu.memory_space<vmem>>, %arg10: memref<256x64xf32, #tpu.memory_space<vmem>>, %arg11: memref<1x64xf32, #tpu.memory_space<vmem>>, %arg12: memref<1000x64xf32, #tpu.memory_space<vmem>>) attributes {dimension_semantics = [#tpu.dimension_semantics<arbitrary>], iteration_bounds = array<i64: 10>, scalar_prefetch = 0 : i64, scratch_operands = 0 : i64, tpu.core_type = #tpu.core_type<tc>, window_params = [{transform_indices = @transform_0, window_bounds = array<i64: 2, 1000, 128>}, {transform_indices = @transform_1, window_bounds = array<i64: 1000, 1>}, {transform_indices = @transform_2, window_bounds = array<i64: 1000, 1>}, {pipeline_mode = #tpu.pipeline_mode<synchronous>, transform_indices = @transform_3, window_bounds = array<i64: 128, 128>}, {pipeline_mode = #tpu.pipeline_mode<synchronous>, transform_indices = @transform_4, window_bounds = array<i64: 1, 128>}, {pipeline_mode = #tpu.pipeline_mode<synchronous>, transform_indices = @transform_5, window_bounds = array<i64: 128, 128>}, {pipeline_mode = #tpu.pipeline_mode<synchronous>, transform_indices = @transform_6, window_bounds = array<i64: 1, 128>}, {pipeline_mode = #tpu.pipeline_mode<synchronous>, transform_indices = @transform_7, window_bounds = array<i64: 128, 256>}, {pipeline_mode = #tpu.pipeline_mode<synchronous>, transform_indices = @transform_8, window_bounds = array<i64: 1, 256>}, {pipeline_mode = #tpu.pipeline_mode<synchronous>, transform_indices = @transform_9, window_bounds = array<i64: 256, 64>}, {pipeline_mode = #tpu.pipeline_mode<synchronous>, transform_indices = @transform_10, window_bounds = array<i64: 1, 64>}, {transform_indices = @transform_11, window_bounds = array<i64: 1000, 64>}]} {
    %get3A = arith.constant 0 : index
    %get3A_0 = arith.constant 0 : index
    %get3A_1 = arith.constant 0 : index
    %get3A_2 = vector.load %arg1[%get3A, %get3A_0, %get3A_1] : memref<2x1000x128xf32, #tpu.memory_space<vmem>>, vector<1x1000x128xf32>
    %get3A_3 = vector.shape_cast %get3A_2 : vector<1x1000x128xf32> to vector<1000x128xf32>
    %get3A_4 = arith.constant 1 : index
    %get3A_5 = arith.constant 0 : index
    %get3A_6 = arith.constant 0 : index
    %get3A_7 = vector.load %arg1[%get3A_4, %get3A_5, %get3A_6] : memref<2x1000x128xf32, #tpu.memory_space<vmem>>, vector<1x1000x128xf32>
    %get3A_8 = vector.shape_cast %get3A_7 : vector<1x1000x128xf32> to vector<1000x128xf32>
    %get3A_9 = arith.constant 0 : index
    %get3A_10 = arith.constant 0 : index
    %get3A_11 = vector.load %arg2[%get3A_9, %get3A_10] : memref<1000x1xf32, #tpu.memory_space<vmem>>, vector<1000x1xf32>
    %jit3A = arith.constant 1.000000e+00 : f32
    %max3A = vector.broadcast %jit3A : f32 to vector<1000x1xf32>
    %max3A_12 = arith.maximumf %max3A, %get3A_11 : vector<1000x1xf32>
    %get3A_13 = arith.constant 0 : index
    %get3A_14 = arith.constant 0 : index
    %get3A_15 = vector.load %arg3[%get3A_13, %get3A_14] : memref<1000x1xf32, #tpu.memory_space<vmem>>, vector<1000x1xf32>
    %jit3A_16 = arith.constant 1.000000e+00 : f32
    %max3A_17 = vector.broadcast %jit3A_16 : f32 to vector<1000x1xf32>
    %max3A_18 = arith.maximumf %max3A_17, %get3A_15 : vector<1000x1xf32>
    %div3A = vector.broadcast %max3A_12 : vector<1000x1xf32> to vector<1000x128xf32>
    %div3A_19 = arith.divf %get3A_3, %div3A : vector<1000x128xf32>
    %get3A_20 = arith.constant 0 : index
    %get3A_21 = arith.constant 0 : index
    %get3A_22 = vector.load %arg4[%get3A_20, %get3A_21] : memref<128x128xf32, #tpu.memory_space<vmem>>, vector<128x128xf32>
    %dot_general3A = arith.constant dense<0.000000e+00> : vector<1000x128xf32>
    %dot_general3A_23 = tpu.matmul %div3A_19, %get3A_22, %dot_general3A {dimension_numbers = #tpu.dot_dimension_numbers<[1], [0], [0], [1], [0, 0, 1, 1], [], []>, transpose_lhs_hint = false} : vector<1000x128xf32>, vector<128x128xf32>, vector<1000x128xf32> -> vector<1000x128xf32>
    %get3A_24 = arith.constant 0 : index
    %get3A_25 = arith.constant 0 : index
    %get3A_26 = vector.load %arg5[%get3A_24, %get3A_25] : memref<1x128xf32, #tpu.memory_space<vmem>>, vector<1x128xf32>
    %add3A = vector.broadcast %get3A_26 : vector<1x128xf32> to vector<1000x128xf32>
    %add3A_27 = arith.addf %dot_general3A_23, %add3A : vector<1000x128xf32>
    %max3A_28 = arith.constant 0.000000e+00 : f32
    %max3A_29 = vector.broadcast %max3A_28 : f32 to vector<1000x128xf32>
    %max3A_30 = arith.maximumf %add3A_27, %max3A_29 : vector<1000x128xf32>
    %div3A_31 = vector.broadcast %max3A_18 : vector<1000x1xf32> to vector<1000x128xf32>
    %div3A_32 = arith.divf %get3A_8, %div3A_31 : vector<1000x128xf32>
    %get3A_33 = arith.constant 0 : index
    %get3A_34 = arith.constant 0 : index
    %get3A_35 = vector.load %arg6[%get3A_33, %get3A_34] : memref<128x128xf32, #tpu.memory_space<vmem>>, vector<128x128xf32>
    %dot_general3A_36 = arith.constant dense<0.000000e+00> : vector<1000x128xf32>
    %dot_general3A_37 = tpu.matmul %div3A_32, %get3A_35, %dot_general3A_36 {dimension_numbers = #tpu.dot_dimension_numbers<[1], [0], [0], [1], [0, 0, 1, 1], [], []>, transpose_lhs_hint = false} : vector<1000x128xf32>, vector<128x128xf32>, vector<1000x128xf32> -> vector<1000x128xf32>
    %get3A_38 = arith.constant 0 : index
    %get3A_39 = arith.constant 0 : index
    %get3A_40 = vector.load %arg7[%get3A_38, %get3A_39] : memref<1x128xf32, #tpu.memory_space<vmem>>, vector<1x128xf32>
    %add3A_41 = vector.broadcast %get3A_40 : vector<1x128xf32> to vector<1000x128xf32>
    %add3A_42 = arith.addf %dot_general3A_37, %add3A_41 : vector<1000x128xf32>
    %max3A_43 = arith.constant 0.000000e+00 : f32
    %max3A_44 = vector.broadcast %max3A_43 : f32 to vector<1000x128xf32>
    %max3A_45 = arith.maximumf %add3A_42, %max3A_44 : vector<1000x128xf32>
    %add3A_46 = arith.addf %max3A_30, %max3A_45 : vector<1000x128xf32>
    %mul3A = arith.constant 5.000000e-01 : f32
    %mul3A_47 = vector.broadcast %mul3A : f32 to vector<1000x128xf32>
    %mul3A_48 = arith.mulf %add3A_46, %mul3A_47 : vector<1000x128xf32>
    %get3A_49 = arith.constant 0 : index
    %get3A_50 = arith.constant 0 : index
    %get3A_51 = vector.load %arg8[%get3A_49, %get3A_50] : memref<128x256xf32, #tpu.memory_space<vmem>>, vector<128x256xf32>
    %dot_general3A_52 = arith.constant dense<0.000000e+00> : vector<1000x256xf32>
    %dot_general3A_53 = tpu.matmul %mul3A_48, %get3A_51, %dot_general3A_52 {dimension_numbers = #tpu.dot_dimension_numbers<[1], [0], [0], [1], [0, 0, 1, 1], [], []>, transpose_lhs_hint = false} : vector<1000x128xf32>, vector<128x256xf32>, vector<1000x256xf32> -> vector<1000x256xf32>
    %get3A_54 = arith.constant 0 : index
    %get3A_55 = arith.constant 0 : index
    %get3A_56 = vector.load %arg9[%get3A_54, %get3A_55] : memref<1x256xf32, #tpu.memory_space<vmem>>, vector<1x256xf32>
    %add3A_57 = vector.broadcast %get3A_56 : vector<1x256xf32> to vector<1000x256xf32>
    %add3A_58 = arith.addf %dot_general3A_53, %add3A_57 : vector<1000x256xf32>
    %get3A_59 = arith.constant 0 : index
    %get3A_60 = arith.constant 0 : index
    %get3A_61 = vector.load %arg10[%get3A_59, %get3A_60] : memref<256x64xf32, #tpu.memory_space<vmem>>, vector<256x64xf32>
    %dot_general3A_62 = arith.constant dense<0.000000e+00> : vector<1000x64xf32>
    %dot_general3A_63 = tpu.matmul %add3A_58, %get3A_61, %dot_general3A_62 {dimension_numbers = #tpu.dot_dimension_numbers<[1], [0], [0], [1], [0, 0, 1, 1], [], []>, transpose_lhs_hint = false} : vector<1000x256xf32>, vector<256x64xf32>, vector<1000x64xf32> -> vector<1000x64xf32>
    %get3A_64 = arith.constant 0 : index
    %get3A_65 = arith.constant 0 : index
    %get3A_66 = vector.load %arg11[%get3A_64, %get3A_65] : memref<1x64xf32, #tpu.memory_space<vmem>>, vector<1x64xf32>
    %add3A_67 = vector.broadcast %get3A_66 : vector<1x64xf32> to vector<1000x64xf32>
    %add3A_68 = arith.addf %dot_general3A_63, %add3A_67 : vector<1000x64xf32>
    %swap3A = arith.constant 0 : index
    %swap3A_69 = arith.constant 0 : index
    %swap3A_70 = vector.load %arg12[%swap3A, %swap3A_69] : memref<1000x64xf32, #tpu.memory_space<vmem>>, vector<1000x64xf32>
    tpu.vector_store %arg12[%swap3A, %swap3A_69], %add3A_68 {strides = array<i32>} : memref<1000x64xf32, #tpu.memory_space<vmem>>, vector<1000x64xf32>,
    return
  }
  func.func @transform_0(%arg0: i32) -> (i32, i32, i32) {
    %c0_i32 = arith.constant 0 : i32
    %c0_i32_0 = arith.constant 0 : i32
    %c0_i32_1 = arith.constant 0 : i32
    return %c0_i32, %arg0, %c0_i32_0 : i32, i32, i32
  }
  func.func @transform_1(%arg0: i32) -> (i32, i32) {
    %c0_i32 = arith.constant 0 : i32
    %c0_i32_0 = arith.constant 0 : i32
    return %arg0, %c0_i32 : i32, i32
  }
  func.func @transform_2(%arg0: i32) -> (i32, i32) {
    %c0_i32 = arith.constant 0 : i32
    %c0_i32_0 = arith.constant 0 : i32
    return %arg0, %c0_i32 : i32, i32
  }
  func.func @transform_3(%arg0: i32) -> (i32, i32) {
    %c0_i32 = arith.constant 0 : i32
    %c0_i32_0 = arith.constant 0 : i32
    %c0_i32_1 = arith.constant 0 : i32
    return %c0_i32, %c0_i32_0 : i32, i32
  }
  func.func @transform_4(%arg0: i32) -> (i32, i32) {
    %c0_i32 = arith.constant 0 : i32
    %c0_i32_0 = arith.constant 0 : i32
    %c0_i32_1 = arith.constant 0 : i32
    return %c0_i32, %c0_i32_0 : i32, i32
  }
  func.func @transform_5(%arg0: i32) -> (i32, i32) {
    %c0_i32 = arith.constant 0 : i32
    %c0_i32_0 = arith.constant 0 : i32
    %c0_i32_1 = arith.constant 0 : i32
    return %c0_i32, %c0_i32_0 : i32, i32
  }
  func.func @transform_6(%arg0: i32) -> (i32, i32) {
    %c0_i32 = arith.constant 0 : i32
    %c0_i32_0 = arith.constant 0 : i32
    %c0_i32_1 = arith.constant 0 : i32
    return %c0_i32, %c0_i32_0 : i32, i32
  }
  func.func @transform_7(%arg0: i32) -> (i32, i32) {
    %c0_i32 = arith.constant 0 : i32
    %c0_i32_0 = arith.constant 0 : i32
    %c0_i32_1 = arith.constant 0 : i32
    return %c0_i32, %c0_i32_0 : i32, i32
  }
  func.func @transform_8(%arg0: i32) -> (i32, i32) {
    %c0_i32 = arith.constant 0 : i32
    %c0_i32_0 = arith.constant 0 : i32
    %c0_i32_1 = arith.constant 0 : i32
    return %c0_i32, %c0_i32_0 : i32, i32
  }
  func.func @transform_9(%arg0: i32) -> (i32, i32) {
    %c0_i32 = arith.constant 0 : i32
    %c0_i32_0 = arith.constant 0 : i32
    %c0_i32_1 = arith.constant 0 : i32
    return %c0_i32, %c0_i32_0 : i32, i32
  }
  func.func @transform_10(%arg0: i32) -> (i32, i32) {
    %c0_i32 = arith.constant 0 : i32
    %c0_i32_0 = arith.constant 0 : i32
    %c0_i32_1 = arith.constant 0 : i32
    return %c0_i32, %c0_i32_0 : i32, i32
  }
  func.func @transform_11(%arg0: i32) -> (i32, i32) {
    %c0_i32 = arith.constant 0 : i32
    %c0_i32_0 = arith.constant 0 : i32
    return %arg0, %c0_i32 : i32, i32
  }
}

</mosaic_0001>

<sc_bundles>
// kernel: kernel.10.cloned.1.call-start
scs
__scs_entry_jumppad:
0x0: {  	(pc) =	sbr.rel $0x88, $3  }
0x1: {  	(tag) =	ssettag $0x0;
	lr =	simm.s32 $0x1  }
0x2: {  	[smem:$0x3F92] =	sst lr;
	_ =	strace $0xD0000000  }
0x3: {  	_ = 	snop  }
0x4: {  	_ = 	snop  }
0x5: {  	_ = 	snop  }
0x6: {  	_ = 	snop  }
0x7: {  	_ = 	snop  }
__scs_overlays_trampoline_lowered:
0x8: {  	[smem:$0x3FA1] =	sst s0  }
0x9: {  	[smem:$0x3FA2] =	sst s1  }
0xa: {  	[smem:$0x3FA3] =	sst s2  }
0xb: {  	[smem:$0x3FA4] =	sst s3  }
0xc: {  	[smem:$0x3FA5] =	sst s4  }
0xd: {  	[smem:$0x3FA6] =	sst s5  }
0xe: {  	[smem:$0x3FA7] =	sst s6  }
0xf: {  	[smem:$0x3FA8] =	sst s7  }
0x10: {  	[smem:$0x3FA9] =	sst s8  }
0x11: {  	[smem:$0x3FAA] =	sst s9;
	s0 =	simm.s32 @!p0 $0x0  }
0x12: {  	s1 =	sld [smem:$0x3F90];
	s0 =	simm.s32 @p0 $0x1  }
0x13: {  	[smem:$0x3FAB] =	sst s0;
	s0 =	simm.s32 @!p1 $0x0  }
0x14: {  	s2 =	sld [smem:$0x3F8F];
	s0 =	simm.s32 @p1 $0x1  }
0x15: {  	[smem:$0x3FAC] =	sst s0;
	s0 =	simm.s32 @!p2 $0x0  }
0x16: {  	s3 =	sld [smem:$0x3FDB];
	s0 =	simm.s32 @p2 $0x1  }
0x17: {  	s4 =	simm.s32 $0x1BF5;
	[smem:$0x3FAE] =	sst s0  }
0x18: {  	s0 =	sld [smem:$0x3F91];
	_ =	swait.ge [sflag:s4], $0x0  }
0x19: {  	s7 =	sld [smem:$0x3F92]  }
0x1a: {  	s8 =	sadd.s32 $0xFFFFE003, lr  }
0x1b: {  	s9 =	sadd.s32 $0xFFFFFEF7, lr;
	s5 =	simm.s32 $0xFFFFFFFF;
	p2 =	slt.u32 s8, $0xFFFFF086  }
0x1c: {  	p1 =	slt.u32 s9, $0xF7A;
	s5 =	simm.s32 @!p2 $0x0  }
0x1d: {  	s5 =	simm.s32 @p1 $0x1;
	p0 =	seq.s32 s7, s2  }
0x1e: {  	s7 =	smul.u32 @!p0 $0xF7A, s2;
	p2 =	seq.s32 @!p0 s5, $0x0  }
0x1f: {  	s9 =	smul.u32 $0xF7A, s1;
	s8 =	simm.s32 @!p0 $0x1BF5;
	p2 =	por !p2, p0  }
0x20: {  	[sflag:s8] =	ssyncset.s32 @!p0 $0xFFFFF086;
	s6 =	sadd.s32 @!p0 s3, s7;
	s7 =	simm.s32 @!p0 $0x108  }
0x21: {  	s3 =	sadd.s32 s3, s9;
	s6 =	sadd.s32 @!p0 $0x88, s6;
	s7 =	simm.s32 @p2 $0x1082  }
0x22: {  	[simem:s7], [sflag:s8] =	dma.local @!p0 [hbm:s6], $0xF7A  }
0x23: {  	s9 =	sor.u32 $0xD0000000, s2;
	s6 =	simm.s32 $0x108;
	_ =	swait.ge @!p0 [sflag:s8], $0x0  }
0x24: {  	s3 =	sadd.s32 $0x88, s3;
	s6 =	simm.s32 @!p1 $0x1082;
	[sflag:s4] =	ssyncset.s32 $0xFFFFF086  }
0x25: {  	[simem:s6], [sflag:s4] =	dma.local [hbm:s3], $0xF7A  }
0x26: {  	[smem:$0x3F92] =	sst s1;
	(tag) =	ssettag s2;
	_ =	strace s9  }
0x27: {  	s1 =	sld [smem:$0x3FA2]  }
0x28: {  	s2 =	sld [smem:$0x3FA3]  }
0x29: {  	s4 =	sld [smem:$0x3FA5]  }
0x2a: {  	p0 =	seq.s32 s5, $0x0;
	s5 =	sld [smem:$0x3FA6]  }
0x2b: {  	s6 =	sld [smem:$0x3FA7]  }
0x2c: {  	s7 =	sld [smem:$0x3FA8]  }
0x2d: {  	s3 =	simm.s32 $0x108;
	s8 =	sld [smem:$0x3FA9]  }
0x2e: {  	s3 =	simm.s32 @!p0 $0x1082;
	s9 =	sld [smem:$0x3FAA]  }
0x2f: {  	lr =	sadd.s32 s0, s3;
	s0 =	sld [smem:$0x3FA1]  }
0x30: {  	s3 =	sld [smem:$0x3FA4]  }
0x31: {  	[smem:$0x3FAD] =	sst s10  }
0x32: {  	s10 =	sld [smem:$0x3FAB];
	_ =	sdelay $0x3  }
0x33: {  	p0 =	seq.s32 s10, $0x1;
	s10 =	sld [smem:$0x3FAD];
	_ =	sdelay $0x3  }
0x34: {  	[smem:$0x3FAD] =	sst s10  }
0x35: {  	s10 =	sld [smem:$0x3FAC];
	_ =	sdelay $0x3  }
0x36: {  	p1 =	seq.s32 s10, $0x1;
	s10 =	sld [smem:$0x3FAD];
	_ =	sdelay $0x3  }
0x37: {  	[smem:$0x3FAD] =	sst s10  }
0x38: {  	s10 =	sld [smem:$0x3FAE]  }
0x39: {  	_ = 	snop;
	(pc) =	sbr.ind lr, $3  }
0x3a: {  	_ = 	snop  }
0x3b: {  	_ = 	snop  }
0x3c: {  	p2 =	seq.s32 s10, $0x1;
	s10 =	sld [smem:$0x3FAD]  }
0x3d: {  	_ =	shalt  }
0x3e: {  	_ =	shalt  }
0x3f: {  	_ =	shalt  }
0x40: {  	_ =	shalt  }
0x41: {  	_ =	shalt  }
0x42: {  	_ =	shalt  }
0x43: {  	_ =	shalt  }
0x44: {  	_ =	shalt  }
0x45: {  	_ =	shalt  }
0x46: {  	_ =	shalt  }
0x47: {  	_ =	shalt  }
0x48: {  	_ =	shalt  }
0x49: {  	_ =	shalt  }
0x4a: {  	_ =	shalt  }
0x4b: {  	_ =	shalt  }
0x4c: {  	_ =	shalt  }
0x4d: {  	_ =	shalt  }
0x4e: {  	_ =	shalt  }
0x4f: {  	_ =	shalt  }
0x50: {  	_ =	shalt  }
0x51: {  	_ =	shalt  }
0x52: {  	_ =	shalt  }
0x53: {  	_ =	shalt  }
0x54: {  	_ =	shalt  }
0x55: {  	_ =	shalt  }
0x56: {  	_ =	shalt  }
0x57: {  	_ =	shalt  }
0x58: {  	_ =	shalt  }
0x59: {  	_ =	shalt  }
0x5a: {  	_ =	shalt  }
0x5b: {  	_ =	shalt  }
0x5c: {  	_ =	shalt  }
0x5d: {  	_ =	shalt  }
0x5e: {  	_ =	shalt  }
0x5f: {  	_ =	shalt  }
0x60: {  	_ =	shalt  }
0x61: {  	_ =	shalt  }
0x62: {  	_ =	shalt  }
0x63: {  	_ =	shalt  }
0x64: {  	_ =	shalt  }
0x65: {  	_ =	shalt  }
0x66: {  	_ =	shalt  }
0x67: {  	_ =	shalt  }
0x68: {  	_ =	shalt  }
0x69: {  	_ =	shalt  }
0x6a: {  	_ =	shalt  }
0x6b: {  	_ =	shalt  }
0x6c: {  	_ =	shalt  }
0x6d: {  	_ =	shalt  }
0x6e: {  	_ =	shalt  }
0x6f: {  	_ =	shalt  }
0x70: {  	_ =	shalt  }
0x71: {  	_ =	shalt  }
0x72: {  	_ =	shalt  }
0x73: {  	_ =	shalt  }
0x74: {  	_ =	shalt  }
0x75: {  	_ =	shalt  }
0x76: {  	_ =	shalt  }
0x77: {  	_ =	shalt  }
0x78: {  	_ =	shalt  }
0x79: {  	_ =	shalt  }
0x7a: {  	_ =	shalt  }
0x7b: {  	_ =	shalt  }
0x7c: {  	_ =	shalt  }
0x7d: {  	_ =	shalt  }
0x7e: {  	_ =	shalt  }
0x7f: {  	_ =	shalt  }
0x80: {  	_ =	shalt  }
0x81: {  	_ =	shalt  }
0x82: {  	_ =	shalt  }
0x83: {  	_ =	shalt  }
0x84: {  	_ =	shalt  }
0x85: {  	_ =	shalt  }
0x86: {  	_ =	shalt  }
0x87: {  	_ =	shalt  }
.Lfunc_end0:
.L_simem_size_0:
called_computation.1_lowered:
.L_overlay_start_0:
0x88: {  	s2 =	sld [smem:$0x3FD9]  }
0x89: {  	s3 =	sld [smem:$0x3FFE];
	_ =	sdelay $0x1  }
0x8a: {  	s1 =	srdreg.scid  }
0x8b: {  	s0 =	sand.u32 $0x1, s1  }
0x8c: {  	s17 =	sshll.u32 s0, $0xA;
	s2 =	sadd.s32 s3, s2  }
0x8d: {  	s2 =	sadd.s32 s2, s17  }
0x8e: {  	[smem:$0x3FB9] =	sst s2  }
0x8f: {  	_ = 	snop  }
0x90: {  	s18 =	sld [smem:$0x3FC9];
	(tm) =	ssettm $0x1  }
0x91: {  	s19 =	sld [smem:$0x3FFB];
	_ =	sdelay $0x3  }
0x92: {  	_ =	strace s19  }
0x93: {  	s2 =	sld [smem:$0x3FFC];
	_ =	sdelay $0x3  }
0x94: {  	_ =	strace s2  }
0x95: {  	s2 =	sld [smem:$0x3FFD];
	_ =	sdelay $0x3  }
0x96: {  	_ =	strace s2  }
0x97: {  	_ =	strace $0x8FFFFFFF  }
0x98: {  	s20 =	sld [smem:$0x3FDB];
	_ =	sdelay $0x1  }
0x99: {  	s4 =	simm.s32 $_scs_section_size  }
0x9a: {  	s5 =	simm.s32 $_size__tile_overlayer_lowered;
	s6 =	simm.s32 $_tile_overlayer_lowered  }
0x9b: {  	s7 =	simm.s32 $0x1BFF;
	s21 =	sshll.u32 s6, $0x1;
	s4 =	sadd.s32 s4, s20  }
0x9c: {  	s22 =	simm.s32 $0x0;
	s5 =	sshll.u32 s5, $0x1;
	s6 =	sadd.s32 s21, s4  }
0x9d: {  	[timem:s22], [sflag:s7] =	dma.local [hbm:s6], s5  }
0x9e: {  	_ =	swait.ge [sflag:s7], s5  }
0x9f: {  	s5 =	ssub.s32 $0x0, s5;
	[sflag:s7] =	ssyncset.done $0x0  }
0xa0: {  	[sflag:s7] =	ssyncadd.s32 s5;
	_ =	sdelay $0x1  }
0xa1: {  	s23 =	simm.s32 $0x1B8B  }
0xa2: {  	_ =	swait.ge [sflag:s23], $0x1  }
0xa3: {  	[sflag:s23] =	ssyncset.done $0x0  }
0xa4: {  	[sflag:s23] =	ssyncadd.s32 $0xFFFFFFFF  }
0xa5: {  	s5 =	sld [smem:$0x0]  }
0xa6: {  	s6 =	sand.u32 $0xFFFFFFFE, s1  }
0xa7: {  	p0 =	sne.s32 s1, s6  }
0xa8: {  	s6 =	sshll.u32 @p0 s6, $0xE  }
0xa9: {  	s6 =	sadd.s32 @p0 $0x11B8D, s6;
	s7 =	sshll.u32 @p0 s5, $0x11  }
0xaa: {  	s6 =	sor.u32 @p0 s7, s6  }
0xab: {  	[sflag:s6] =	ssyncadd.remote.s32 @p0 $0x1;
	_ =	sdelay $0x1  }
0xac: {  	s6 =	simm.s32 @p0 $0x1B8D  }
0xad: {  	_ =	swait.eq @p0 [sflag:s6], $0x1  }
0xae: {  	[sflag:s6] =	ssyncadd.s32 @p0 $0xFFFFFFFF  }
0xaf: {  	s7 =	sshll.u32 @!p0 s1, $0xE  }
0xb0: {  	s7 =	sor.u32 @!p0 $0x4000, s7;
	s6 =	simm.s32 @!p0 $0x1B8D  }
0xb1: {  	s5 =	sshll.u32 @!p0 s5, $0x11;
	s7 =	sadd.s32 @!p0 $0x11B8D, s7;
	_ =	swait.eq @!p0 [sflag:s6], $0x1  }
0xb2: {  	s5 =	sor.u32 @!p0 s5, s7;
	[sflag:s6] =	ssyncadd.s32 @!p0 $0xFFFFFFFF  }
0xb3: {  	s25 =	simm.s32 $0x1B8E;
	s24 =	sld [smem:$0x3FFE];
	[sflag:s5] =	ssyncadd.remote.s32 @!p0 $0x1  }
0xb4: {  	s26 =	simm.s32 $execute0_lowered;
	[smem:$0x3FD2] =	sst s25  }
0xb5: {  	s6 =	sshll.u32 s26, $0x1;
	_ =	strace $0x80000049;
	[dreg:$0x1] =	wrdreg $0xFFFFFFFF  }
0xb6: {  	s28 =	simm.s32 $_size_execute0_lowered;
	s4 =	sadd.s32 s4, s6;
	[dreg:$0x0] =	wrdreg $0x0  }
0xb7: {  	s6 =	sshll.u32 s28, $0x1;
	[dreg:$0x2] =	wrdreg s4  }
0xb8: {  	[dreg:$0x3] =	wrdreg s6  }
0xb9: {  	[dreg:$0x4] =	wrdreg $0xC0  }
0xba: {  	_ =	task [dreg:s22], $0x5FFFF  }
0xbb: {  	[dreg:$0x1] =	wrdreg $0xFFFFFFFF  }
0xbc: {  	[dreg:$0x0] =	wrdreg $0x60  }
0xbd: {  	[dreg:$0x2] =	wrdreg s18  }
0xbe: {  	[dreg:$0x3] =	wrdreg s24  }
0xbf: {  	[dreg:$0x4] =	wrdreg $0x56000  }
0xc0: {  	[dreg:$0x5] =	wrdreg $0xA  }
0xc1: {  	_ =	task.clear_ibuf [dreg:s22], $0x6FFFF;
	_ =	strace $0x90000049  }
0xc2: {  	s29 =	simm.s32 $0xA;
	_ =	strace $0x8000004B  }
0xc3: {  	_ =	swait.ge [sflag:s29], $0x1  }
0xc4: {  	[sflag:s29] =	ssyncadd.s32 $0xFFFFFFFF  }
0xc5: {  	_ =	strace $0x9000004B  }
0xc6: {  	_ =	sfence  }
0xc7: {  	s30 =	sld [smem:$0x0];
	_ =	sdelay $0x2  }
0xc8: {  	s31 =	sshll.u32 s1, $0xD;
	s1 =	sshrl.u32 s1, $0x2  }
0xc9: {  	s4 =	sand.u32 $0x4000, s31;
	s1 =	sadd.s32 s1, s30  }
0xca: {  	s0 =	sor.u32 s4, s0;
	s1 =	sshll.u32 s1, $0x11  }
0xcb: {  	s0 =	sor.u32 s1, s0  }
0xcc: {  	s0 =	sadd.s32 $0x8F2B, s0  }
0xcd: {  	[sflag:s0] =	ssyncadd.remote.s32 $0x1  }
0xce: {  	_ =	sfence.sel $0xFFFF  }
0xcf: {  	[dreg:$0x0] =	wrdreg $0xFFFFFFFF;
	(pc) =	sbr.abs _section_cstart, $3  }
0xd0: {  	[dreg:$0x1] =	wrdreg $0xFFFFFFFF  }
0xd1: {  	_ =	task.clear_ibuf [dreg:s22], $0x2FFFF;
	_ =	strace $0x9FFFFFFF  }
0xd2: {  	(tm) =	ssettm $0x7FFFFFFF  }
0xd3: {  	_ =	shalt  }
tec
execute0_lowered:
.L_overlay_start_1:
0x0: {  	(tag) =	ssettag $0x1  }
0x1: {  	s1 =	rddreg [dreg:$0x0]  }
0x2: {  	s5 =	rddreg [dreg:$0x1]  }
0x3: {  	s2 =	rddreg [dreg:$0x2]  }
0x4: {  	s0 =	rddreg [dreg:$0x3];
	s4 =	simm.s32 $0x0;
	s6 =	srdreg.scid  }
0x5: {  	s3 =	stileid.u32;
	s16 =	simm.s32 $0x3;
	s17 =	simm.s32 $0x80  }
0x6: {  	s18 =	simm.s32 $0x2;
	s19 =	simm.s32 $0x100;
	s20 =	simm.s32 $0x180  }
0x7: {  	s21 =	simm.s32 $0x200;
	s22 =	simm.s32 $0x1;
	[smem:$0x7FF] =	sst s4  }
0x8: {  	s8 =	sand.u32 $0x1, s6;
	s30 =	sshll.u32 s3, $0x4;
	s13 =	smul.u32 $0x5000, s3  }
0x9: {  	p0 =	slt.u32 s3, $0xA;
	s6 =	simm.s32 $0x10;
	s15 =	smul.u32 $0x1400, s3  }
0xa: {  	_ =	strace $0x8000004A;
	s7 =	ssub.s32 $0x2, s8;
	s11 =	sadd.s32 s30, s5  }
0xb: {  	s5 =	sadd.s32 $0x1BA00, s5;
	s6 =	simm.s32 @!p0 $0xF;
	p0 =	slt.u32 s3, $0x2  }
0xc: {  	s14 =	smul.u32 $0x138800, s8;
	s31 =	sshrl.u32 s7, $0x1;
	s9 =	sadd.s32 $0x10E00, s11  }
0xd: {  	s10 =	sadd.s32 $0x1E00, s11;
	s13 =	sshrl.u32 s13, $0x2;
	s12 =	ssub.s32 s7, s31  }
0xe: {  	s7 =	simm.s32 $0x4F;
	s13 =	sadd.s32 s13, s2;
	s14 =	sadd.s32 s15, s14  }
0xf: {  	s15 =	simm.s32 $0x4200;
	s7 =	simm.s32 @!p0 $0x4E;
	p0 =	seq.s32 s8, $0x1  }
0x10: {  	s8 =	sadd.s32 $0x6E00, s11;
	s11 =	sadd.s32 $0xBE00, s11;
	s23 =	sand.u32 $0x1, s7  }
0x11: {  	v0 =	vimm.f32 $0.0e+00;
	s12 =	smax.u32 s12, $0x1;
	p1 =	seq.s32 s23, $0x0;
	s23 =	simm.s32 $0x0  }
.LBB2_1:
0x12: {  	s24 =	simm.s32 $0x0;
	s25 =	simm.s32 $0x200  }
.LBB2_2:
0x13: {  	p2 =	sne.s32 s25, $0x4E00;
	[tilespmem:s24+$0x4270] =	vst v0  }
0x14: {  	[tilespmem:s24+$0x4200] =	vst v0  }
0x15: {  	[tilespmem:s24+$0x4210] =	vst v0  }
.Ltmp0:
0x16: {  	[tilespmem:s24+$0x4220] =	vst v0;
	(pc) =	sbr.rel @p2 .LBB2_2-.Ltmp0, $4  }
0x17: {  	[tilespmem:s24+$0x4230] =	vst v0  }
0x18: {  	[tilespmem:s24+$0x4240] =	vst v0  }
0x19: {  	[tilespmem:s24+$0x4250] =	vst v0  }
0x1a: {  	[tilespmem:s24+$0x4260] =	vst v0;
	s24 =	sshra.s32 s25, $0x2;
	s25 =	sadd.s32 $0x200, s25  }
0x1b: {  	[tilespmem:s24+$0x4270] =	vst v0  }
0x1c: {  	[tilespmem:s24+$0x4200] =	vst v0  }
0x1d: {  	[tilespmem:s24+$0x4210] =	vst v0  }
0x1e: {  	[tilespmem:s24+$0x4220] =	vst v0  }
0x1f: {  	[tilespmem:s24+$0x4230] =	vst v0  }
0x20: {  	[tilespmem:s24+$0x4240] =	vst v0;
	p2 =	sne.s32 s6, $0x1  }
.Ltmp1:
0x21: {  	[tilespmem:s24+$0x4250] =	vst v0;
	(pc) =	sbr.rel @!p2 .LBB2_5-.Ltmp1, $4  }
0x22: {  	[tilespmem:s24+$0x4260] =	vst v0  }
0x23: {  	[spmem:s13] =	stream.linear.scatter [tilespmem:s15], [sflag:$0x3], $0x1400, $0x38;
	[tilespmem:$0x18E80] =	vst v63  }
0x24: {  	_ =	swait.ge [sflag:s16], $0x1400  }
0x25: {  	s24 =	sadd.s32 $0xFFFFFFFF, s6;
	s25 =	smov.u32 s13;
	[sflag:s16] =	ssyncset.done $0x0  }
.LBB2_4:
0x26: {  	p3 =	sne.s32 s24, $0x1;
	[sflag:s16] =	ssyncadd.s32 $0xFFFFEC00;
	s25 =	sadd.s32 $0x14000, s25  }
.Ltmp2:
0x27: {  	s24 =	sadd.s32 $0xFFFFFFFF, s24;
	(pc) =	sbr.rel @p3 .LBB2_4-.Ltmp2, $4  }
0x28: {  	_ = 	snop  }
0x29: {  	[spmem:s25] =	stream.linear.scatter [tilespmem:s15], [sflag:$0x3], $0x1400, $0x38;
	[tilespmem:$0x18E80] =	vst v63  }
0x2a: {  	_ =	swait.ge [sflag:s16], $0x1400  }
0x2b: {  	[sflag:s16] =	ssyncset.done $0x0  }
.LBB2_5:
.Ltmp3:
0x2c: {  	(pc) =	sbr.rel @!p0 .LBB2_6-.Ltmp3, $4  }
0x2d: {  	_ = 	snop  }
0x2e: {  	[sflag:s16] =	ssyncadd.s32 $0xFFFFEC00  }
0x2f: {  	[bflag:$0x0] =	sbarrier.arrive $0xFFFF  }
0x30: {  	s24 =	simm.s32 $0x0  }
0x31: {  	[tilespmem:s24], [sflag:$0x2] =	stream.linear.gather [hbm4b:s10+s24], $0x80, $0x38;
	[tilespmem:$0x18E80] =	vst v63  }
0x32: {  	_ = 	snop  }
0x33: {  	[tilespmem:s17], [sflag:$0x2] =	stream.linear.gather [hbm4b:s11+s24], $0x80, $0x38;
	[tilespmem:$0x18E80] =	vst v63  }
0x34: {  	_ =	swait.ge [sflag:s18], $0x80  }
0x35: {  	[sflag:s18] =	ssyncset.done $0x0  }
0x36: {  	[sflag:s18] =	ssyncadd.s32 $0xFFFFFF80  }
0x37: {  	_ =	swait.ge [sflag:s18], $0x80  }
0x38: {  	s30 =	sadd.s32 $0x0, s10;
	[sflag:s18] =	ssyncset.done $0x0  }
0x39: {  	s25 =	sadd.s32 $0x0, s11;
	s24 =	sadd.s32 $0x100, s30;
	[sflag:s18] =	ssyncadd.s32 $0xFFFFFF80  }
0x3a: {  	[tilespmem:s19], [sflag:$0x2] =	stream.linear.gather [hbm4b:s24+s4], $0x80, $0x38;
	[tilespmem:$0x18E80] =	vst v63  }
0x3b: {  	s31 =	sadd.s32 $0x100, s25  }
0x3c: {  	[tilespmem:s20], [sflag:$0x2] =	stream.linear.gather [hbm4b:s31+s4], $0x80, $0x38;
	[tilespmem:$0x18E80] =	vst v63  }
0x3d: {  	_ = 	snop  }
0x3e: {  	[tilespmem:s21], [sflag:$0x1] =	stream.indirect.gather [hbm4b:s1+s17], $0x80, s4, s17, $0xb8;
	[tilespmem:$0x18E80] =	vst v63  }
0x3f: {  	_ =	swait.ge [sflag:s22], $0x4000  }
0x40: {  	[sflag:s22] =	ssyncset.done $0x0  }
0x41: {  	[sflag:s22] =	ssyncadd.s32 $0xFFFFC000  }
0x42: {  	[spmem:s2] =	stream.indirect.scatter.add.f32 [tilespmem:s21], [sflag:$0x3], $0x80, s17, s17, $0xb8;
	[tilespmem:$0x18E80] =	vst v63  }
0x43: {  	_ =	swait.ge [sflag:s16], $0x4000  }
0x44: {  	[sflag:s16] =	ssyncset.done $0x0  }
0x45: {  	[sflag:s16] =	ssyncadd.s32 $0xFFFFC000  }
0x46: {  	_ =	swait.ge [sflag:s18], $0x80  }
0x47: {  	[sflag:s18] =	ssyncset.done $0x0  }
0x48: {  	[sflag:s18] =	ssyncadd.s32 $0xFFFFFF80  }
0x49: {  	p3 =	sle.u32 s7, $0x2;
	_ =	swait.ge [sflag:s18], $0x80  }
0x4a: {  	s25 =	sadd.s32 @!p3 $0x0, s11;
	s24 =	sadd.s32 @!p3 $0x0, s10;
	[sflag:s18] =	ssyncset.done $0x0  }
0x4b: {  	s26 =	simm.s32 @!p3 $0x0;
	s24 =	sadd.s32 @!p3 $0x200, s24;
	[sflag:s18] =	ssyncadd.s32 $0xFFFFFF80  }
0x4c: {  	[tilespmem:s26], [sflag:$0x2] =	stream.linear.gather @!p3 [hbm4b:s24+s26], $0x80, $0x38;
	[tilespmem:$0x18E80] =	vst v63  }
0x4d: {  	s24 =	sadd.s32 @!p3 $0x200, s25;
	s25 =	simm.s32 @!p3 $0x80  }
0x4e: {  	[tilespmem:s25], [sflag:$0x2] =	stream.linear.gather @!p3 [hbm4b:s24+s26], $0x80, $0x38;
	[tilespmem:$0x18E80] =	vst v63  }
0x4f: {  	_ = 	snop  }
0x50: {  	[tilespmem:s21], [sflag:$0x1] =	stream.indirect.gather [hbm4b:s1+s17], $0x80, s19, s17, $0xb8;
	[tilespmem:$0x18E80] =	vst v63  }
0x51: {  	_ =	swait.ge [sflag:s22], $0x4000  }
0x52: {  	[sflag:s22] =	ssyncset.done $0x0  }
0x53: {  	[sflag:s22] =	ssyncadd.s32 $0xFFFFC000  }
0x54: {  	[spmem:s2] =	stream.indirect.scatter.add.f32 [tilespmem:s21], [sflag:$0x3], $0x80, s20, s17, $0xb8;
	[tilespmem:$0x18E80] =	vst v63  }
0x55: {  	_ =	swait.ge [sflag:s16], $0x4000  }
0x56: {  	s24 =	simm.s32 $0x2;
	s25 =	simm.s32 $0x200;
	[sflag:s16] =	ssyncset.done $0x0  }
.LBB2_10:
0x57: {  	[sflag:s16] =	ssyncadd.s32 $0xFFFFC000  }
0x58: {  	s24 =	sadd.s32 $0x2, s24;
	s26 =	smov.u32 s25;
	s25 =	sadd.s32 $0x200, s25  }
0x59: {  	_ =	swait.ge [sflag:s18], $0x80;
	p3 =	sne.s32 s25, $0x4E00  }
0x5a: {  	[sflag:s18] =	ssyncset.done $0x0  }
0x5b: {  	[sflag:s18] =	ssyncadd.s32 $0xFFFFFF80  }
0x5c: {  	_ =	swait.ge [sflag:s18], $0x80  }
0x5d: {  	s28 =	sadd.s32 s26, s10;
	[sflag:s18] =	ssyncset.done $0x0  }
0x5e: {  	s29 =	sadd.s32 s26, s11;
	s28 =	sadd.s32 $0x100, s28;
	[sflag:s18] =	ssyncadd.s32 $0xFFFFFF80  }
0x5f: {  	[tilespmem:s19], [sflag:$0x2] =	stream.linear.gather [hbm4b:s28+s4], $0x80, $0x38;
	[tilespmem:$0x18E80] =	vst v63  }
0x60: {  	s28 =	sadd.s32 $0x100, s29  }
0x61: {  	[tilespmem:s20], [sflag:$0x2] =	stream.linear.gather [hbm4b:s28+s4], $0x80, $0x38;
	[tilespmem:$0x18E80] =	vst v63  }
0x62: {  	_ = 	snop  }
0x63: {  	[tilespmem:s21], [sflag:$0x1] =	stream.indirect.gather [hbm4b:s1+s17], $0x80, s4, s17, $0xb8;
	[tilespmem:$0x18E80] =	vst v63  }
0x64: {  	_ =	swait.ge [sflag:s22], $0x4000  }
0x65: {  	[sflag:s22] =	ssyncset.done $0x0  }
0x66: {  	[sflag:s22] =	ssyncadd.s32 $0xFFFFC000  }
0x67: {  	[spmem:s2] =	stream.indirect.scatter.add.f32 [tilespmem:s21], [sflag:$0x3], $0x80, s17, s17, $0xb8;
	[tilespmem:$0x18E80] =	vst v63  }
0x68: {  	_ =	swait.ge [sflag:s16], $0x4000  }
0x69: {  	[sflag:s16] =	ssyncset.done $0x0  }
0x6a: {  	[sflag:s16] =	ssyncadd.s32 $0xFFFFC000  }
0x6b: {  	_ =	swait.ge [sflag:s18], $0x80  }
0x6c: {  	[sflag:s18] =	ssyncset.done $0x0  }
0x6d: {  	[sflag:s18] =	ssyncadd.s32 $0xFFFFFF80  }
0x6e: {  	p4 =	sge.u32 s24, s7;
	_ =	swait.ge [sflag:s18], $0x80  }
0x6f: {  	s28 =	sadd.s32 @!p4 s26, s10;
	s26 =	sadd.s32 @!p4 s26, s11;
	[sflag:s18] =	ssyncset.done $0x0  }
0x70: {  	s29 =	simm.s32 @!p4 $0x0;
	s28 =	sadd.s32 @!p4 $0x200, s28;
	[sflag:s18] =	ssyncadd.s32 $0xFFFFFF80  }
0x71: {  	[tilespmem:s29], [sflag:$0x2] =	stream.linear.gather @!p4 [hbm4b:s28+s29], $0x80, $0x38;
	[tilespmem:$0x18E80] =	vst v63  }
0x72: {  	s26 =	sadd.s32 @!p4 $0x200, s26;
	s28 =	simm.s32 @!p4 $0x80  }
0x73: {  	[tilespmem:s28], [sflag:$0x2] =	stream.linear.gather @!p4 [hbm4b:s26+s29], $0x80, $0x38;
	[tilespmem:$0x18E80] =	vst v63  }
0x74: {  	_ = 	snop  }
0x75: {  	[tilespmem:s21], [sflag:$0x1] =	stream.indirect.gather [hbm4b:s1+s17], $0x80, s19, s17, $0xb8;
	[tilespmem:$0x18E80] =	vst v63  }
0x76: {  	_ =	swait.ge [sflag:s22], $0x4000  }
.Ltmp4:
0x77: {  	[sflag:s22] =	ssyncset.done $0x0;
	(pc) =	sbr.rel @p3 .LBB2_10-.Ltmp4, $4  }
0x78: {  	[sflag:s22] =	ssyncadd.s32 $0xFFFFC000  }
0x79: {  	[spmem:s2] =	stream.indirect.scatter.add.f32 [tilespmem:s21], [sflag:$0x3], $0x80, s20, s17, $0xb8;
	[tilespmem:$0x18E80] =	vst v63  }
0x7a: {  	_ =	swait.ge [sflag:s16], $0x4000  }
0x7b: {  	[sflag:s16] =	ssyncset.done $0x0  }
.Ltmp5:
0x7c: {  	(pc) =	sbr.rel @p1 .LBB2_13-.Ltmp5, $4  }
.Ltmp6:
0x7d: {  	(pc) =	sbr.rel @!p1 .LBB2_12-.Ltmp6, $4  }
0x7e: {  	_ = 	snop  }
0x7f: {  	_ = 	snop  }
0x80: {  	[sflag:s16] =	ssyncadd.s32 $0xFFFFC000  }
0x81: {  	_ = 	snop  }
.LBB2_6:
0x82: {  	[tilespmem:s24], [sflag:$0x2] =	stream.linear.gather [hbm4b:s8+s24], $0x80, $0x38;
	[tilespmem:$0x18E80] =	vst v63  }
0x83: {  	_ = 	snop  }
0x84: {  	[tilespmem:s17], [sflag:$0x2] =	stream.linear.gather [hbm4b:s9+s24], $0x80, $0x38;
	[tilespmem:$0x18E80] =	vst v63  }
0x85: {  	_ =	swait.ge [sflag:s18], $0x80  }
0x86: {  	[sflag:s18] =	ssyncset.done $0x0  }
0x87: {  	[sflag:s18] =	ssyncadd.s32 $0xFFFFFF80  }
0x88: {  	_ =	swait.ge [sflag:s18], $0x80  }
0x89: {  	s30 =	sadd.s32 $0x0, s8;
	[sflag:s18] =	ssyncset.done $0x0  }
0x8a: {  	s25 =	sadd.s32 $0x0, s9;
	s24 =	sadd.s32 $0x100, s30;
	[sflag:s18] =	ssyncadd.s32 $0xFFFFFF80  }
0x8b: {  	[tilespmem:s19], [sflag:$0x2] =	stream.linear.gather [hbm4b:s24+s4], $0x80, $0x38;
	[tilespmem:$0x18E80] =	vst v63  }
0x8c: {  	s31 =	sadd.s32 $0x100, s25  }
0x8d: {  	[tilespmem:s20], [sflag:$0x2] =	stream.linear.gather [hbm4b:s31+s4], $0x80, $0x38;
	[tilespmem:$0x18E80] =	vst v63  }
0x8e: {  	_ = 	snop  }
0x8f: {  	[tilespmem:s21], [sflag:$0x1] =	stream.indirect.gather [hbm4b:s1+s17], $0x80, s4, s17, $0xb8;
	[tilespmem:$0x18E80] =	vst v63  }
0x90: {  	_ =	swait.ge [sflag:s22], $0x4000  }
0x91: {  	[sflag:s22] =	ssyncset.done $0x0  }
0x92: {  	[sflag:s22] =	ssyncadd.s32 $0xFFFFC000  }
0x93: {  	[spmem:s2] =	stream.indirect.scatter.add.f32 [tilespmem:s21], [sflag:$0x3], $0x80, s17, s17, $0xb8;
	[tilespmem:$0x18E80] =	vst v63  }
0x94: {  	_ =	swait.ge [sflag:s16], $0x4000  }
0x95: {  	[sflag:s16] =	ssyncset.done $0x0  }
0x96: {  	[sflag:s16] =	ssyncadd.s32 $0xFFFFC000  }
0x97: {  	_ =	swait.ge [sflag:s18], $0x80  }
0x98: {  	[sflag:s18] =	ssyncset.done $0x0  }
0x99: {  	[sflag:s18] =	ssyncadd.s32 $0xFFFFFF80  }
0x9a: {  	p3 =	sle.u32 s7, $0x2;
	_ =	swait.ge [sflag:s18], $0x80  }
0x9b: {  	s25 =	sadd.s32 @!p3 $0x0, s9;
	s24 =	sadd.s32 @!p3 $0x0, s8;
	[sflag:s18] =	ssyncset.done $0x0  }
0x9c: {  	s26 =	simm.s32 @!p3 $0x0;
	s24 =	sadd.s32 @!p3 $0x200, s24;
	[sflag:s18] =	ssyncadd.s32 $0xFFFFFF80  }
0x9d: {  	[tilespmem:s26], [sflag:$0x2] =	stream.linear.gather @!p3 [hbm4b:s24+s26], $0x80, $0x38;
	[tilespmem:$0x18E80] =	vst v63  }
0x9e: {  	s24 =	sadd.s32 @!p3 $0x200, s25;
	s25 =	simm.s32 @!p3 $0x80  }
0x9f: {  	[tilespmem:s25], [sflag:$0x2] =	stream.linear.gather @!p3 [hbm4b:s24+s26], $0x80, $0x38;
	[tilespmem:$0x18E80] =	vst v63  }
0xa0: {  	_ = 	snop  }
0xa1: {  	[tilespmem:s21], [sflag:$0x1] =	stream.indirect.gather [hbm4b:s1+s17], $0x80, s19, s17, $0xb8;
	[tilespmem:$0x18E80] =	vst v63  }
0xa2: {  	_ =	swait.ge [sflag:s22], $0x4000  }
0xa3: {  	[sflag:s22] =	ssyncset.done $0x0  }
0xa4: {  	[sflag:s22] =	ssyncadd.s32 $0xFFFFC000  }
0xa5: {  	[spmem:s2] =	stream.indirect.scatter.add.f32 [tilespmem:s21], [sflag:$0x3], $0x80, s20, s17, $0xb8;
	[tilespmem:$0x18E80] =	vst v63  }
0xa6: {  	_ =	swait.ge [sflag:s16], $0x4000  }
0xa7: {  	s24 =	simm.s32 $0x2;
	s25 =	simm.s32 $0x200;
	[sflag:s16] =	ssyncset.done $0x0  }
.LBB2_7:
0xa8: {  	[sflag:s16] =	ssyncadd.s32 $0xFFFFC000  }
0xa9: {  	s24 =	sadd.s32 $0x2, s24;
	s26 =	smov.u32 s25;
	s25 =	sadd.s32 $0x200, s25  }
0xaa: {  	_ =	swait.ge [sflag:s18], $0x80;
	p3 =	sne.s32 s25, $0x4E00  }
0xab: {  	[sflag:s18] =	ssyncset.done $0x0  }
0xac: {  	[sflag:s18] =	ssyncadd.s32 $0xFFFFFF80  }
0xad: {  	_ =	swait.ge [sflag:s18], $0x80  }
0xae: {  	s28 =	sadd.s32 s26, s8;
	[sflag:s18] =	ssyncset.done $0x0  }
0xaf: {  	s29 =	sadd.s32 s26, s9;
	s28 =	sadd.s32 $0x100, s28;
	[sflag:s18] =	ssyncadd.s32 $0xFFFFFF80  }
0xb0: {  	[tilespmem:s19], [sflag:$0x2] =	stream.linear.gather [hbm4b:s28+s4], $0x80, $0x38;
	[tilespmem:$0x18E80] =	vst v63  }
0xb1: {  	s28 =	sadd.s32 $0x100, s29  }
0xb2: {  	[tilespmem:s20], [sflag:$0x2] =	stream.linear.gather [hbm4b:s28+s4], $0x80, $0x38;
	[tilespmem:$0x18E80] =	vst v63  }
0xb3: {  	_ = 	snop  }
0xb4: {  	[tilespmem:s21], [sflag:$0x1] =	stream.indirect.gather [hbm4b:s1+s17], $0x80, s4, s17, $0xb8;
	[tilespmem:$0x18E80] =	vst v63  }
0xb5: {  	_ =	swait.ge [sflag:s22], $0x4000  }
0xb6: {  	[sflag:s22] =	ssyncset.done $0x0  }
0xb7: {  	[sflag:s22] =	ssyncadd.s32 $0xFFFFC000  }
0xb8: {  	[spmem:s2] =	stream.indirect.scatter.add.f32 [tilespmem:s21], [sflag:$0x3], $0x80, s17, s17, $0xb8;
	[tilespmem:$0x18E80] =	vst v63  }
0xb9: {  	_ =	swait.ge [sflag:s16], $0x4000  }
0xba: {  	[sflag:s16] =	ssyncset.done $0x0  }
0xbb: {  	[sflag:s16] =	ssyncadd.s32 $0xFFFFC000  }
0xbc: {  	_ =	swait.ge [sflag:s18], $0x80  }
0xbd: {  	[sflag:s18] =	ssyncset.done $0x0  }
0xbe: {  	[sflag:s18] =	ssyncadd.s32 $0xFFFFFF80  }
0xbf: {  	p4 =	sge.u32 s24, s7;
	_ =	swait.ge [sflag:s18], $0x80  }
0xc0: {  	s28 =	sadd.s32 @!p4 s26, s8;
	s26 =	sadd.s32 @!p4 s26, s9;
	[sflag:s18] =	ssyncset.done $0x0  }
0xc1: {  	s29 =	simm.s32 @!p4 $0x0;
	s28 =	sadd.s32 @!p4 $0x200, s28;
	[sflag:s18] =	ssyncadd.s32 $0xFFFFFF80  }
0xc2: {  	[tilespmem:s29], [sflag:$0x2] =	stream.linear.gather @!p4 [hbm4b:s28+s29], $0x80, $0x38;
	[tilespmem:$0x18E80] =	vst v63  }
0xc3: {  	s26 =	sadd.s32 @!p4 $0x200, s26;
	s28 =	simm.s32 @!p4 $0x80  }
0xc4: {  	[tilespmem:s28], [sflag:$0x2] =	stream.linear.gather @!p4 [hbm4b:s26+s29], $0x80, $0x38;
	[tilespmem:$0x18E80] =	vst v63  }
0xc5: {  	_ = 	snop  }
0xc6: {  	[tilespmem:s21], [sflag:$0x1] =	stream.indirect.gather [hbm4b:s1+s17], $0x80, s19, s17, $0xb8;
	[tilespmem:$0x18E80] =	vst v63  }
0xc7: {  	_ =	swait.ge [sflag:s22], $0x4000  }
.Ltmp7:
0xc8: {  	[sflag:s22] =	ssyncset.done $0x0;
	(pc) =	sbr.rel @p3 .LBB2_7-.Ltmp7, $4  }
0xc9: {  	[sflag:s22] =	ssyncadd.s32 $0xFFFFC000  }
0xca: {  	[spmem:s2] =	stream.indirect.scatter.add.f32 [tilespmem:s21], [sflag:$0x3], $0x80, s20, s17, $0xb8;
	[tilespmem:$0x18E80] =	vst v63  }
0xcb: {  	_ =	swait.ge [sflag:s16], $0x4000  }
0xcc: {  	[sflag:s16] =	ssyncset.done $0x0  }
.Ltmp8:
0xcd: {  	(pc) =	sbr.rel @p1 .LBB2_13-.Ltmp8, $2  }
0xce: {  	_ =	sdelay $0x2  }
0xcf: {  	[sflag:s16] =	ssyncadd.s32 $0xFFFFC000  }
.LBB2_12:
0xd0: {  	_ =	swait.ge [sflag:s18], $0x80  }
0xd1: {  	[sflag:s18] =	ssyncset.done $0x0  }
0xd2: {  	[sflag:s18] =	ssyncadd.s32 $0xFFFFFF80  }
0xd3: {  	_ =	swait.ge [sflag:s18], $0x80  }
0xd4: {  	[sflag:s18] =	ssyncset.done $0x0  }
0xd5: {  	[sflag:s18] =	ssyncadd.s32 $0xFFFFFF80  }
0xd6: {  	[tilespmem:s21], [sflag:$0x1] =	stream.indirect.gather [hbm4b:s1+s17], $0x80, s4, s17, $0xb8;
	[tilespmem:$0x18E80] =	vst v63  }
0xd7: {  	_ =	swait.ge [sflag:s22], $0x4000  }
0xd8: {  	[sflag:s22] =	ssyncset.done $0x0  }
0xd9: {  	[sflag:s22] =	ssyncadd.s32 $0xFFFFC000  }
0xda: {  	[spmem:s2] =	stream.indirect.scatter.add.f32 [tilespmem:s21], [sflag:$0x3], $0x80, s17, s17, $0xb8;
	[tilespmem:$0x18E80] =	vst v63  }
0xdb: {  	_ =	swait.ge [sflag:s16], $0x4000  }
0xdc: {  	[sflag:s16] =	ssyncset.done $0x0  }
0xdd: {  	[sflag:s16] =	ssyncadd.s32 $0xFFFFC000  }
.LBB2_13:
.Ltmp9:
0xde: {  	(pc) =	sbr.rel @!p2 .LBB2_15-.Ltmp9, $4  }
0xdf: {  	[bflag:$0x0] =	sbarrier.arrive $0xFFFF;
	s24 =	sshll.u32 s3, $0x6;
	s25 =	sshrl.u32 s14, $0x3  }
0xe0: {  	s26 =	sshrl.u32 s13, $0x3;
	s25 =	sadd.s32 s5, s25;
	s24 =	sor.u32 $0x1C03, s24  }
0xe1: {  	[hbm:s25], [sflag:s24] =	dma.local [spmem:s26], $0x280  }
0xe2: {  	s28 =	smov.u32 s13;
	s25 =	sadd.s32 $0xFFFFFFFF, s6;
	s26 =	sadd.s32 $0x14000, s14  }
.LBB2_14:
0xe3: {  	_ =	swait.ge [sflag:s16], $0x280  }
0xe4: {  	s28 =	sadd.s32 $0x14000, s28;
	s29 =	sshrl.u32 s26, $0x3;
	p2 =	sne.s32 s25, $0x1  }
.Ltmp10:
0xe5: {  	s30 =	sshrl.u32 s28, $0x3;
	[sflag:s16] =	ssyncset.done $0x0;
	(pc) =	sbr.rel @p2 .LBB2_14-.Ltmp10, $4  }
0xe6: {  	s29 =	sadd.s32 s5, s29;
	[sflag:s16] =	ssyncadd.s32 $0xFFFFFD80  }
0xe7: {  	[hbm:s29], [sflag:s24] =	dma.local [spmem:s30], $0x280  }
0xe8: {  	s25 =	sadd.s32 $0xFFFFFFFF, s25  }
0xe9: {  	s26 =	sadd.s32 $0x14000, s26  }
.LBB2_15:
0xea: {  	s23 =	sadd.s32 $0x1, s23  }
0xeb: {  	p2 =	sne.s32 s23, s12  }
.Ltmp11:
0xec: {  	_ = 	snop;
	(pc) =	sbr.rel @p2 .LBB2_1-.Ltmp11, $4  }
0xed: {  	_ = 	snop  }
0xee: {  	_ =	swait.ge [sflag:s16], $0x280  }
0xef: {  	[sflag:s16] =	ssyncset.done $0x0  }
0xf0: {  	[sflag:s16] =	ssyncadd.s32 $0xFFFFFD80  }
0xf1: {  	_ =	sfence.sel $0x180000  }
0xf2: {  	[bflag:$0x0] =	sbarrier.arrive $0xFFFF  }
0xf3: {  	p0 =	sne.s32 s3, $0x0;
	_ =	strace $0x9000004A  }
0xf4: {  	s0 =	sadd.s32 @!p0 $0x100000, s0;
	[bflag:$0x2] =	sbarrier.arrive $0xFFFF  }
0xf5: {  	[sflag:s0] =	ssyncadd.tile.s32 @!p0 $0x1;
	_ =	shalt  }
.Lfunc_end2:
_tile_overlayer_lowered:
.L_overlay_start_2:
0xf6: {  	(tag) =	ssettag $0x2  }
0xf7: {  	s0 =	rddreg [dreg:$0x0];
	s2 =	stileid.u32  }
0xf8: {  	s1 =	rddreg [dreg:$0x1];
	p0 =	sne.s32 s2, $0x0  }
0xf9: {  	s3 =	rddreg [dreg:$0x2];
	[bflag:$0x3] =	sbarrier.arrive $0xFFFF;
	s2 =	simm.s32 @!p0 $0x1C03  }
0xfa: {  	[timem:s3], [sflag:s2] =	dma.local @!p0 [hbm:s0], s1  }
0xfb: {  	s0 =	simm.s32 @!p0 $0x3  }
0xfc: {  	_ =	swait.ge @!p0 [sflag:s0], s1  }
0xfd: {  	s1 =	ssub.s32 @!p0 $0x0, s1;
	[sflag:s0] =	ssyncset.done @!p0 $0x0  }
0xfe: {  	[sflag:s0] =	ssyncadd.s32 @!p0 s1  }
0xff: {  	[bflag:$0x3] =	sbarrier.arrive $0xFFFF  }
0x100: {  	_ =	shalt  }

// kernel: kernel.13.cloned.1.call-start
scs
__scs_entry_jumppad:
0x0: {  	(pc) =	sbr.rel $0x88, $3  }
0x1: {  	(tag) =	ssettag $0x0;
	lr =	simm.s32 $0x1  }
0x2: {  	[smem:$0x3F92] =	sst lr;
	_ =	strace $0xD0000000  }
0x3: {  	_ = 	snop  }
0x4: {  	_ = 	snop  }
0x5: {  	_ = 	snop  }
0x6: {  	_ = 	snop  }
0x7: {  	_ = 	snop  }
__scs_overlays_trampoline_lowered:
0x8: {  	[smem:$0x3FA1] =	sst s0  }
0x9: {  	[smem:$0x3FA2] =	sst s1  }
0xa: {  	[smem:$0x3FA3] =	sst s2  }
0xb: {  	[smem:$0x3FA4] =	sst s3  }
0xc: {  	[smem:$0x3FA5] =	sst s4  }
0xd: {  	[smem:$0x3FA6] =	sst s5  }
0xe: {  	[smem:$0x3FA7] =	sst s6  }
0xf: {  	[smem:$0x3FA8] =	sst s7  }
0x10: {  	[smem:$0x3FA9] =	sst s8  }
0x11: {  	[smem:$0x3FAA] =	sst s9;
	s0 =	simm.s32 @!p0 $0x0  }
0x12: {  	s1 =	sld [smem:$0x3F90];
	s0 =	simm.s32 @p0 $0x1  }
0x13: {  	[smem:$0x3FAB] =	sst s0;
	s0 =	simm.s32 @!p1 $0x0  }
0x14: {  	s2 =	sld [smem:$0x3F8F];
	s0 =	simm.s32 @p1 $0x1  }
0x15: {  	[smem:$0x3FAC] =	sst s0;
	s0 =	simm.s32 @!p2 $0x0  }
0x16: {  	s3 =	sld [smem:$0x3FDB];
	s0 =	simm.s32 @p2 $0x1  }
0x17: {  	s4 =	simm.s32 $0x1BF5;
	[smem:$0x3FAE] =	sst s0  }
0x18: {  	s0 =	sld [smem:$0x3F91];
	_ =	swait.ge [sflag:s4], $0x0  }
0x19: {  	s7 =	sld [smem:$0x3F92]  }
0x1a: {  	s8 =	sadd.s32 $0xFFFFE003, lr  }
0x1b: {  	s9 =	sadd.s32 $0xFFFFFEF7, lr;
	s5 =	simm.s32 $0xFFFFFFFF;
	p2 =	slt.u32 s8, $0xFFFFF086  }
0x1c: {  	p1 =	slt.u32 s9, $0xF7A;
	s5 =	simm.s32 @!p2 $0x0  }
0x1d: {  	s5 =	simm.s32 @p1 $0x1;
	p0 =	seq.s32 s7, s2  }
0x1e: {  	s7 =	smul.u32 @!p0 $0xF7A, s2;
	p2 =	seq.s32 @!p0 s5, $0x0  }
0x1f: {  	s9 =	smul.u32 $0xF7A, s1;
	s8 =	simm.s32 @!p0 $0x1BF5;
	p2 =	por !p2, p0  }
0x20: {  	[sflag:s8] =	ssyncset.s32 @!p0 $0xFFFFF086;
	s6 =	sadd.s32 @!p0 s3, s7;
	s7 =	simm.s32 @!p0 $0x108  }
0x21: {  	s3 =	sadd.s32 s3, s9;
	s6 =	sadd.s32 @!p0 $0x88, s6;
	s7 =	simm.s32 @p2 $0x1082  }
0x22: {  	[simem:s7], [sflag:s8] =	dma.local @!p0 [hbm:s6], $0xF7A  }
0x23: {  	s9 =	sor.u32 $0xD0000000, s2;
	s6 =	simm.s32 $0x108;
	_ =	swait.ge @!p0 [sflag:s8], $0x0  }
0x24: {  	s3 =	sadd.s32 $0x88, s3;
	s6 =	simm.s32 @!p1 $0x1082;
	[sflag:s4] =	ssyncset.s32 $0xFFFFF086  }
0x25: {  	[simem:s6], [sflag:s4] =	dma.local [hbm:s3], $0xF7A  }
0x26: {  	[smem:$0x3F92] =	sst s1;
	(tag) =	ssettag s2;
	_ =	strace s9  }
0x27: {  	s1 =	sld [smem:$0x3FA2]  }
0x28: {  	s2 =	sld [smem:$0x3FA3]  }
0x29: {  	s4 =	sld [smem:$0x3FA5]  }
0x2a: {  	p0 =	seq.s32 s5, $0x0;
	s5 =	sld [smem:$0x3FA6]  }
0x2b: {  	s6 =	sld [smem:$0x3FA7]  }
0x2c: {  	s7 =	sld [smem:$0x3FA8]  }
0x2d: {  	s3 =	simm.s32 $0x108;
	s8 =	sld [smem:$0x3FA9]  }
0x2e: {  	s3 =	simm.s32 @!p0 $0x1082;
	s9 =	sld [smem:$0x3FAA]  }
0x2f: {  	lr =	sadd.s32 s0, s3;
	s0 =	sld [smem:$0x3FA1]  }
0x30: {  	s3 =	sld [smem:$0x3FA4]  }
0x31: {  	[smem:$0x3FAD] =	sst s10  }
0x32: {  	s10 =	sld [smem:$0x3FAB];
	_ =	sdelay $0x3  }
0x33: {  	p0 =	seq.s32 s10, $0x1;
	s10 =	sld [smem:$0x3FAD];
	_ =	sdelay $0x3  }
0x34: {  	[smem:$0x3FAD] =	sst s10  }
0x35: {  	s10 =	sld [smem:$0x3FAC];
	_ =	sdelay $0x3  }
0x36: {  	p1 =	seq.s32 s10, $0x1;
	s10 =	sld [smem:$0x3FAD];
	_ =	sdelay $0x3  }
0x37: {  	[smem:$0x3FAD] =	sst s10  }
0x38: {  	s10 =	sld [smem:$0x3FAE]  }
0x39: {  	_ = 	snop;
	(pc) =	sbr.ind lr, $3  }
0x3a: {  	_ = 	snop  }
0x3b: {  	_ = 	snop  }
0x3c: {  	p2 =	seq.s32 s10, $0x1;
	s10 =	sld [smem:$0x3FAD]  }
0x3d: {  	_ =	shalt  }
0x3e: {  	_ =	shalt  }
0x3f: {  	_ =	shalt  }
0x40: {  	_ =	shalt  }
0x41: {  	_ =	shalt  }
0x42: {  	_ =	shalt  }
0x43: {  	_ =	shalt  }
0x44: {  	_ =	shalt  }
0x45: {  	_ =	shalt  }
0x46: {  	_ =	shalt  }
0x47: {  	_ =	shalt  }
0x48: {  	_ =	shalt  }
0x49: {  	_ =	shalt  }
0x4a: {  	_ =	shalt  }
0x4b: {  	_ =	shalt  }
0x4c: {  	_ =	shalt  }
0x4d: {  	_ =	shalt  }
0x4e: {  	_ =	shalt  }
0x4f: {  	_ =	shalt  }
0x50: {  	_ =	shalt  }
0x51: {  	_ =	shalt  }
0x52: {  	_ =	shalt  }
0x53: {  	_ =	shalt  }
0x54: {  	_ =	shalt  }
0x55: {  	_ =	shalt  }
0x56: {  	_ =	shalt  }
0x57: {  	_ =	shalt  }
0x58: {  	_ =	shalt  }
0x59: {  	_ =	shalt  }
0x5a: {  	_ =	shalt  }
0x5b: {  	_ =	shalt  }
0x5c: {  	_ =	shalt  }
0x5d: {  	_ =	shalt  }
0x5e: {  	_ =	shalt  }
0x5f: {  	_ =	shalt  }
0x60: {  	_ =	shalt  }
0x61: {  	_ =	shalt  }
0x62: {  	_ =	shalt  }
0x63: {  	_ =	shalt  }
0x64: {  	_ =	shalt  }
0x65: {  	_ =	shalt  }
0x66: {  	_ =	shalt  }
0x67: {  	_ =	shalt  }
0x68: {  	_ =	shalt  }
0x69: {  	_ =	shalt  }
0x6a: {  	_ =	shalt  }
0x6b: {  	_ =	shalt  }
0x6c: {  	_ =	shalt  }
0x6d: {  	_ =	shalt  }
0x6e: {  	_ =	shalt  }
0x6f: {  	_ =	shalt  }
0x70: {  	_ =	shalt  }
0x71: {  	_ =	shalt  }
0x72: {  	_ =	shalt  }
0x73: {  	_ =	shalt  }
0x74: {  	_ =	shalt  }
0x75: {  	_ =	shalt  }
0x76: {  	_ =	shalt  }
0x77: {  	_ =	shalt  }
0x78: {  	_ =	shalt  }
0x79: {  	_ =	shalt  }
0x7a: {  	_ =	shalt  }
0x7b: {  	_ =	shalt  }
0x7c: {  	_ =	shalt  }
0x7d: {  	_ =	shalt  }
0x7e: {  	_ =	shalt  }
0x7f: {  	_ =	shalt  }
0x80: {  	_ =	shalt  }
0x81: {  	_ =	shalt  }
0x82: {  	_ =	shalt  }
0x83: {  	_ =	shalt  }
0x84: {  	_ =	shalt  }
0x85: {  	_ =	shalt  }
0x86: {  	_ =	shalt  }
0x87: {  	_ =	shalt  }
.Lfunc_end0:
.L_simem_size_0:
called_computation.2_lowered:
.L_overlay_start_0:
0x88: {  	s2 =	sld [smem:$0x3FD9]  }
0x89: {  	s3 =	sld [smem:$0x3FFE];
	_ =	sdelay $0x1  }
0x8a: {  	s1 =	srdreg.scid  }
0x8b: {  	s0 =	sand.u32 $0x1, s1  }
0x8c: {  	s16 =	sshll.u32 s0, $0xA;
	s2 =	sadd.s32 s3, s2  }
0x8d: {  	s2 =	sadd.s32 s2, s16  }
0x8e: {  	[smem:$0x3FB9] =	sst s2  }
0x8f: {  	_ = 	snop  }
0x90: {  	(tm) =	ssettm $0x1  }
0x91: {  	s17 =	sld [smem:$0x3FFB];
	_ =	sdelay $0x3  }
0x92: {  	_ =	strace s17  }
0x93: {  	s2 =	sld [smem:$0x3FFC];
	_ =	sdelay $0x3  }
0x94: {  	_ =	strace s2  }
0x95: {  	s2 =	sld [smem:$0x3FFD];
	_ =	sdelay $0x3  }
0x96: {  	_ =	strace s2  }
0x97: {  	_ =	strace $0x8FFFFFFF  }
0x98: {  	s18 =	sld [smem:$0x3FDB];
	_ =	sdelay $0x1  }
0x99: {  	s19 =	simm.s32 $_scs_section_size  }
0x9a: {  	s4 =	simm.s32 $_size__tile_overlayer_lowered;
	s5 =	simm.s32 $_tile_overlayer_lowered  }
0x9b: {  	s22 =	simm.s32 $0x1BFF;
	s21 =	sshll.u32 s5, $0x1;
	s2 =	sadd.s32 s19, s18  }
0x9c: {  	s6 =	simm.s32 $0x0;
	s20 =	sshll.u32 s4, $0x1;
	s4 =	sadd.s32 s21, s2  }
0x9d: {  	[timem:s6], [sflag:s22] =	dma.local [hbm:s4], s20  }
0x9e: {  	_ =	swait.ge [sflag:s22], s20  }
0x9f: {  	s3 =	ssub.s32 $0x0, s20;
	[sflag:s22] =	ssyncset.done $0x0  }
0xa0: {  	[sflag:s22] =	ssyncadd.s32 s3;
	_ =	sdelay $0x1  }
0xa1: {  	s23 =	simm.s32 $0x1B8B  }
0xa2: {  	_ =	swait.ge [sflag:s23], $0x1  }
0xa3: {  	[sflag:s23] =	ssyncset.done $0x0  }
0xa4: {  	s25 =	simm.s32 $0x1B8E;
	s24 =	sld [smem:$0x3FFE];
	[sflag:s23] =	ssyncadd.s32 $0xFFFFFFFF  }
0xa5: {  	s26 =	simm.s32 $execute0_lowered;
	[smem:$0x3FD2] =	sst s25  }
0xa6: {  	s4 =	sshll.u32 s26, $0x1;
	_ =	strace $0x8000004C;
	[dreg:$0x1] =	wrdreg $0xFFFFFFFF  }
0xa7: {  	s28 =	simm.s32 $_size_execute0_lowered;
	s2 =	sadd.s32 s2, s4;
	[dreg:$0x0] =	wrdreg $0x0  }
0xa8: {  	s4 =	sshll.u32 s28, $0x1;
	[dreg:$0x2] =	wrdreg s2  }
0xa9: {  	[dreg:$0x3] =	wrdreg s4  }
0xaa: {  	[dreg:$0x4] =	wrdreg $0xC0  }
0xab: {  	_ =	task [dreg:s6], $0x5FFFF  }
0xac: {  	[dreg:$0x1] =	wrdreg $0xFFFFFFFF  }
0xad: {  	[dreg:$0x0] =	wrdreg $0x60  }
0xae: {  	[dreg:$0x2] =	wrdreg s24  }
0xaf: {  	[dreg:$0x3] =	wrdreg $0x56000  }
0xb0: {  	[dreg:$0x4] =	wrdreg $0x9  }
0xb1: {  	_ =	task.clear_ibuf [dreg:s6], $0x5FFFF;
	_ =	strace $0x9000004C  }
0xb2: {  	s29 =	simm.s32 $0x9;
	_ =	strace $0x8000004E  }
0xb3: {  	_ =	swait.ge [sflag:s29], $0x1  }
0xb4: {  	[sflag:s29] =	ssyncadd.s32 $0xFFFFFFFF  }
0xb5: {  	_ =	strace $0x9000004E  }
0xb6: {  	_ =	sfence  }
0xb7: {  	s30 =	sld [smem:$0x0];
	_ =	sdelay $0x2  }
0xb8: {  	s31 =	sshll.u32 s1, $0xD;
	s1 =	sshrl.u32 s1, $0x2  }
0xb9: {  	s3 =	sand.u32 $0x4000, s31;
	s1 =	sadd.s32 s1, s30  }
0xba: {  	s0 =	sor.u32 s3, s0;
	s1 =	sshll.u32 s1, $0x11  }
0xbb: {  	s0 =	sor.u32 s1, s0  }
0xbc: {  	s0 =	sadd.s32 $0x8F2B, s0  }
0xbd: {  	[sflag:s0] =	ssyncadd.remote.s32 $0x1  }
0xbe: {  	_ =	sfence.sel $0xFFFF  }
0xbf: {  	[dreg:$0x0] =	wrdreg $0xFFFFFFFF;
	(pc) =	sbr.abs _section_cstart, $3  }
0xc0: {  	[dreg:$0x1] =	wrdreg $0xFFFFFFFF  }
0xc1: {  	_ =	task.clear_ibuf [dreg:s6], $0x2FFFF;
	_ =	strace $0x9FFFFFFF  }
0xc2: {  	(tm) =	ssettm $0x7FFFFFFF  }
0xc3: {  	_ =	shalt  }
tec
execute0_lowered:
.L_overlay_start_1:
0x0: {  	(tag) =	ssettag $0x1  }
0x1: {  	s5 =	rddreg [dreg:$0x0]  }
0x2: {  	s1 =	rddreg [dreg:$0x1]  }
0x3: {  	s0 =	rddreg [dreg:$0x2]  }
0x4: {  	s3 =	simm.s32 $0x0;
	s4 =	srdreg.scid;
	s2 =	stileid.u32  }
0x5: {  	s16 =	simm.s32 $0x3;
	s17 =	simm.s32 $0x80;
	s18 =	simm.s32 $0x2  }
0x6: {  	s19 =	simm.s32 $0x100;
	s20 =	simm.s32 $0x180;
	s21 =	simm.s32 $0x200  }
0x7: {  	s22 =	simm.s32 $0x1;
	[smem:$0x7FF] =	sst s3;
	s8 =	sand.u32 $0x1, s4  }
0x8: {  	s4 =	sadd.s32 $0x15E00, s5;
	s6 =	sshll.u32 s2, $0x4;
	s13 =	smul.u32 $0x5000, s2  }
0x9: {  	p0 =	slt.u32 s2, $0xA;
	s15 =	smul.u32 $0x1400, s2;
	_ =	strace $0x8000004D  }
0xa: {  	s7 =	ssub.s32 $0x2, s8;
	s11 =	sadd.s32 s6, s5;
	s5 =	sadd.s32 $0x3D000, s5  }
0xb: {  	s6 =	simm.s32 $0x10;
	s14 =	smul.u32 $0x138800, s8;
	s31 =	sshrl.u32 s7, $0x1  }
0xc: {  	s6 =	simm.s32 @!p0 $0xF;
	p0 =	slt.u32 s2, $0x2;
	s9 =	sadd.s32 $0x10E00, s11  }
0xd: {  	s10 =	sadd.s32 $0x1E00, s11;
	s13 =	sshrl.u32 s13, $0x2;
	s12 =	ssub.s32 s7, s31  }
0xe: {  	s7 =	simm.s32 $0x4F;
	s13 =	sadd.s32 s13, s1;
	s14 =	sadd.s32 s15, s14  }
0xf: {  	s15 =	simm.s32 $0x4200;
	s7 =	simm.s32 @!p0 $0x4E;
	p0 =	seq.s32 s8, $0x1  }
0x10: {  	s8 =	sadd.s32 $0x6E00, s11;
	s11 =	sadd.s32 $0xBE00, s11;
	s23 =	sand.u32 $0x1, s7  }
0x11: {  	v0 =	vimm.f32 $0.0e+00;
	s12 =	smax.u32 s12, $0x1;
	p1 =	seq.s32 s23, $0x0;
	s23 =	simm.s32 $0x0  }
.LBB2_1:
0x12: {  	s24 =	simm.s32 $0x0;
	s25 =	simm.s32 $0x200  }
.LBB2_2:
0x13: {  	p2 =	sne.s32 s25, $0x4E00;
	[tilespmem:s24+$0x4270] =	vst v0  }
0x14: {  	[tilespmem:s24+$0x4200] =	vst v0  }
0x15: {  	[tilespmem:s24+$0x4210] =	vst v0  }
.Ltmp0:
0x16: {  	[tilespmem:s24+$0x4220] =	vst v0;
	(pc) =	sbr.rel @p2 .LBB2_2-.Ltmp0, $4  }
0x17: {  	[tilespmem:s24+$0x4230] =	vst v0  }
0x18: {  	[tilespmem:s24+$0x4240] =	vst v0  }
0x19: {  	[tilespmem:s24+$0x4250] =	vst v0  }
0x1a: {  	[tilespmem:s24+$0x4260] =	vst v0;
	s24 =	sshra.s32 s25, $0x2;
	s25 =	sadd.s32 $0x200, s25  }
0x1b: {  	[tilespmem:s24+$0x4270] =	vst v0  }
0x1c: {  	[tilespmem:s24+$0x4200] =	vst v0  }
0x1d: {  	[tilespmem:s24+$0x4210] =	vst v0  }
0x1e: {  	[tilespmem:s24+$0x4220] =	vst v0  }
0x1f: {  	[tilespmem:s24+$0x4230] =	vst v0  }
0x20: {  	[tilespmem:s24+$0x4240] =	vst v0;
	p2 =	sne.s32 s6, $0x1  }
.Ltmp1:
0x21: {  	[tilespmem:s24+$0x4250] =	vst v0;
	(pc) =	sbr.rel @!p2 .LBB2_5-.Ltmp1, $4  }
0x22: {  	[tilespmem:s24+$0x4260] =	vst v0  }
0x23: {  	[spmem:s13] =	stream.linear.scatter [tilespmem:s15], [sflag:$0x3], $0x1400, $0x38;
	[tilespmem:$0x18E80] =	vst v63  }
0x24: {  	_ =	swait.ge [sflag:s16], $0x1400  }
0x25: {  	s24 =	sadd.s32 $0xFFFFFFFF, s6;
	s25 =	smov.u32 s13;
	[sflag:s16] =	ssyncset.done $0x0  }
.LBB2_4:
0x26: {  	p3 =	sne.s32 s24, $0x1;
	[sflag:s16] =	ssyncadd.s32 $0xFFFFEC00;
	s25 =	sadd.s32 $0x14000, s25  }
.Ltmp2:
0x27: {  	s24 =	sadd.s32 $0xFFFFFFFF, s24;
	(pc) =	sbr.rel @p3 .LBB2_4-.Ltmp2, $4  }
0x28: {  	_ = 	snop  }
0x29: {  	[spmem:s25] =	stream.linear.scatter [tilespmem:s15], [sflag:$0x3], $0x1400, $0x38;
	[tilespmem:$0x18E80] =	vst v63  }
0x2a: {  	_ =	swait.ge [sflag:s16], $0x1400  }
0x2b: {  	[sflag:s16] =	ssyncset.done $0x0  }
.LBB2_5:
.Ltmp3:
0x2c: {  	(pc) =	sbr.rel @!p0 .LBB2_6-.Ltmp3, $4  }
0x2d: {  	_ = 	snop  }
0x2e: {  	[sflag:s16] =	ssyncadd.s32 $0xFFFFEC00  }
0x2f: {  	[bflag:$0x0] =	sbarrier.arrive $0xFFFF  }
0x30: {  	s24 =	simm.s32 $0x0  }
0x31: {  	[tilespmem:s24], [sflag:$0x2] =	stream.linear.gather [hbm4b:s10+s24], $0x80, $0x38;
	[tilespmem:$0x18E80] =	vst v63  }
0x32: {  	_ = 	snop  }
0x33: {  	[tilespmem:s17], [sflag:$0x2] =	stream.linear.gather [hbm4b:s11+s24], $0x80, $0x38;
	[tilespmem:$0x18E80] =	vst v63  }
0x34: {  	_ =	swait.ge [sflag:s18], $0x80  }
0x35: {  	[sflag:s18] =	ssyncset.done $0x0  }
0x36: {  	[sflag:s18] =	ssyncadd.s32 $0xFFFFFF80  }
0x37: {  	_ =	swait.ge [sflag:s18], $0x80  }
0x38: {  	s30 =	sadd.s32 $0x0, s10;
	[sflag:s18] =	ssyncset.done $0x0  }
0x39: {  	s25 =	sadd.s32 $0x0, s11;
	s24 =	sadd.s32 $0x100, s30;
	[sflag:s18] =	ssyncadd.s32 $0xFFFFFF80  }
0x3a: {  	[tilespmem:s19], [sflag:$0x2] =	stream.linear.gather [hbm4b:s24+s3], $0x80, $0x38;
	[tilespmem:$0x18E80] =	vst v63  }
0x3b: {  	s31 =	sadd.s32 $0x100, s25  }
0x3c: {  	[tilespmem:s20], [sflag:$0x2] =	stream.linear.gather [hbm4b:s31+s3], $0x80, $0x38;
	[tilespmem:$0x18E80] =	vst v63  }
0x3d: {  	_ = 	snop  }
0x3e: {  	[tilespmem:s21], [sflag:$0x1] =	stream.indirect.gather [hbm4b:s4+s17], $0x80, s3, s17, $0xb8;
	[tilespmem:$0x18E80] =	vst v63  }
0x3f: {  	_ =	swait.ge [sflag:s22], $0x4000  }
0x40: {  	[sflag:s22] =	ssyncset.done $0x0  }
0x41: {  	[sflag:s22] =	ssyncadd.s32 $0xFFFFC000  }
0x42: {  	[spmem:s1] =	stream.indirect.scatter.add.f32 [tilespmem:s21], [sflag:$0x3], $0x80, s17, s17, $0xb8;
	[tilespmem:$0x18E80] =	vst v63  }
0x43: {  	_ =	swait.ge [sflag:s16], $0x4000  }
0x44: {  	[sflag:s16] =	ssyncset.done $0x0  }
0x45: {  	[sflag:s16] =	ssyncadd.s32 $0xFFFFC000  }
0x46: {  	_ =	swait.ge [sflag:s18], $0x80  }
0x47: {  	[sflag:s18] =	ssyncset.done $0x0  }
0x48: {  	[sflag:s18] =	ssyncadd.s32 $0xFFFFFF80  }
0x49: {  	p3 =	sle.u32 s7, $0x2;
	_ =	swait.ge [sflag:s18], $0x80  }
0x4a: {  	s25 =	sadd.s32 @!p3 $0x0, s11;
	s24 =	sadd.s32 @!p3 $0x0, s10;
	[sflag:s18] =	ssyncset.done $0x0  }
0x4b: {  	s26 =	simm.s32 @!p3 $0x0;
	s24 =	sadd.s32 @!p3 $0x200, s24;
	[sflag:s18] =	ssyncadd.s32 $0xFFFFFF80  }
0x4c: {  	[tilespmem:s26], [sflag:$0x2] =	stream.linear.gather @!p3 [hbm4b:s24+s26], $0x80, $0x38;
	[tilespmem:$0x18E80] =	vst v63  }
0x4d: {  	s24 =	sadd.s32 @!p3 $0x200, s25;
	s25 =	simm.s32 @!p3 $0x80  }
0x4e: {  	[tilespmem:s25], [sflag:$0x2] =	stream.linear.gather @!p3 [hbm4b:s24+s26], $0x80, $0x38;
	[tilespmem:$0x18E80] =	vst v63  }
0x4f: {  	_ = 	snop  }
0x50: {  	[tilespmem:s21], [sflag:$0x1] =	stream.indirect.gather [hbm4b:s4+s17], $0x80, s19, s17, $0xb8;
	[tilespmem:$0x18E80] =	vst v63  }
0x51: {  	_ =	swait.ge [sflag:s22], $0x4000  }
0x52: {  	[sflag:s22] =	ssyncset.done $0x0  }
0x53: {  	[sflag:s22] =	ssyncadd.s32 $0xFFFFC000  }
0x54: {  	[spmem:s1] =	stream.indirect.scatter.add.f32 [tilespmem:s21], [sflag:$0x3], $0x80, s20, s17, $0xb8;
	[tilespmem:$0x18E80] =	vst v63  }
0x55: {  	_ =	swait.ge [sflag:s16], $0x4000  }
0x56: {  	s24 =	simm.s32 $0x2;
	s25 =	simm.s32 $0x200;
	[sflag:s16] =	ssyncset.done $0x0  }
.LBB2_10:
0x57: {  	[sflag:s16] =	ssyncadd.s32 $0xFFFFC000  }
0x58: {  	s24 =	sadd.s32 $0x2, s24;
	s26 =	smov.u32 s25;
	s25 =	sadd.s32 $0x200, s25  }
0x59: {  	_ =	swait.ge [sflag:s18], $0x80;
	p3 =	sne.s32 s25, $0x4E00  }
0x5a: {  	[sflag:s18] =	ssyncset.done $0x0  }
0x5b: {  	[sflag:s18] =	ssyncadd.s32 $0xFFFFFF80  }
0x5c: {  	_ =	swait.ge [sflag:s18], $0x80  }
0x5d: {  	s28 =	sadd.s32 s26, s10;
	[sflag:s18] =	ssyncset.done $0x0  }
0x5e: {  	s29 =	sadd.s32 s26, s11;
	s28 =	sadd.s32 $0x100, s28;
	[sflag:s18] =	ssyncadd.s32 $0xFFFFFF80  }
0x5f: {  	[tilespmem:s19], [sflag:$0x2] =	stream.linear.gather [hbm4b:s28+s3], $0x80, $0x38;
	[tilespmem:$0x18E80] =	vst v63  }
0x60: {  	s28 =	sadd.s32 $0x100, s29  }
0x61: {  	[tilespmem:s20], [sflag:$0x2] =	stream.linear.gather [hbm4b:s28+s3], $0x80, $0x38;
	[tilespmem:$0x18E80] =	vst v63  }
0x62: {  	_ = 	snop  }
0x63: {  	[tilespmem:s21], [sflag:$0x1] =	stream.indirect.gather [hbm4b:s4+s17], $0x80, s3, s17, $0xb8;
	[tilespmem:$0x18E80] =	vst v63  }
0x64: {  	_ =	swait.ge [sflag:s22], $0x4000  }
0x65: {  	[sflag:s22] =	ssyncset.done $0x0  }
0x66: {  	[sflag:s22] =	ssyncadd.s32 $0xFFFFC000  }
0x67: {  	[spmem:s1] =	stream.indirect.scatter.add.f32 [tilespmem:s21], [sflag:$0x3], $0x80, s17, s17, $0xb8;
	[tilespmem:$0x18E80] =	vst v63  }
0x68: {  	_ =	swait.ge [sflag:s16], $0x4000  }
0x69: {  	[sflag:s16] =	ssyncset.done $0x0  }
0x6a: {  	[sflag:s16] =	ssyncadd.s32 $0xFFFFC000  }
0x6b: {  	_ =	swait.ge [sflag:s18], $0x80  }
0x6c: {  	[sflag:s18] =	ssyncset.done $0x0  }
0x6d: {  	[sflag:s18] =	ssyncadd.s32 $0xFFFFFF80  }
0x6e: {  	p4 =	sge.u32 s24, s7;
	_ =	swait.ge [sflag:s18], $0x80  }
0x6f: {  	s28 =	sadd.s32 @!p4 s26, s10;
	s26 =	sadd.s32 @!p4 s26, s11;
	[sflag:s18] =	ssyncset.done $0x0  }
0x70: {  	s29 =	simm.s32 @!p4 $0x0;
	s28 =	sadd.s32 @!p4 $0x200, s28;
	[sflag:s18] =	ssyncadd.s32 $0xFFFFFF80  }
0x71: {  	[tilespmem:s29], [sflag:$0x2] =	stream.linear.gather @!p4 [hbm4b:s28+s29], $0x80, $0x38;
	[tilespmem:$0x18E80] =	vst v63  }
0x72: {  	s26 =	sadd.s32 @!p4 $0x200, s26;
	s28 =	simm.s32 @!p4 $0x80  }
0x73: {  	[tilespmem:s28], [sflag:$0x2] =	stream.linear.gather @!p4 [hbm4b:s26+s29], $0x80, $0x38;
	[tilespmem:$0x18E80] =	vst v63  }
0x74: {  	_ = 	snop  }
0x75: {  	[tilespmem:s21], [sflag:$0x1] =	stream.indirect.gather [hbm4b:s4+s17], $0x80, s19, s17, $0xb8;
	[tilespmem:$0x18E80] =	vst v63  }
0x76: {  	_ =	swait.ge [sflag:s22], $0x4000  }
.Ltmp4:
0x77: {  	[sflag:s22] =	ssyncset.done $0x0;
	(pc) =	sbr.rel @p3 .LBB2_10-.Ltmp4, $4  }
0x78: {  	[sflag:s22] =	ssyncadd.s32 $0xFFFFC000  }
0x79: {  	[spmem:s1] =	stream.indirect.scatter.add.f32 [tilespmem:s21], [sflag:$0x3], $0x80, s20, s17, $0xb8;
	[tilespmem:$0x18E80] =	vst v63  }
0x7a: {  	_ =	swait.ge [sflag:s16], $0x4000  }
0x7b: {  	[sflag:s16] =	ssyncset.done $0x0  }
.Ltmp5:
0x7c: {  	(pc) =	sbr.rel @p1 .LBB2_13-.Ltmp5, $4  }
.Ltmp6:
0x7d: {  	(pc) =	sbr.rel @!p1 .LBB2_12-.Ltmp6, $4  }
0x7e: {  	_ = 	snop  }
0x7f: {  	_ = 	snop  }
0x80: {  	[sflag:s16] =	ssyncadd.s32 $0xFFFFC000  }
0x81: {  	_ = 	snop  }
.LBB2_6:
0x82: {  	[tilespmem:s24], [sflag:$0x2] =	stream.linear.gather [hbm4b:s8+s24], $0x80, $0x38;
	[tilespmem:$0x18E80] =	vst v63  }
0x83: {  	_ = 	snop  }
0x84: {  	[tilespmem:s17], [sflag:$0x2] =	stream.linear.gather [hbm4b:s9+s24], $0x80, $0x38;
	[tilespmem:$0x18E80] =	vst v63  }
0x85: {  	_ =	swait.ge [sflag:s18], $0x80  }
0x86: {  	[sflag:s18] =	ssyncset.done $0x0  }
0x87: {  	[sflag:s18] =	ssyncadd.s32 $0xFFFFFF80  }
0x88: {  	_ =	swait.ge [sflag:s18], $0x80  }
0x89: {  	s30 =	sadd.s32 $0x0, s8;
	[sflag:s18] =	ssyncset.done $0x0  }
0x8a: {  	s25 =	sadd.s32 $0x0, s9;
	s24 =	sadd.s32 $0x100, s30;
	[sflag:s18] =	ssyncadd.s32 $0xFFFFFF80  }
0x8b: {  	[tilespmem:s19], [sflag:$0x2] =	stream.linear.gather [hbm4b:s24+s3], $0x80, $0x38;
	[tilespmem:$0x18E80] =	vst v63  }
0x8c: {  	s31 =	sadd.s32 $0x100, s25  }
0x8d: {  	[tilespmem:s20], [sflag:$0x2] =	stream.linear.gather [hbm4b:s31+s3], $0x80, $0x38;
	[tilespmem:$0x18E80] =	vst v63  }
0x8e: {  	_ = 	snop  }
0x8f: {  	[tilespmem:s21], [sflag:$0x1] =	stream.indirect.gather [hbm4b:s4+s17], $0x80, s3, s17, $0xb8;
	[tilespmem:$0x18E80] =	vst v63  }
0x90: {  	_ =	swait.ge [sflag:s22], $0x4000  }
0x91: {  	[sflag:s22] =	ssyncset.done $0x0  }
0x92: {  	[sflag:s22] =	ssyncadd.s32 $0xFFFFC000  }
0x93: {  	[spmem:s1] =	stream.indirect.scatter.add.f32 [tilespmem:s21], [sflag:$0x3], $0x80, s17, s17, $0xb8;
	[tilespmem:$0x18E80] =	vst v63  }
0x94: {  	_ =	swait.ge [sflag:s16], $0x4000  }
0x95: {  	[sflag:s16] =	ssyncset.done $0x0  }
0x96: {  	[sflag:s16] =	ssyncadd.s32 $0xFFFFC000  }
0x97: {  	_ =	swait.ge [sflag:s18], $0x80  }
0x98: {  	[sflag:s18] =	ssyncset.done $0x0  }
0x99: {  	[sflag:s18] =	ssyncadd.s32 $0xFFFFFF80  }
0x9a: {  	p3 =	sle.u32 s7, $0x2;
	_ =	swait.ge [sflag:s18], $0x80  }
0x9b: {  	s25 =	sadd.s32 @!p3 $0x0, s9;
	s24 =	sadd.s32 @!p3 $0x0, s8;
	[sflag:s18] =	ssyncset.done $0x0  }
0x9c: {  	s26 =	simm.s32 @!p3 $0x0;
	s24 =	sadd.s32 @!p3 $0x200, s24;
	[sflag:s18] =	ssyncadd.s32 $0xFFFFFF80  }
0x9d: {  	[tilespmem:s26], [sflag:$0x2] =	stream.linear.gather @!p3 [hbm4b:s24+s26], $0x80, $0x38;
	[tilespmem:$0x18E80] =	vst v63  }
0x9e: {  	s24 =	sadd.s32 @!p3 $0x200, s25;
	s25 =	simm.s32 @!p3 $0x80  }
0x9f: {  	[tilespmem:s25], [sflag:$0x2] =	stream.linear.gather @!p3 [hbm4b:s24+s26], $0x80, $0x38;
	[tilespmem:$0x18E80] =	vst v63  }
0xa0: {  	_ = 	snop  }
0xa1: {  	[tilespmem:s21], [sflag:$0x1] =	stream.indirect.gather [hbm4b:s4+s17], $0x80, s19, s17, $0xb8;
	[tilespmem:$0x18E80] =	vst v63  }
0xa2: {  	_ =	swait.ge [sflag:s22], $0x4000  }
0xa3: {  	[sflag:s22] =	ssyncset.done $0x0  }
0xa4: {  	[sflag:s22] =	ssyncadd.s32 $0xFFFFC000  }
0xa5: {  	[spmem:s1] =	stream.indirect.scatter.add.f32 [tilespmem:s21], [sflag:$0x3], $0x80, s20, s17, $0xb8;
	[tilespmem:$0x18E80] =	vst v63  }
0xa6: {  	_ =	swait.ge [sflag:s16], $0x4000  }
0xa7: {  	s24 =	simm.s32 $0x2;
	s25 =	simm.s32 $0x200;
	[sflag:s16] =	ssyncset.done $0x0  }
.LBB2_7:
0xa8: {  	[sflag:s16] =	ssyncadd.s32 $0xFFFFC000  }
0xa9: {  	s24 =	sadd.s32 $0x2, s24;
	s26 =	smov.u32 s25;
	s25 =	sadd.s32 $0x200, s25  }
0xaa: {  	_ =	swait.ge [sflag:s18], $0x80;
	p3 =	sne.s32 s25, $0x4E00  }
0xab: {  	[sflag:s18] =	ssyncset.done $0x0  }
0xac: {  	[sflag:s18] =	ssyncadd.s32 $0xFFFFFF80  }
0xad: {  	_ =	swait.ge [sflag:s18], $0x80  }
0xae: {  	s28 =	sadd.s32 s26, s8;
	[sflag:s18] =	ssyncset.done $0x0  }
0xaf: {  	s29 =	sadd.s32 s26, s9;
	s28 =	sadd.s32 $0x100, s28;
	[sflag:s18] =	ssyncadd.s32 $0xFFFFFF80  }
0xb0: {  	[tilespmem:s19], [sflag:$0x2] =	stream.linear.gather [hbm4b:s28+s3], $0x80, $0x38;
	[tilespmem:$0x18E80] =	vst v63  }
0xb1: {  	s28 =	sadd.s32 $0x100, s29  }
0xb2: {  	[tilespmem:s20], [sflag:$0x2] =	stream.linear.gather [hbm4b:s28+s3], $0x80, $0x38;
	[tilespmem:$0x18E80] =	vst v63  }
0xb3: {  	_ = 	snop  }
0xb4: {  	[tilespmem:s21], [sflag:$0x1] =	stream.indirect.gather [hbm4b:s4+s17], $0x80, s3, s17, $0xb8;
	[tilespmem:$0x18E80] =	vst v63  }
0xb5: {  	_ =	swait.ge [sflag:s22], $0x4000  }
0xb6: {  	[sflag:s22] =	ssyncset.done $0x0  }
0xb7: {  	[sflag:s22] =	ssyncadd.s32 $0xFFFFC000  }
0xb8: {  	[spmem:s1] =	stream.indirect.scatter.add.f32 [tilespmem:s21], [sflag:$0x3], $0x80, s17, s17, $0xb8;
	[tilespmem:$0x18E80] =	vst v63  }
0xb9: {  	_ =	swait.ge [sflag:s16], $0x4000  }
0xba: {  	[sflag:s16] =	ssyncset.done $0x0  }
0xbb: {  	[sflag:s16] =	ssyncadd.s32 $0xFFFFC000  }
0xbc: {  	_ =	swait.ge [sflag:s18], $0x80  }
0xbd: {  	[sflag:s18] =	ssyncset.done $0x0  }
0xbe: {  	[sflag:s18] =	ssyncadd.s32 $0xFFFFFF80  }
0xbf: {  	p4 =	sge.u32 s24, s7;
	_ =	swait.ge [sflag:s18], $0x80  }
0xc0: {  	s28 =	sadd.s32 @!p4 s26, s8;
	s26 =	sadd.s32 @!p4 s26, s9;
	[sflag:s18] =	ssyncset.done $0x0  }
0xc1: {  	s29 =	simm.s32 @!p4 $0x0;
	s28 =	sadd.s32 @!p4 $0x200, s28;
	[sflag:s18] =	ssyncadd.s32 $0xFFFFFF80  }
0xc2: {  	[tilespmem:s29], [sflag:$0x2] =	stream.linear.gather @!p4 [hbm4b:s28+s29], $0x80, $0x38;
	[tilespmem:$0x18E80] =	vst v63  }
0xc3: {  	s26 =	sadd.s32 @!p4 $0x200, s26;
	s28 =	simm.s32 @!p4 $0x80  }
0xc4: {  	[tilespmem:s28], [sflag:$0x2] =	stream.linear.gather @!p4 [hbm4b:s26+s29], $0x80, $0x38;
	[tilespmem:$0x18E80] =	vst v63  }
0xc5: {  	_ = 	snop  }
0xc6: {  	[tilespmem:s21], [sflag:$0x1] =	stream.indirect.gather [hbm4b:s4+s17], $0x80, s19, s17, $0xb8;
	[tilespmem:$0x18E80] =	vst v63  }
0xc7: {  	_ =	swait.ge [sflag:s22], $0x4000  }
.Ltmp7:
0xc8: {  	[sflag:s22] =	ssyncset.done $0x0;
	(pc) =	sbr.rel @p3 .LBB2_7-.Ltmp7, $4  }
0xc9: {  	[sflag:s22] =	ssyncadd.s32 $0xFFFFC000  }
0xca: {  	[spmem:s1] =	stream.indirect.scatter.add.f32 [tilespmem:s21], [sflag:$0x3], $0x80, s20, s17, $0xb8;
	[tilespmem:$0x18E80] =	vst v63  }
0xcb: {  	_ =	swait.ge [sflag:s16], $0x4000  }
0xcc: {  	[sflag:s16] =	ssyncset.done $0x0  }
.Ltmp8:
0xcd: {  	(pc) =	sbr.rel @p1 .LBB2_13-.Ltmp8, $2  }
0xce: {  	_ =	sdelay $0x2  }
0xcf: {  	[sflag:s16] =	ssyncadd.s32 $0xFFFFC000  }
.LBB2_12:
0xd0: {  	_ =	swait.ge [sflag:s18], $0x80  }
0xd1: {  	[sflag:s18] =	ssyncset.done $0x0  }
0xd2: {  	[sflag:s18] =	ssyncadd.s32 $0xFFFFFF80  }
0xd3: {  	_ =	swait.ge [sflag:s18], $0x80  }
0xd4: {  	[sflag:s18] =	ssyncset.done $0x0  }
0xd5: {  	[sflag:s18] =	ssyncadd.s32 $0xFFFFFF80  }
0xd6: {  	[tilespmem:s21], [sflag:$0x1] =	stream.indirect.gather [hbm4b:s4+s17], $0x80, s3, s17, $0xb8;
	[tilespmem:$0x18E80] =	vst v63  }
0xd7: {  	_ =	swait.ge [sflag:s22], $0x4000  }
0xd8: {  	[sflag:s22] =	ssyncset.done $0x0  }
0xd9: {  	[sflag:s22] =	ssyncadd.s32 $0xFFFFC000  }
0xda: {  	[spmem:s1] =	stream.indirect.scatter.add.f32 [tilespmem:s21], [sflag:$0x3], $0x80, s17, s17, $0xb8;
	[tilespmem:$0x18E80] =	vst v63  }
0xdb: {  	_ =	swait.ge [sflag:s16], $0x4000  }
0xdc: {  	[sflag:s16] =	ssyncset.done $0x0  }
0xdd: {  	[sflag:s16] =	ssyncadd.s32 $0xFFFFC000  }
.LBB2_13:
.Ltmp9:
0xde: {  	(pc) =	sbr.rel @!p2 .LBB2_15-.Ltmp9, $4  }
0xdf: {  	[bflag:$0x0] =	sbarrier.arrive $0xFFFF;
	s24 =	sshll.u32 s2, $0x6;
	s25 =	sshrl.u32 s14, $0x3  }
0xe0: {  	s26 =	sshrl.u32 s13, $0x3;
	s25 =	sadd.s32 s5, s25;
	s24 =	sor.u32 $0x1C03, s24  }
0xe1: {  	[hbm:s25], [sflag:s24] =	dma.local [spmem:s26], $0x280  }
0xe2: {  	s28 =	smov.u32 s13;
	s25 =	sadd.s32 $0xFFFFFFFF, s6;
	s26 =	sadd.s32 $0x14000, s14  }
.LBB2_14:
0xe3: {  	_ =	swait.ge [sflag:s16], $0x280  }
0xe4: {  	s28 =	sadd.s32 $0x14000, s28;
	s29 =	sshrl.u32 s26, $0x3;
	p2 =	sne.s32 s25, $0x1  }
.Ltmp10:
0xe5: {  	s30 =	sshrl.u32 s28, $0x3;
	[sflag:s16] =	ssyncset.done $0x0;
	(pc) =	sbr.rel @p2 .LBB2_14-.Ltmp10, $4  }
0xe6: {  	s29 =	sadd.s32 s5, s29;
	[sflag:s16] =	ssyncadd.s32 $0xFFFFFD80  }
0xe7: {  	[hbm:s29], [sflag:s24] =	dma.local [spmem:s30], $0x280  }
0xe8: {  	s25 =	sadd.s32 $0xFFFFFFFF, s25  }
0xe9: {  	s26 =	sadd.s32 $0x14000, s26  }
.LBB2_15:
0xea: {  	s23 =	sadd.s32 $0x1, s23  }
0xeb: {  	p2 =	sne.s32 s23, s12  }
.Ltmp11:
0xec: {  	_ = 	snop;
	(pc) =	sbr.rel @p2 .LBB2_1-.Ltmp11, $4  }
0xed: {  	_ = 	snop  }
0xee: {  	_ =	swait.ge [sflag:s16], $0x280  }
0xef: {  	[sflag:s16] =	ssyncset.done $0x0  }
0xf0: {  	[sflag:s16] =	ssyncadd.s32 $0xFFFFFD80  }
0xf1: {  	_ =	sfence.sel $0x180000  }
0xf2: {  	[bflag:$0x0] =	sbarrier.arrive $0xFFFF  }
0xf3: {  	p0 =	sne.s32 s2, $0x0;
	_ =	strace $0x9000004D  }
0xf4: {  	s0 =	sadd.s32 @!p0 $0x100000, s0;
	[bflag:$0x2] =	sbarrier.arrive $0xFFFF  }
0xf5: {  	[sflag:s0] =	ssyncadd.tile.s32 @!p0 $0x1;
	_ =	shalt  }
.Lfunc_end2:
_tile_overlayer_lowered:
.L_overlay_start_2:
0xf6: {  	(tag) =	ssettag $0x2  }
0xf7: {  	s0 =	rddreg [dreg:$0x0];
	s2 =	stileid.u32  }
0xf8: {  	s1 =	rddreg [dreg:$0x1];
	p0 =	sne.s32 s2, $0x0  }
0xf9: {  	s3 =	rddreg [dreg:$0x2];
	[bflag:$0x3] =	sbarrier.arrive $0xFFFF;
	s2 =	simm.s32 @!p0 $0x1C03  }
0xfa: {  	[timem:s3], [sflag:s2] =	dma.local @!p0 [hbm:s0], s1  }
0xfb: {  	s0 =	simm.s32 @!p0 $0x3  }
0xfc: {  	_ =	swait.ge @!p0 [sflag:s0], s1  }
0xfd: {  	s1 =	ssub.s32 @!p0 $0x0, s1;
	[sflag:s0] =	ssyncset.done @!p0 $0x0  }
0xfe: {  	[sflag:s0] =	ssyncadd.s32 @!p0 s1  }
0xff: {  	[bflag:$0x3] =	sbarrier.arrive $0xFFFF  }
0x100: {  	_ =	shalt  }

// kernel: kernel.7.cloned.1.call-start
scs
__scs_entry_jumppad:
0x0: {  	(pc) =	sbr.rel $0x88, $3  }
0x1: {  	(tag) =	ssettag $0x0;
	lr =	simm.s32 $0x1  }
0x2: {  	[smem:$0x3F92] =	sst lr;
	_ =	strace $0xD0000000  }
0x3: {  	_ = 	snop  }
0x4: {  	_ = 	snop  }
0x5: {  	_ = 	snop  }
0x6: {  	_ = 	snop  }
0x7: {  	_ = 	snop  }
__scs_overlays_trampoline_lowered:
0x8: {  	[smem:$0x3FA1] =	sst s0  }
0x9: {  	[smem:$0x3FA2] =	sst s1  }
0xa: {  	[smem:$0x3FA3] =	sst s2  }
0xb: {  	[smem:$0x3FA4] =	sst s3  }
0xc: {  	[smem:$0x3FA5] =	sst s4  }
0xd: {  	[smem:$0x3FA6] =	sst s5  }
0xe: {  	[smem:$0x3FA7] =	sst s6  }
0xf: {  	[smem:$0x3FA8] =	sst s7  }
0x10: {  	[smem:$0x3FA9] =	sst s8  }
0x11: {  	[smem:$0x3FAA] =	sst s9;
	s0 =	simm.s32 @!p0 $0x0  }
0x12: {  	s1 =	sld [smem:$0x3F90];
	s0 =	simm.s32 @p0 $0x1  }
0x13: {  	[smem:$0x3FAB] =	sst s0;
	s0 =	simm.s32 @!p1 $0x0  }
0x14: {  	s2 =	sld [smem:$0x3F8F];
	s0 =	simm.s32 @p1 $0x1  }
0x15: {  	[smem:$0x3FAC] =	sst s0;
	s0 =	simm.s32 @!p2 $0x0  }
0x16: {  	s3 =	sld [smem:$0x3FDB];
	s0 =	simm.s32 @p2 $0x1  }
0x17: {  	s4 =	simm.s32 $0x1BF5;
	[smem:$0x3FAE] =	sst s0  }
0x18: {  	s0 =	sld [smem:$0x3F91];
	_ =	swait.ge [sflag:s4], $0x0  }
0x19: {  	s7 =	sld [smem:$0x3F92]  }
0x1a: {  	s8 =	sadd.s32 $0xFFFFE003, lr  }
0x1b: {  	s9 =	sadd.s32 $0xFFFFFEF7, lr;
	s5 =	simm.s32 $0xFFFFFFFF;
	p2 =	slt.u32 s8, $0xFFFFF086  }
0x1c: {  	p1 =	slt.u32 s9, $0xF7A;
	s5 =	simm.s32 @!p2 $0x0  }
0x1d: {  	s5 =	simm.s32 @p1 $0x1;
	p0 =	seq.s32 s7, s2  }
0x1e: {  	s7 =	smul.u32 @!p0 $0xF7A, s2;
	p2 =	seq.s32 @!p0 s5, $0x0  }
0x1f: {  	s9 =	smul.u32 $0xF7A, s1;
	s8 =	simm.s32 @!p0 $0x1BF5;
	p2 =	por !p2, p0  }
0x20: {  	[sflag:s8] =	ssyncset.s32 @!p0 $0xFFFFF086;
	s6 =	sadd.s32 @!p0 s3, s7;
	s7 =	simm.s32 @!p0 $0x108  }
0x21: {  	s3 =	sadd.s32 s3, s9;
	s6 =	sadd.s32 @!p0 $0x88, s6;
	s7 =	simm.s32 @p2 $0x1082  }
0x22: {  	[simem:s7], [sflag:s8] =	dma.local @!p0 [hbm:s6], $0xF7A  }
0x23: {  	s9 =	sor.u32 $0xD0000000, s2;
	s6 =	simm.s32 $0x108;
	_ =	swait.ge @!p0 [sflag:s8], $0x0  }
0x24: {  	s3 =	sadd.s32 $0x88, s3;
	s6 =	simm.s32 @!p1 $0x1082;
	[sflag:s4] =	ssyncset.s32 $0xFFFFF086  }
0x25: {  	[simem:s6], [sflag:s4] =	dma.local [hbm:s3], $0xF7A  }
0x26: {  	[smem:$0x3F92] =	sst s1;
	(tag) =	ssettag s2;
	_ =	strace s9  }
0x27: {  	s1 =	sld [smem:$0x3FA2]  }
0x28: {  	s2 =	sld [smem:$0x3FA3]  }
0x29: {  	s4 =	sld [smem:$0x3FA5]  }
0x2a: {  	p0 =	seq.s32 s5, $0x0;
	s5 =	sld [smem:$0x3FA6]  }
0x2b: {  	s6 =	sld [smem:$0x3FA7]  }
0x2c: {  	s7 =	sld [smem:$0x3FA8]  }
0x2d: {  	s3 =	simm.s32 $0x108;
	s8 =	sld [smem:$0x3FA9]  }
0x2e: {  	s3 =	simm.s32 @!p0 $0x1082;
	s9 =	sld [smem:$0x3FAA]  }
0x2f: {  	lr =	sadd.s32 s0, s3;
	s0 =	sld [smem:$0x3FA1]  }
0x30: {  	s3 =	sld [smem:$0x3FA4]  }
0x31: {  	[smem:$0x3FAD] =	sst s10  }
0x32: {  	s10 =	sld [smem:$0x3FAB];
	_ =	sdelay $0x3  }
0x33: {  	p0 =	seq.s32 s10, $0x1;
	s10 =	sld [smem:$0x3FAD];
	_ =	sdelay $0x3  }
0x34: {  	[smem:$0x3FAD] =	sst s10  }
0x35: {  	s10 =	sld [smem:$0x3FAC];
	_ =	sdelay $0x3  }
0x36: {  	p1 =	seq.s32 s10, $0x1;
	s10 =	sld [smem:$0x3FAD];
	_ =	sdelay $0x3  }
0x37: {  	[smem:$0x3FAD] =	sst s10  }
0x38: {  	s10 =	sld [smem:$0x3FAE]  }
0x39: {  	_ = 	snop;
	(pc) =	sbr.ind lr, $3  }
0x3a: {  	_ = 	snop  }
0x3b: {  	_ = 	snop  }
0x3c: {  	p2 =	seq.s32 s10, $0x1;
	s10 =	sld [smem:$0x3FAD]  }
0x3d: {  	_ =	shalt  }
0x3e: {  	_ =	shalt  }
0x3f: {  	_ =	shalt  }
0x40: {  	_ =	shalt  }
0x41: {  	_ =	shalt  }
0x42: {  	_ =	shalt  }
0x43: {  	_ =	shalt  }
0x44: {  	_ =	shalt  }
0x45: {  	_ =	shalt  }
0x46: {  	_ =	shalt  }
0x47: {  	_ =	shalt  }
0x48: {  	_ =	shalt  }
0x49: {  	_ =	shalt  }
0x4a: {  	_ =	shalt  }
0x4b: {  	_ =	shalt  }
0x4c: {  	_ =	shalt  }
0x4d: {  	_ =	shalt  }
0x4e: {  	_ =	shalt  }
0x4f: {  	_ =	shalt  }
0x50: {  	_ =	shalt  }
0x51: {  	_ =	shalt  }
0x52: {  	_ =	shalt  }
0x53: {  	_ =	shalt  }
0x54: {  	_ =	shalt  }
0x55: {  	_ =	shalt  }
0x56: {  	_ =	shalt  }
0x57: {  	_ =	shalt  }
0x58: {  	_ =	shalt  }
0x59: {  	_ =	shalt  }
0x5a: {  	_ =	shalt  }
0x5b: {  	_ =	shalt  }
0x5c: {  	_ =	shalt  }
0x5d: {  	_ =	shalt  }
0x5e: {  	_ =	shalt  }
0x5f: {  	_ =	shalt  }
0x60: {  	_ =	shalt  }
0x61: {  	_ =	shalt  }
0x62: {  	_ =	shalt  }
0x63: {  	_ =	shalt  }
0x64: {  	_ =	shalt  }
0x65: {  	_ =	shalt  }
0x66: {  	_ =	shalt  }
0x67: {  	_ =	shalt  }
0x68: {  	_ =	shalt  }
0x69: {  	_ =	shalt  }
0x6a: {  	_ =	shalt  }
0x6b: {  	_ =	shalt  }
0x6c: {  	_ =	shalt  }
0x6d: {  	_ =	shalt  }
0x6e: {  	_ =	shalt  }
0x6f: {  	_ =	shalt  }
0x70: {  	_ =	shalt  }
0x71: {  	_ =	shalt  }
0x72: {  	_ =	shalt  }
0x73: {  	_ =	shalt  }
0x74: {  	_ =	shalt  }
0x75: {  	_ =	shalt  }
0x76: {  	_ =	shalt  }
0x77: {  	_ =	shalt  }
0x78: {  	_ =	shalt  }
0x79: {  	_ =	shalt  }
0x7a: {  	_ =	shalt  }
0x7b: {  	_ =	shalt  }
0x7c: {  	_ =	shalt  }
0x7d: {  	_ =	shalt  }
0x7e: {  	_ =	shalt  }
0x7f: {  	_ =	shalt  }
0x80: {  	_ =	shalt  }
0x81: {  	_ =	shalt  }
0x82: {  	_ =	shalt  }
0x83: {  	_ =	shalt  }
0x84: {  	_ =	shalt  }
0x85: {  	_ =	shalt  }
0x86: {  	_ =	shalt  }
0x87: {  	_ =	shalt  }
.Lfunc_end0:
.L_simem_size_0:
called_computation_lowered:
.L_overlay_start_0:
0x88: {  	s2 =	sld [smem:$0x3FD9]  }
0x89: {  	s3 =	sld [smem:$0x3FFE];
	_ =	sdelay $0x1  }
0x8a: {  	s1 =	srdreg.scid  }
0x8b: {  	s0 =	sand.u32 $0x1, s1  }
0x8c: {  	s17 =	sshll.u32 s0, $0xA;
	s2 =	sadd.s32 s3, s2  }
0x8d: {  	s2 =	sadd.s32 s2, s17  }
0x8e: {  	[smem:$0x3FB9] =	sst s2  }
0x8f: {  	_ = 	snop  }
0x90: {  	s2 =	sld [smem:$0x3FD0];
	(tm) =	ssettm $0x1  }
0x91: {  	s18 =	sld [smem:$0x3FFB];
	_ =	sdelay $0x3  }
0x92: {  	_ =	strace s18  }
0x93: {  	s3 =	sld [smem:$0x3FFC];
	_ =	sdelay $0x3  }
0x94: {  	_ =	strace s3  }
0x95: {  	s3 =	sld [smem:$0x3FFD];
	_ =	sdelay $0x3  }
0x96: {  	_ =	strace s3  }
0x97: {  	_ =	strace $0x8FFFFFFF  }
0x98: {  	s19 =	sld [smem:$0x3FDB];
	_ =	sdelay $0x1  }
0x99: {  	s4 =	simm.s32 $_scs_section_size  }
0x9a: {  	s5 =	simm.s32 $_size__tile_overlayer_lowered;
	s6 =	simm.s32 $_tile_overlayer_lowered  }
0x9b: {  	s22 =	simm.s32 $0x1BFF;
	s21 =	sshll.u32 s6, $0x1;
	s3 =	sadd.s32 s4, s19  }
0x9c: {  	s7 =	simm.s32 $0x0;
	s20 =	sshll.u32 s5, $0x1;
	s5 =	sadd.s32 s21, s3  }
0x9d: {  	[timem:s7], [sflag:s22] =	dma.local [hbm:s5], s20  }
0x9e: {  	_ =	swait.ge [sflag:s22], s20  }
0x9f: {  	s4 =	ssub.s32 $0x0, s20;
	[sflag:s22] =	ssyncset.done $0x0  }
0xa0: {  	[sflag:s22] =	ssyncadd.s32 s4;
	_ =	sdelay $0x1  }
0xa1: {  	s23 =	simm.s32 $0x1B8B  }
0xa2: {  	_ =	swait.ge [sflag:s23], $0x1  }
0xa3: {  	[sflag:s23] =	ssyncset.done $0x0  }
0xa4: {  	s25 =	simm.s32 $0x1B8E;
	s24 =	sld [smem:$0x3FFE];
	[sflag:s23] =	ssyncadd.s32 $0xFFFFFFFF  }
0xa5: {  	s26 =	simm.s32 $execute0_lowered;
	[smem:$0x3FD2] =	sst s25  }
0xa6: {  	s5 =	sshll.u32 s26, $0x1;
	_ =	strace $0x80000046;
	[dreg:$0x1] =	wrdreg $0xFFFFFFFF  }
0xa7: {  	s28 =	simm.s32 $_size_execute0_lowered;
	s3 =	sadd.s32 s3, s5;
	[dreg:$0x0] =	wrdreg $0x0  }
0xa8: {  	s5 =	sshll.u32 s28, $0x1;
	[dreg:$0x2] =	wrdreg s3  }
0xa9: {  	[dreg:$0x3] =	wrdreg s5  }
0xaa: {  	[dreg:$0x4] =	wrdreg $0xC0  }
0xab: {  	_ =	task [dreg:s7], $0x5FFFF  }
0xac: {  	[dreg:$0x1] =	wrdreg $0xFFFFFFFF  }
0xad: {  	[dreg:$0x0] =	wrdreg $0x60  }
0xae: {  	[dreg:$0x2] =	wrdreg s24  }
0xaf: {  	[dreg:$0x3] =	wrdreg s2  }
0xb0: {  	[dreg:$0x4] =	wrdreg $0x50800  }
0xb1: {  	[dreg:$0x5] =	wrdreg $0x9  }
0xb2: {  	_ =	task.clear_ibuf [dreg:s7], $0x6FFFF;
	_ =	strace $0x90000046  }
0xb3: {  	s29 =	simm.s32 $0x9;
	_ =	strace $0x80000048  }
0xb4: {  	_ =	swait.ge [sflag:s29], $0x1  }
0xb5: {  	[sflag:s29] =	ssyncadd.s32 $0xFFFFFFFF  }
0xb6: {  	_ =	strace $0x90000048  }
0xb7: {  	_ =	sfence  }
0xb8: {  	s30 =	sld [smem:$0x0];
	_ =	sdelay $0x2  }
0xb9: {  	s31 =	sshll.u32 s1, $0xD;
	s1 =	sshrl.u32 s1, $0x2  }
0xba: {  	s3 =	sand.u32 $0x4000, s31;
	s1 =	sadd.s32 s1, s30  }
0xbb: {  	s0 =	sor.u32 s3, s0;
	s1 =	sshll.u32 s1, $0x11  }
0xbc: {  	s0 =	sor.u32 s1, s0  }
0xbd: {  	s0 =	sadd.s32 $0x8F2B, s0  }
0xbe: {  	[sflag:s0] =	ssyncadd.remote.s32 $0x1  }
0xbf: {  	_ =	sfence.sel $0xFFFF  }
0xc0: {  	[dreg:$0x0] =	wrdreg $0xFFFFFFFF;
	(pc) =	sbr.abs _section_cstart, $3  }
0xc1: {  	[dreg:$0x1] =	wrdreg $0xFFFFFFFF  }
0xc2: {  	_ =	task.clear_ibuf [dreg:s7], $0x2FFFF;
	_ =	strace $0x9FFFFFFF  }
0xc3: {  	(tm) =	ssettm $0x7FFFFFFF  }
tec
execute0_lowered:
.L_overlay_start_1:
0x0: {  	(tag) =	ssettag $0x1  }
0x1: {  	s4 =	rddreg [dreg:$0x0]  }
0x2: {  	s6 =	rddreg [dreg:$0x1]  }
0x3: {  	s1 =	rddreg [dreg:$0x2];
	s10 =	stileid.u32  }
0x4: {  	s0 =	rddreg [dreg:$0x3];
	s2 =	simm.s32 $0x0;
	s3 =	srdreg.scid  }
0x5: {  	s14 =	simm.s32 $0x0;
	s7 =	smul.u32 $0x500, s10;
	[smem:$0x7FF] =	sst s2  }
0x6: {  	s11 =	sand.u32 $0x1, s3;
	s3 =	sadd.s32 $0x1AE00, s4;
	p1 =	seq.s32 s10, $0x0  }
0x7: {  	_ =	strace $0x80000047;
	s8 =	ssub.s32 $0x2, s11;
	p0 =	seq.s32 s11, $0x1  }
0x8: {  	s31 =	sor.u32 s11, s10;
	p4 =	sne.s32 s11, $0x0;
	s5 =	sadd.s32 s7, s4  }
0x9: {  	s4 =	sadd.s32 $0x1B400, s4;
	s9 =	sshrl.u32 s8, $0x1;
	p1 =	por !p1, !p0  }
.Ltmp0:
0xa: {  	s6 =	sadd.s32 s6, s7;
	p3 =	sne.s32 s31, $0x0;
	(pc) =	sbr.rel .LBB2_1-.Ltmp0, $4  }
0xb: {  	s8 =	ssub.s32 s8, s9;
	s5 =	sadd.s32 $0x15E00, s5;
	p2 =	por !p1, !p1  }
0xc: {  	p1 =	sne.s32 s10, $0x0;
	s9 =	simm.s32 $0x1;
	s12 =	sshll.u32 @!p3 s10, $0x6  }
0xd: {  	s10 =	simm.s32 $0x80;
	s7 =	smax.u32 s8, $0x1;
	s8 =	simm.s32 $0x2880  }
0xe: {  	v0 =	vimm.f32 $1.000000000e+00;
	v1 =	vimm.f32 $0.0e+00;
	s11 =	sor.u32 @!p3 $0x1C01, s12;
	s12 =	sshrl.u32 @!p3 s1, $0x3;
	s13 =	sshrl.u32 @p2 s1, $0x3  }
.LBB2_12:
0xf: {  	[sflag:s9] =	ssyncset.done $0x0  }
0x10: {  	[sflag:s9] =	ssyncadd.s32 $0xFFFFFF80  }
.LBB2_13:
0x11: {  	[bflag:$0x0] =	sbarrier.arrive $0xFFFF;
	s15 =	simm.s32 @!p3 $0x1  }
0x12: {  	[hbm:s3], [sflag:s11] =	dma.local @!p3 [spmem:s12], $0x500  }
0x13: {  	_ =	swait.ge @!p3 [sflag:s15], $0x500  }
0x14: {  	s14 =	sadd.s32 $0x1, s14;
	[sflag:s15] =	ssyncset.done @!p3 $0x0  }
0x15: {  	p5 =	sne.s32 s14, s7;
	[sflag:s15] =	ssyncadd.s32 @!p3 $0xFFFFFB00;
	s15 =	simm.s32 @p2 $0x1C01  }
0x16: {  	[hbm:s4], [sflag:s15] =	dma.local @p2 [spmem:s13], $0x500  }
.Ltmp1:
0x17: {  	_ = 	snop;
	(pc) =	sbr.rel @!p5 .LBB2_14-.Ltmp1, $4  }
0x18: {  	s15 =	simm.s32 @p2 $0x1  }
0x19: {  	_ =	swait.ge @p2 [sflag:s15], $0x500  }
0x1a: {  	[sflag:s15] =	ssyncset.done @p2 $0x0  }
0x1b: {  	[sflag:s15] =	ssyncadd.s32 @p2 $0xFFFFFB00  }
.LBB2_1:
0x1c: {  	[tilespmem:$0x0] =	vst v0  }
0x1d: {  	[tilespmem:$0x10] =	vst v0  }
0x1e: {  	[tilespmem:$0x20] =	vst v0  }
.Ltmp2:
0x1f: {  	[tilespmem:$0x30] =	vst v0;
	(pc) =	sbr.rel @p1 .LBB2_5-.Ltmp2, $4  }
0x20: {  	[tilespmem:$0x40] =	vst v0  }
0x21: {  	[tilespmem:$0x50] =	vst v0  }
0x22: {  	[tilespmem:$0x60] =	vst v0  }
0x23: {  	[tilespmem:$0x70] =	vst v0  }
0x24: {  	s15 =	simm.s32 $0x40;
	s16 =	simm.s32 $0x0  }
.LBB2_3:
0x25: {  	p5 =	sne.s32 s15, $0x9E00;
	[tilespmem:s16+$0x2880] =	vst v1;
	s16 =	smov.u32 s15;
	s15 =	sadd.s32 $0x40, s15  }
.Ltmp3:
0x26: {  	(pc) =	sbr.rel @p5 .LBB2_3-.Ltmp3, $2  }
0x27: {  	_ =	sdelay $0x2  }
0x28: {  	s16 =	sshra.s32 s16, $0x2  }
0x29: {  	[tilespmem:s16+$0x2880] =	vst v1  }
0x2a: {  	[spmem:s1] =	stream.linear.scatter [tilespmem:s8], [sflag:$0x1], $0x2800, $0x38;
	[tilespmem:$0x5300] =	vst v63  }
0x2b: {  	_ =	swait.ge [sflag:s9], $0x2800  }
0x2c: {  	[sflag:s9] =	ssyncset.done $0x0  }
0x2d: {  	[sflag:s9] =	ssyncadd.s32 $0xFFFFD800  }
.LBB2_5:
.Ltmp4:
0x2e: {  	(pc) =	sbr.rel @p4 .LBB2_9-.Ltmp4, $2  }
0x2f: {  	_ =	sdelay $0x1  }
0x30: {  	[bflag:$0x0] =	sbarrier.arrive $0xFFFF;
	_ =	sdelay $0x1  }
0x31: {  	s15 =	simm.s32 $0x0  }
0x32: {  	[tilespmem:s10], [sflag:$0x1] =	stream.linear.gather [hbm4b:s5+s15], $0x2800, $0x38;
	[tilespmem:$0x5300] =	vst v63  }
0x33: {  	_ =	swait.ge [sflag:s9], $0x2800  }
0x34: {  	[sflag:s9] =	ssyncset.done $0x0  }
0x35: {  	s31 =	simm.s32 $0x80;
	[sflag:s9] =	ssyncadd.s32 $0xFFFFD800  }
0x36: {  	[spmem:s1] =	stream.indirect.scatter.add.f32 [tilespmem:s2], [sflag:$0x1], $0x1, s31, s10, $0xb8;
	[tilespmem:$0x5300] =	vst v63  }
0x37: {  	s15 =	simm.s32 $0x200;
	_ =	swait.ge [sflag:s9], $0x80  }
.LBB2_7:
0x38: {  	s16 =	sshra.s32 s15, $0x2;
	[sflag:s9] =	ssyncset.done $0x0;
	p5 =	sne.s32 s15, $0x9E00  }
.Ltmp5:
0x39: {  	s16 =	sadd.s32 $0x80, s16;
	[sflag:s9] =	ssyncadd.s32 $0xFFFFFF80;
	(pc) =	sbr.rel @p5 .LBB2_7-.Ltmp5, $3  }
0x3a: {  	[spmem:s1] =	stream.indirect.scatter.add.f32 [tilespmem:s2], [sflag:$0x1], $0x1, s16, s10, $0xb8;
	[tilespmem:$0x5300] =	vst v63  }
0x3b: {  	s15 =	sadd.s32 $0x200, s15;
	_ =	sdelay $0x1  }
0x3c: {  	_ =	swait.ge [sflag:s9], $0x80  }
0x3d: {  	[sflag:s9] =	ssyncset.done $0x0  }
0x3e: {  	[sflag:s9] =	ssyncadd.s32 $0xFFFFFF80  }
.LBB2_9:
.Ltmp6:
0x3f: {  	(pc) =	sbr.rel @!p0 .LBB2_13-.Ltmp6, $1  }
0x40: {  	_ =	sdelay $0x3  }
0x41: {  	s15 =	simm.s32 $0x0  }
0x42: {  	[tilespmem:s10], [sflag:$0x1] =	stream.linear.gather [hbm4b:s6+s15], $0x2800, $0x38;
	[tilespmem:$0x5300] =	vst v63  }
0x43: {  	_ =	swait.ge [sflag:s9], $0x2800  }
0x44: {  	[sflag:s9] =	ssyncset.done $0x0  }
0x45: {  	s31 =	simm.s32 $0x80;
	[sflag:s9] =	ssyncadd.s32 $0xFFFFD800  }
0x46: {  	[spmem:s1] =	stream.indirect.scatter.add.f32 [tilespmem:s2], [sflag:$0x1], $0x1, s31, s10, $0xb8;
	[tilespmem:$0x5300] =	vst v63  }
0x47: {  	s15 =	simm.s32 $0x200;
	_ =	swait.ge [sflag:s9], $0x80  }
.LBB2_11:
0x48: {  	s16 =	sshra.s32 s15, $0x2;
	[sflag:s9] =	ssyncset.done $0x0;
	p5 =	sne.s32 s15, $0x9E00  }
.Ltmp7:
0x49: {  	s16 =	sadd.s32 $0x80, s16;
	[sflag:s9] =	ssyncadd.s32 $0xFFFFFF80;
	(pc) =	sbr.rel @p5 .LBB2_11-.Ltmp7, $3  }
0x4a: {  	[spmem:s1] =	stream.indirect.scatter.add.f32 [tilespmem:s2], [sflag:$0x1], $0x1, s16, s10, $0xb8;
	[tilespmem:$0x5300] =	vst v63  }
0x4b: {  	s15 =	sadd.s32 $0x200, s15;
	_ =	sdelay $0x1  }
0x4c: {  	_ =	swait.ge [sflag:s9], $0x80  }
.Ltmp8:
0x4d: {  	_ = 	snop;
	(pc) =	sbr.rel .LBB2_12-.Ltmp8, $1  }
0x4e: {  	_ =	sdelay $0x3  }
.LBB2_14:
0x4f: {  	_ =	sfence.sel $0x180000  }
0x50: {  	[bflag:$0x0] =	sbarrier.arrive $0xFFFF  }
0x51: {  	_ =	strace $0x90000047  }
0x52: {  	s0 =	sadd.s32 @!p1 $0x100000, s0;
	[bflag:$0x2] =	sbarrier.arrive $0xFFFF  }
0x53: {  	[sflag:s0] =	ssyncadd.tile.s32 @!p1 $0x1;
	_ =	shalt  }
.Lfunc_end2:
_tile_overlayer_lowered:
.L_overlay_start_2:
0x54: {  	(tag) =	ssettag $0x2  }
0x55: {  	s0 =	rddreg [dreg:$0x0];
	s2 =	stileid.u32  }
0x56: {  	s1 =	rddreg [dreg:$0x1];
	p0 =	sne.s32 s2, $0x0  }
0x57: {  	s3 =	rddreg [dreg:$0x2];
	[bflag:$0x3] =	sbarrier.arrive $0xFFFF;
	s2 =	simm.s32 @!p0 $0x1C01  }
0x58: {  	[timem:s3], [sflag:s2] =	dma.local @!p0 [hbm:s0], s1  }
0x59: {  	s0 =	simm.s32 @!p0 $0x1  }
0x5a: {  	_ =	swait.ge @!p0 [sflag:s0], s1  }
0x5b: {  	s1 =	ssub.s32 @!p0 $0x0, s1;
	[sflag:s0] =	ssyncset.done @!p0 $0x0  }
0x5c: {  	[sflag:s0] =	ssyncadd.s32 @!p0 s1  }
0x5d: {  	[bflag:$0x3] =	sbarrier.arrive $0xFFFF  }
0x5e: {  	_ =	shalt  }

</sc_bundles>
